<compile_context>
chip_gen: v7x
topology: tpu7x:2x2x1
jax: 0.10.2.dev20260603
libtpu: 0.0.44.dev20260713+nightly
codegen_flags: <defaults>
</compile_context>

<pallas_src>
import jax
import jax.numpy as jnp
from jax import lax
from jax.experimental import pallas as pl
from jax.experimental.pallas import tpu as pltpu
from jax.experimental.pallas import tpu_sc as plsc

NSUB = 16
LANES = 16
ACHUNK = 80
APHASE = 2
CCHUNK = 128
NBUF = 3
PREF = 2


def _ring(nchunks, issue_gather, wait_gather, issue_scat, wait_scat):
    for b in range(PREF):
        issue_gather(b, b)

    def chunk(j, b):
        bn = (b + PREF) % NBUF
        wait_gather(j, b)
        issue_scat(j, b)

        @pl.when(j >= NBUF - PREF)
        def _():
            wait_scat(j - (NBUF - PREF), bn)

        @pl.when(j + PREF < nchunks)
        def _():
            issue_gather(j + PREF, bn)

    def it_body(it, _):
        for k in range(NBUF):
            chunk(it * NBUF + k, k)
        return 0
    lax.fori_loop(0, nchunks // NBUF, it_body, 0)
    for jj in range(nchunks - (NBUF - PREF), nchunks):
        wait_scat(jj, jj % NBUF)


def _sc_edge_pass(n_acc, half, dh):

    def body(xl_hbm, xr_hbm, src_hbm, dst_hbm,
             suml_hbm, sumr_hbm, deg_hbm,
             acc_sh, deg_sh, src_t, dst_t, r0, r1, r2, ones, z1d,
             gsem, asem, dsem):
        cid = lax.axis_index("c")
        sid = lax.axis_index("s")
        rows = [r0, r1, r2]

        def _zrow(i, _):
            def _z16(k, _):
                r0[i, pl.ds(k * LANES, LANES)] = jnp.zeros((LANES,), jnp.float32)
                return 0
            return lax.fori_loop(0, dh // LANES, _z16, 0)
        lax.fori_loop(0, ACHUNK, _zrow, 0)

        def _z1(k, _):
            z1d[pl.ds(k * LANES, LANES)] = jnp.zeros((LANES,), jnp.float32)
            return 0
        lax.fori_loop(0, (n_acc // NSUB) // LANES, _z1, 0)

        def _o1(k, _):
            ones[pl.ds(k * LANES, LANES)] = jnp.ones((LANES,), jnp.float32)
            return 0
        lax.fori_loop(0, ACHUNK // LANES, _o1, 0)

        zrows = n_acc // NSUB
        zrow0 = sid * zrows
        for i in range(zrows // ACHUNK):
            pltpu.sync_copy(r0, acc_sh.at[pl.ds(zrow0 + i * ACHUNK, ACHUNK)])
        zrem = zrows % ACHUNK
        if zrem:
            pltpu.sync_copy(
                r0.at[pl.ds(0, zrem)],
                acc_sh.at[pl.ds(zrow0 + zrows - zrem, zrem)])
        pltpu.sync_copy(z1d, deg_sh.at[pl.ds(zrow0, zrows)])
        plsc.subcore_barrier()

        def edge_loop(xh_hbm, do_deg):
            for ph in range(APHASE):
                tid = sid * APHASE + ph
                pltpu.sync_copy(src_hbm.at[tid], src_t)
                pltpu.sync_copy(dst_hbm.at[tid], dst_t)

                def issue_gather(j, b):
                    pltpu.async_copy(xh_hbm.at[src_t.at[j]], rows[b],
                                     gsem.at[b])

                def wait_gather(j, b):
                    pltpu.make_async_copy(xh_hbm.at[src_t.at[j]], rows[b],
                                          gsem.at[b]).wait()

                def issue_scat(j, b):
                    pltpu.async_copy(rows[b], acc_sh.at[dst_t.at[j]],
                                     asem.at[b], add=True)
                    if do_deg:
                        pltpu.async_copy(ones, deg_sh.at[dst_t.at[j]],
                                         dsem.at[b], add=True)

                def wait_scat(j, b):
                    pltpu.make_async_copy(rows[b], acc_sh.at[dst_t.at[j]],
                                          asem.at[b]).wait()
                    if do_deg:
                        pltpu.make_async_copy(ones, deg_sh.at[dst_t.at[j]],
                                              dsem.at[b]).wait()

                _ring(half, issue_gather, wait_gather, issue_scat, wait_scat)

        pl.when(cid == 0)(lambda: edge_loop(xl_hbm, True))
        pl.when(cid == 1)(lambda: edge_loop(xr_hbm, False))
        plsc.subcore_barrier()

        def wout(out_hbm):
            pltpu.sync_copy(acc_sh.at[pl.ds(zrow0, zrows)],
                            out_hbm.at[pl.ds(zrow0, zrows)])

        pl.when(cid == 0)(lambda: wout(suml_hbm))
        pl.when(cid == 1)(lambda: wout(sumr_hbm))
        pl.when(cid == 0)(lambda: pltpu.sync_copy(
            deg_sh.at[pl.ds(zrow0, zrows)],
            deg_hbm.at[pl.ds(zrow0, zrows)]))

    return body


def _tc_node_pass(xl_ref, xr_ref, sl_ref, sr_ref, deg_ref, w_ref,
                  q_ref, base_ref, invd_ref):
    invd = 1.0 / jnp.maximum(deg_ref[...], 1.0)
    w1l = w_ref[:, 0:128]
    w1r = w_ref[:, 128:256]
    w2l = w_ref[:, 256:384]
    w2r = w_ref[:, 384:512]
    w3l = w_ref[:, 512:640]
    w3r = w_ref[:, 640:768]
    xl = xl_ref[...]
    xr = xr_ref[...]
    ml = sl_ref[...] * invd
    mr = sr_ref[...] * invd
    dl = xl - ml
    dr = xr - mr
    q = (jnp.sum(w2l * dl * dl, axis=1, keepdims=True) +
         jnp.sum(w2r * dr * dr, axis=1, keepdims=True))
    base = (jnp.sum(w1l * ml + w3l * xl, axis=1, keepdims=True) +
            jnp.sum(w1r * mr + w3r * xr, axis=1, keepdims=True))
    q_ref[...] = q
    base_ref[...] = base
    invd_ref[...] = invd


def _sc_scalar_pass(n_acc, cptc):

    def body(q_hbm, src_hbm, dst_hbm, base_hbm, invd_hbm,
             score_hbm, s2_sh, q_sh, src_t, dst_t, v0, v1, v2, z1d,
             sv, bv, iv, gsem, ssem):
        cid = lax.axis_index("c")
        sid = lax.axis_index("s")
        rows_per_tile = n_acc // NSUB
        row0 = sid * rows_per_tile
        vals = [v0, v1, v2]

        @pl.when(cid == 0)
        def _():
            def _z1(k, _):
                z1d[pl.ds(k * LANES, LANES)] = jnp.zeros((LANES,), jnp.float32)
                return 0
            lax.fori_loop(0, rows_per_tile // LANES, _z1, 0)
            pltpu.sync_copy(z1d, s2_sh.at[pl.ds(row0, rows_per_tile)])
            @pl.when(sid == 0)
            def _():
                pltpu.sync_copy(q_hbm, q_sh)
            plsc.subcore_barrier()

            pltpu.sync_copy(src_hbm.at[sid], src_t)
            pltpu.sync_copy(dst_hbm.at[sid], dst_t)

            def issue_gather(j, b):
                pltpu.async_copy(q_sh.at[src_t.at[j]], vals[b], gsem.at[b])

            def wait_gather(j, b):
                pltpu.make_async_copy(q_sh.at[src_t.at[j]], vals[b],
                                      gsem.at[b]).wait()

            def issue_scat(j, b):
                pltpu.async_copy(vals[b], s2_sh.at[dst_t.at[j]], ssem.at[b],
                                 add=True)

            def wait_scat(j, b):
                pltpu.make_async_copy(vals[b], s2_sh.at[dst_t.at[j]],
                                      ssem.at[b]).wait()

            _ring(cptc, issue_gather, wait_gather, issue_scat, wait_scat)
            plsc.subcore_barrier()

            pltpu.sync_copy(s2_sh.at[pl.ds(row0, rows_per_tile)], sv)
            pltpu.sync_copy(base_hbm.at[pl.ds(row0, rows_per_tile)], bv)
            pltpu.sync_copy(invd_hbm.at[pl.ds(row0, rows_per_tile)], iv)

            def _node(k, _):
                sl = pl.ds(k * LANES, LANES)
                z = bv[sl] + sv[sl] * iv[sl]
                sv[sl] = 1.0 / (1.0 + jnp.exp(-z))
                return 0
            lax.fori_loop(0, rows_per_tile // LANES, _node, 0)
            pltpu.sync_copy(sv, score_hbm.at[pl.ds(row0, rows_per_tile)])

    return body


def _pad_edges(src, dst, n, e_pad, chunk):
    e = src.shape[0]
    pad = e_pad - e
    src_p = jnp.concatenate([src, jnp.zeros((pad,), jnp.int32)])
    dst_p = jnp.concatenate(
        [dst, n + (jnp.arange(pad, dtype=jnp.int32) % chunk)])
    return src_p, dst_p


@jax.jit
def kernel(x, edge_index, W):
    n, d = x.shape
    e = edge_index.shape[1]
    dh = d // 2

    half = -(-e // (NSUB * ACHUNK * APHASE * NBUF)) * NBUF
    e_pad_a = NSUB * ACHUNK * APHASE * half
    cptc = -(-e // (NSUB * CCHUNK * NBUF)) * NBUF
    e_pad_c = NSUB * CCHUNK * cptc
    n_acc = -(-(n + CCHUNK) // (NSUB * 128)) * (NSUB * 128)

    src_a, dst_a = _pad_edges(edge_index[0], edge_index[1], n, e_pad_a, ACHUNK)
    src_ra = src_a.reshape(NSUB * APHASE, half, ACHUNK)
    dst_ra = dst_a.reshape(NSUB * APHASE, half, ACHUNK)
    src_c, dst_c = _pad_edges(edge_index[0], edge_index[1], n, e_pad_c, CCHUNK)
    src_rc = src_c.reshape(NSUB, cptc, CCHUNK)
    dst_rc = dst_c.reshape(NSUB, cptc, CCHUNK)
    xl = x[:, :dh]
    xr = x[:, dh:]

    mesh = plsc.VectorSubcoreMesh(core_axis_name="c", subcore_axis_name="s")

    edge_kernel = pl.kernel(
        _sc_edge_pass(n_acc, half, dh),
        out_type=[
            jax.ShapeDtypeStruct((n_acc, dh), jnp.float32),
            jax.ShapeDtypeStruct((n_acc, dh), jnp.float32),
            jax.ShapeDtypeStruct((n_acc,), jnp.float32),
        ],
        mesh=mesh,
        scratch_types=[
            pltpu.MemorySpace.VMEM_SHARED((n_acc, dh), jnp.float32),
            pltpu.MemorySpace.VMEM_SHARED((n_acc,), jnp.float32),
            pltpu.VMEM((half, ACHUNK), jnp.int32),
            pltpu.VMEM((half, ACHUNK), jnp.int32),
            pltpu.VMEM((ACHUNK, dh), jnp.float32),
            pltpu.VMEM((ACHUNK, dh), jnp.float32),
            pltpu.VMEM((ACHUNK, dh), jnp.float32),
            pltpu.VMEM((ACHUNK,), jnp.float32),
            pltpu.VMEM((n_acc // NSUB,), jnp.float32),
            pltpu.SemaphoreType.DMA((NBUF,)),
            pltpu.SemaphoreType.DMA((NBUF,)),
            pltpu.SemaphoreType.DMA((NBUF,)),
        ],
    )
    suml, sumr, deg = edge_kernel(xl, xr, src_ra, dst_ra)

    nb = 400
    grid = n // nb
    q, base, invd = pl.pallas_call(
        _tc_node_pass,
        grid=(grid,),
        in_specs=[
            pl.BlockSpec((nb, dh), lambda i: (i, 0)),
            pl.BlockSpec((nb, dh), lambda i: (i, 0)),
            pl.BlockSpec((nb, dh), lambda i: (i, 0)),
            pl.BlockSpec((nb, dh), lambda i: (i, 0)),
            pl.BlockSpec((nb, 1), lambda i: (i, 0)),
            pl.BlockSpec((1, 3 * d), lambda i: (0, 0)),
        ],
        out_specs=[
            pl.BlockSpec((nb, 1), lambda i: (i, 0)),
            pl.BlockSpec((nb, 1), lambda i: (i, 0)),
            pl.BlockSpec((nb, 1), lambda i: (i, 0)),
        ],
        out_shape=[
            jax.ShapeDtypeStruct((n, 1), jnp.float32),
            jax.ShapeDtypeStruct((n, 1), jnp.float32),
            jax.ShapeDtypeStruct((n, 1), jnp.float32),
        ],
    )(xl, xr, suml, sumr, deg.reshape(n_acc, 1), W)

    zpad = jnp.zeros((n_acc - n,), jnp.float32)
    q_p = jnp.concatenate([q[:, 0], zpad])
    base_p = jnp.concatenate([base[:, 0], zpad])
    invd_p = jnp.concatenate([invd[:, 0], zpad])
    rows_per_tile = n_acc // NSUB
    scalar_kernel = pl.kernel(
        _sc_scalar_pass(n_acc, cptc),
        out_type=jax.ShapeDtypeStruct((n_acc,), jnp.float32),
        mesh=mesh,
        scratch_types=[
            pltpu.MemorySpace.VMEM_SHARED((n_acc,), jnp.float32),
            pltpu.MemorySpace.VMEM_SHARED((n_acc,), jnp.float32),
            pltpu.VMEM((cptc, CCHUNK), jnp.int32),
            pltpu.VMEM((cptc, CCHUNK), jnp.int32),
            pltpu.VMEM((CCHUNK,), jnp.float32),
            pltpu.VMEM((CCHUNK,), jnp.float32),
            pltpu.VMEM((CCHUNK,), jnp.float32),
            pltpu.VMEM((rows_per_tile,), jnp.float32),
            pltpu.VMEM((rows_per_tile,), jnp.float32),
            pltpu.VMEM((rows_per_tile,), jnp.float32),
            pltpu.VMEM((rows_per_tile,), jnp.float32),
            pltpu.SemaphoreType.DMA((NBUF,)),
            pltpu.SemaphoreType.DMA((NBUF,)),
        ],
    )
    score = scalar_kernel(q_p, src_rc, dst_rc, base_p, invd_p)
    return score[:n, None]

# --- scband reference (transcript-rebuilt; emitter-appended) ---
"""Pipeline reference for scband-weight-score-layer-45853070852644 (READ-ONLY COPY).

The authoritative reference and input builder live on the scoring server;
editing this copy changes nothing except your own understanding.
"""

import jax, jax.numpy as jnp
import numpy as np

N = 10000
E = 160000
D = 256

def setup_inputs(seed: int = 0) -> dict:
    key = jax.random.key(seed)
    k1, k2, k3 = jax.random.split(key, 3)
    x = jax.random.normal(k1, (N, D), dtype=jnp.float32)
    edge_index = jax.random.randint(k2, (2, E), 0, N, dtype=jnp.int32)
    # Linear(3*D -> 1, bias=False): weight shape [1, 3*D]
    W = jax.random.normal(k3, (1, 3 * D), dtype=jnp.float32) * (1.0 / np.sqrt(3 * D))
    return {"x": x, "edge_index": edge_index, "W": W}

def reference(x, edge_index, W):
    src = edge_index[0]
    dst = edge_index[1]
    n = x.shape[0]
    ones = jnp.ones((src.shape[0],), dtype=x.dtype)
    deg = jax.ops.segment_sum(ones, dst, num_segments=n)
    denom = jnp.maximum(deg, 1.0)[:, None]
    # spmm(adj, x, 'mean'): mean of neighbor (src) features aggregated at dst
    x_mean = jax.ops.segment_sum(jnp.take(x, src, axis=0), dst, num_segments=n) / denom
    # spmm(adj, (x - x_mean)**2, 'mean')
    diff2 = (x - x_mean) ** 2
    x_std = jax.ops.segment_sum(jnp.take(diff2, src, axis=0), dst, num_segments=n) / denom
    feat = jnp.concatenate([x_mean, x_std, x], axis=-1)
    score = jax.nn.sigmoid(feat @ W.T)
    return score

if __name__ == "__main__":
    import jax
    _d = setup_inputs()
    print(jax.jit(kernel)(*tuple(_d.values())))

</pallas_src>

<mosaic_0001>
#map = affine_map<(d0, d1) -> (0, 0)>
#map1 = affine_map<(d0, d1) -> (0, 0, 0)>
#map2 = affine_map<(d0, d1) -> (0)>
module attributes {stable_mosaic.version = 14 : i64} {
  func.func @body(%arg0: i32, %arg1: i32, %arg2: memref<10000x128xf32, #tpu.memory_space<hbm>>, %arg3: memref<10000x128xf32, #tpu.memory_space<hbm>>, %arg4: memref<32x63x80xi32, #tpu.memory_space<hbm>>, %arg5: memref<32x63x80xi32, #tpu.memory_space<hbm>>, %arg6: memref<10240x128xf32, #tpu.memory_space<hbm>>, %arg7: memref<10240x128xf32, #tpu.memory_space<hbm>>, %arg8: memref<10240xf32, #tpu.memory_space<hbm>>, %arg9: memref<10240x128xf32, #tpu.memory_space<vmem_shared>>, %arg10: memref<10240xf32, #tpu.memory_space<vmem_shared>>, %arg11: memref<63x80xi32, #tpu.memory_space<vmem>>, %arg12: memref<63x80xi32, #tpu.memory_space<vmem>>, %arg13: memref<80x128xf32, #tpu.memory_space<vmem>>, %arg14: memref<80x128xf32, #tpu.memory_space<vmem>>, %arg15: memref<80x128xf32, #tpu.memory_space<vmem>>, %arg16: memref<80xf32, #tpu.memory_space<vmem>>, %arg17: memref<640xf32, #tpu.memory_space<vmem>>, %arg18: memref<3x!tpu.dma_semaphore, #tpu.memory_space<semaphore_mem>>, %arg19: memref<3x!tpu.dma_semaphore, #tpu.memory_space<semaphore_mem>>, %arg20: memref<3x!tpu.dma_semaphore, #tpu.memory_space<semaphore_mem>>) attributes {dimension_semantics = [#tpu.dimension_semantics<core_parallel>, #tpu.dimension_semantics<subcore_parallel>], iteration_bounds = array<i64: 2, 16>, scalar_prefetch = 0 : i64, scratch_operands = 12 : i64, tpu.core_type = #tpu.core_type<sc_vector_subcore>, window_params = [{transform_indices = #map}, {transform_indices = #map}, {transform_indices = #map1}, {transform_indices = #map1}, {transform_indices = #map}, {transform_indices = #map}, {transform_indices = #map2}]} {
    %scan3A = arith.constant 0 : i32
    %scan3A_0 = arith.constant 0 : i32
    %scan3A_1 = arith.constant 80 : i32
    %scan3A_2 = arith.addi %scan3A_0, %scan3A_1 : i32
    %scan3A_3 = arith.constant 1 : i32
    %scan3A_4 = scf.for %scan3A_59 = %scan3A_0 to %scan3A_2 step %scan3A_3 iter_args(%scan3A_60 = %scan3A) -> (i32)  : i32 {
      %scan3A_61 = arith.constant 0 : i32
      %scan3A_62 = arith.constant 0 : i32
      %scan3A_63 = arith.constant 8 : i32
      %scan3A_64 = arith.addi %scan3A_62, %scan3A_63 : i32
      %scan3A_65 = arith.constant 1 : i32
      %scan3A_66 = scf.for %scan3A_68 = %scan3A_62 to %scan3A_64 step %scan3A_65 iter_args(%scan3A_69 = %scan3A_61) -> (i32)  : i32 {
        %broadcast_in_dim3A = arith.constant 0.000000e+00 : f32
        %broadcast_in_dim3A_70 = vector.broadcast %broadcast_in_dim3A : f32 to vector<16xf32>
        %mul3A_71 = arith.constant 16 : i32
        %mul3A_72 = arith.muli %scan3A_68, %mul3A_71 : i32
        %swap3A = arith.index_cast %scan3A_59 : i32 to index
        %swap3A_73 = arith.index_cast %mul3A_72 : i32 to index
        %swap3A_74 = tpu.vector_load %arg13[%swap3A, %swap3A_73] {strides = array<i32>} : memref<80x128xf32, #tpu.memory_space<vmem>>, vector<1x16xf32>,
        %swap3A_75 = vector.shape_cast %swap3A_74 : vector<1x16xf32> to vector<16xf32>
        %swap3A_76 = vector.shape_cast %broadcast_in_dim3A_70 : vector<16xf32> to vector<1x16xf32>
        tpu.vector_store %arg13[%swap3A, %swap3A_73], %swap3A_76 {strides = array<i32>} : memref<80x128xf32, #tpu.memory_space<vmem>>, vector<1x16xf32>,
        %scan3A_77 = arith.constant 0 : i32
        scf.yield %scan3A_77 : i32
      }
      %scan3A_67 = arith.constant 8 : i32
      scf.yield %scan3A_66 : i32
    }
    %scan3A_5 = arith.constant 80 : i32
    %scan3A_6 = arith.constant 0 : i32
    %scan3A_7 = arith.constant 0 : i32
    %scan3A_8 = arith.constant 40 : i32
    %scan3A_9 = arith.addi %scan3A_7, %scan3A_8 : i32
    %scan3A_10 = arith.constant 1 : i32
    %scan3A_11 = scf.for %scan3A_59 = %scan3A_7 to %scan3A_9 step %scan3A_10 iter_args(%scan3A_60 = %scan3A_6) -> (i32)  : i32 {
      %broadcast_in_dim3A = arith.constant 0.000000e+00 : f32
      %broadcast_in_dim3A_61 = vector.broadcast %broadcast_in_dim3A : f32 to vector<16xf32>
      %mul3A_62 = arith.constant 16 : i32
      %mul3A_63 = arith.muli %scan3A_59, %mul3A_62 : i32
      %swap3A = arith.index_cast %mul3A_63 : i32 to index
      %swap3A_64 = tpu.vector_load %arg17[%swap3A] {strides = array<i32>} : memref<640xf32, #tpu.memory_space<vmem>>, vector<16xf32>,
      %swap3A_65 = vector.shape_cast %swap3A_64 : vector<16xf32> to vector<16xf32>
      %swap3A_66 = vector.shape_cast %broadcast_in_dim3A_61 : vector<16xf32> to vector<16xf32>
      tpu.vector_store %arg17[%swap3A], %swap3A_66 {strides = array<i32>} : memref<640xf32, #tpu.memory_space<vmem>>, vector<16xf32>,
      %scan3A_67 = arith.constant 0 : i32
      scf.yield %scan3A_67 : i32
    }
    %scan3A_12 = arith.constant 40 : i32
    %scan3A_13 = arith.constant 0 : i32
    %scan3A_14 = arith.constant 0 : i32
    %scan3A_15 = arith.constant 5 : i32
    %scan3A_16 = arith.addi %scan3A_14, %scan3A_15 : i32
    %scan3A_17 = arith.constant 1 : i32
    %scan3A_18 = scf.for %scan3A_59 = %scan3A_14 to %scan3A_16 step %scan3A_17 iter_args(%scan3A_60 = %scan3A_13) -> (i32)  : i32 {
      %broadcast_in_dim3A = arith.constant 1.000000e+00 : f32
      %broadcast_in_dim3A_61 = vector.broadcast %broadcast_in_dim3A : f32 to vector<16xf32>
      %mul3A_62 = arith.constant 16 : i32
      %mul3A_63 = arith.muli %scan3A_59, %mul3A_62 : i32
      %swap3A = arith.index_cast %mul3A_63 : i32 to index
      %swap3A_64 = tpu.vector_load %arg16[%swap3A] {strides = array<i32>} : memref<80xf32, #tpu.memory_space<vmem>>, vector<16xf32>,
      %swap3A_65 = vector.shape_cast %swap3A_64 : vector<16xf32> to vector<16xf32>
      %swap3A_66 = vector.shape_cast %broadcast_in_dim3A_61 : vector<16xf32> to vector<16xf32>
      tpu.vector_store %arg16[%swap3A], %swap3A_66 {strides = array<i32>} : memref<80xf32, #tpu.memory_space<vmem>>, vector<16xf32>,
      %scan3A_67 = arith.constant 0 : i32
      scf.yield %scan3A_67 : i32
    }
    %scan3A_19 = arith.constant 5 : i32
    %mul3A = arith.constant 640 : i32
    %mul3A_20 = arith.muli %arg1, %mul3A : i32
    %add3A = arith.constant 0 : i32
    %add3A_21 = arith.addi %mul3A_20, %add3A : i32
    "tpu.region"() ({
      %run_scoped3A = tpu.sem_alloc : memref<!tpu.dma_semaphore, #tpu.memory_space<semaphore_mem>>
      %dma_start3A = arith.constant 0 : i32
      %dma_start3A_59 = tpu.memref_slice %arg9[%add3A_21, %dma_start3A] : memref<10240x128xf32, #tpu.memory_space<vmem_shared>> -> memref<80x128xf32, #tpu.memory_space<vmem_shared>>
      %dma_start3A_60 = arith.constant 0 : i32
      %dma_start3A_61 = tpu.memref_slice %arg9[%add3A_21, %dma_start3A_60] : memref<10240x128xf32, #tpu.memory_space<vmem_shared>> -> memref<80x128xf32, #tpu.memory_space<vmem_shared>>
      tpu.enqueue_dma source(%arg13 : memref<80x128xf32, #tpu.memory_space<vmem>>) target(%dma_start3A_61 : memref<80x128xf32, #tpu.memory_space<vmem_shared>>) target_semaphore(%run_scoped3A : memref<!tpu.dma_semaphore, #tpu.memory_space<semaphore_mem>>)
      %dma_wait3A = arith.constant 0 : i32
      %dma_wait3A_62 = tpu.memref_slice %arg9[%add3A_21, %dma_wait3A] : memref<10240x128xf32, #tpu.memory_space<vmem_shared>> -> memref<80x128xf32, #tpu.memory_space<vmem_shared>>
      %dma_wait3A_63 = arith.constant 0 : i32
      %dma_wait3A_64 = tpu.memref_slice %arg9[%add3A_21, %dma_wait3A_63] : memref<10240x128xf32, #tpu.memory_space<vmem_shared>> -> memref<80x128xf32, #tpu.memory_space<vmem_shared>>
      tpu.wait_dma2 semaphore(%run_scoped3A : memref<!tpu.dma_semaphore, #tpu.memory_space<semaphore_mem>>) src(%arg13 : memref<80x128xf32, #tpu.memory_space<vmem>>) dst(%dma_wait3A_64 : memref<80x128xf32, #tpu.memory_space<vmem_shared>>)
      tpu.yield
    }) : () -> ()
    %add3A_22 = arith.constant 80 : i32
    %add3A_23 = arith.addi %mul3A_20, %add3A_22 : i32
    "tpu.region"() ({
      %run_scoped3A = tpu.sem_alloc : memref<!tpu.dma_semaphore, #tpu.memory_space<semaphore_mem>>
      %dma_start3A = arith.constant 0 : i32
      %dma_start3A_59 = tpu.memref_slice %arg9[%add3A_23, %dma_start3A] : memref<10240x128xf32, #tpu.memory_space<vmem_shared>> -> memref<80x128xf32, #tpu.memory_space<vmem_shared>>
      %dma_start3A_60 = arith.constant 0 : i32
      %dma_start3A_61 = tpu.memref_slice %arg9[%add3A_23, %dma_start3A_60] : memref<10240x128xf32, #tpu.memory_space<vmem_shared>> -> memref<80x128xf32, #tpu.memory_space<vmem_shared>>
      tpu.enqueue_dma source(%arg13 : memref<80x128xf32, #tpu.memory_space<vmem>>) target(%dma_start3A_61 : memref<80x128xf32, #tpu.memory_space<vmem_shared>>) target_semaphore(%run_scoped3A : memref<!tpu.dma_semaphore, #tpu.memory_space<semaphore_mem>>)
      %dma_wait3A = arith.constant 0 : i32
      %dma_wait3A_62 = tpu.memref_slice %arg9[%add3A_23, %dma_wait3A] : memref<10240x128xf32, #tpu.memory_space<vmem_shared>> -> memref<80x128xf32, #tpu.memory_space<vmem_shared>>
      %dma_wait3A_63 = arith.constant 0 : i32
      %dma_wait3A_64 = tpu.memref_slice %arg9[%add3A_23, %dma_wait3A_63] : memref<10240x128xf32, #tpu.memory_space<vmem_shared>> -> memref<80x128xf32, #tpu.memory_space<vmem_shared>>
      tpu.wait_dma2 semaphore(%run_scoped3A : memref<!tpu.dma_semaphore, #tpu.memory_space<semaphore_mem>>) src(%arg13 : memref<80x128xf32, #tpu.memory_space<vmem>>) dst(%dma_wait3A_64 : memref<80x128xf32, #tpu.memory_space<vmem_shared>>)
      tpu.yield
    }) : () -> ()
    %add3A_24 = arith.constant 160 : i32
    %add3A_25 = arith.addi %mul3A_20, %add3A_24 : i32
    "tpu.region"() ({
      %run_scoped3A = tpu.sem_alloc : memref<!tpu.dma_semaphore, #tpu.memory_space<semaphore_mem>>
      %dma_start3A = arith.constant 0 : i32
      %dma_start3A_59 = tpu.memref_slice %arg9[%add3A_25, %dma_start3A] : memref<10240x128xf32, #tpu.memory_space<vmem_shared>> -> memref<80x128xf32, #tpu.memory_space<vmem_shared>>
      %dma_start3A_60 = arith.constant 0 : i32
      %dma_start3A_61 = tpu.memref_slice %arg9[%add3A_25, %dma_start3A_60] : memref<10240x128xf32, #tpu.memory_space<vmem_shared>> -> memref<80x128xf32, #tpu.memory_space<vmem_shared>>
      tpu.enqueue_dma source(%arg13 : memref<80x128xf32, #tpu.memory_space<vmem>>) target(%dma_start3A_61 : memref<80x128xf32, #tpu.memory_space<vmem_shared>>) target_semaphore(%run_scoped3A : memref<!tpu.dma_semaphore, #tpu.memory_space<semaphore_mem>>)
      %dma_wait3A = arith.constant 0 : i32
      %dma_wait3A_62 = tpu.memref_slice %arg9[%add3A_25, %dma_wait3A] : memref<10240x128xf32, #tpu.memory_space<vmem_shared>> -> memref<80x128xf32, #tpu.memory_space<vmem_shared>>
      %dma_wait3A_63 = arith.constant 0 : i32
      %dma_wait3A_64 = tpu.memref_slice %arg9[%add3A_25, %dma_wait3A_63] : memref<10240x128xf32, #tpu.memory_space<vmem_shared>> -> memref<80x128xf32, #tpu.memory_space<vmem_shared>>
      tpu.wait_dma2 semaphore(%run_scoped3A : memref<!tpu.dma_semaphore, #tpu.memory_space<semaphore_mem>>) src(%arg13 : memref<80x128xf32, #tpu.memory_space<vmem>>) dst(%dma_wait3A_64 : memref<80x128xf32, #tpu.memory_space<vmem_shared>>)
      tpu.yield
    }) : () -> ()
    %add3A_26 = arith.constant 240 : i32
    %add3A_27 = arith.addi %mul3A_20, %add3A_26 : i32
    "tpu.region"() ({
      %run_scoped3A = tpu.sem_alloc : memref<!tpu.dma_semaphore, #tpu.memory_space<semaphore_mem>>
      %dma_start3A = arith.constant 0 : i32
      %dma_start3A_59 = tpu.memref_slice %arg9[%add3A_27, %dma_start3A] : memref<10240x128xf32, #tpu.memory_space<vmem_shared>> -> memref<80x128xf32, #tpu.memory_space<vmem_shared>>
      %dma_start3A_60 = arith.constant 0 : i32
      %dma_start3A_61 = tpu.memref_slice %arg9[%add3A_27, %dma_start3A_60] : memref<10240x128xf32, #tpu.memory_space<vmem_shared>> -> memref<80x128xf32, #tpu.memory_space<vmem_shared>>
      tpu.enqueue_dma source(%arg13 : memref<80x128xf32, #tpu.memory_space<vmem>>) target(%dma_start3A_61 : memref<80x128xf32, #tpu.memory_space<vmem_shared>>) target_semaphore(%run_scoped3A : memref<!tpu.dma_semaphore, #tpu.memory_space<semaphore_mem>>)
      %dma_wait3A = arith.constant 0 : i32
      %dma_wait3A_62 = tpu.memref_slice %arg9[%add3A_27, %dma_wait3A] : memref<10240x128xf32, #tpu.memory_space<vmem_shared>> -> memref<80x128xf32, #tpu.memory_space<vmem_shared>>
      %dma_wait3A_63 = arith.constant 0 : i32
      %dma_wait3A_64 = tpu.memref_slice %arg9[%add3A_27, %dma_wait3A_63] : memref<10240x128xf32, #tpu.memory_space<vmem_shared>> -> memref<80x128xf32, #tpu.memory_space<vmem_shared>>
      tpu.wait_dma2 semaphore(%run_scoped3A : memref<!tpu.dma_semaphore, #tpu.memory_space<semaphore_mem>>) src(%arg13 : memref<80x128xf32, #tpu.memory_space<vmem>>) dst(%dma_wait3A_64 : memref<80x128xf32, #tpu.memory_space<vmem_shared>>)
      tpu.yield
    }) : () -> ()
    %add3A_28 = arith.constant 320 : i32
    %add3A_29 = arith.addi %mul3A_20, %add3A_28 : i32
    "tpu.region"() ({
      %run_scoped3A = tpu.sem_alloc : memref<!tpu.dma_semaphore, #tpu.memory_space<semaphore_mem>>
      %dma_start3A = arith.constant 0 : i32
      %dma_start3A_59 = tpu.memref_slice %arg9[%add3A_29, %dma_start3A] : memref<10240x128xf32, #tpu.memory_space<vmem_shared>> -> memref<80x128xf32, #tpu.memory_space<vmem_shared>>
      %dma_start3A_60 = arith.constant 0 : i32
      %dma_start3A_61 = tpu.memref_slice %arg9[%add3A_29, %dma_start3A_60] : memref<10240x128xf32, #tpu.memory_space<vmem_shared>> -> memref<80x128xf32, #tpu.memory_space<vmem_shared>>
      tpu.enqueue_dma source(%arg13 : memref<80x128xf32, #tpu.memory_space<vmem>>) target(%dma_start3A_61 : memref<80x128xf32, #tpu.memory_space<vmem_shared>>) target_semaphore(%run_scoped3A : memref<!tpu.dma_semaphore, #tpu.memory_space<semaphore_mem>>)
      %dma_wait3A = arith.constant 0 : i32
      %dma_wait3A_62 = tpu.memref_slice %arg9[%add3A_29, %dma_wait3A] : memref<10240x128xf32, #tpu.memory_space<vmem_shared>> -> memref<80x128xf32, #tpu.memory_space<vmem_shared>>
      %dma_wait3A_63 = arith.constant 0 : i32
      %dma_wait3A_64 = tpu.memref_slice %arg9[%add3A_29, %dma_wait3A_63] : memref<10240x128xf32, #tpu.memory_space<vmem_shared>> -> memref<80x128xf32, #tpu.memory_space<vmem_shared>>
      tpu.wait_dma2 semaphore(%run_scoped3A : memref<!tpu.dma_semaphore, #tpu.memory_space<semaphore_mem>>) src(%arg13 : memref<80x128xf32, #tpu.memory_space<vmem>>) dst(%dma_wait3A_64 : memref<80x128xf32, #tpu.memory_space<vmem_shared>>)
      tpu.yield
    }) : () -> ()
    %add3A_30 = arith.constant 400 : i32
    %add3A_31 = arith.addi %mul3A_20, %add3A_30 : i32
    "tpu.region"() ({
      %run_scoped3A = tpu.sem_alloc : memref<!tpu.dma_semaphore, #tpu.memory_space<semaphore_mem>>
      %dma_start3A = arith.constant 0 : i32
      %dma_start3A_59 = tpu.memref_slice %arg9[%add3A_31, %dma_start3A] : memref<10240x128xf32, #tpu.memory_space<vmem_shared>> -> memref<80x128xf32, #tpu.memory_space<vmem_shared>>
      %dma_start3A_60 = arith.constant 0 : i32
      %dma_start3A_61 = tpu.memref_slice %arg9[%add3A_31, %dma_start3A_60] : memref<10240x128xf32, #tpu.memory_space<vmem_shared>> -> memref<80x128xf32, #tpu.memory_space<vmem_shared>>
      tpu.enqueue_dma source(%arg13 : memref<80x128xf32, #tpu.memory_space<vmem>>) target(%dma_start3A_61 : memref<80x128xf32, #tpu.memory_space<vmem_shared>>) target_semaphore(%run_scoped3A : memref<!tpu.dma_semaphore, #tpu.memory_space<semaphore_mem>>)
      %dma_wait3A = arith.constant 0 : i32
      %dma_wait3A_62 = tpu.memref_slice %arg9[%add3A_31, %dma_wait3A] : memref<10240x128xf32, #tpu.memory_space<vmem_shared>> -> memref<80x128xf32, #tpu.memory_space<vmem_shared>>
      %dma_wait3A_63 = arith.constant 0 : i32
      %dma_wait3A_64 = tpu.memref_slice %arg9[%add3A_31, %dma_wait3A_63] : memref<10240x128xf32, #tpu.memory_space<vmem_shared>> -> memref<80x128xf32, #tpu.memory_space<vmem_shared>>
      tpu.wait_dma2 semaphore(%run_scoped3A : memref<!tpu.dma_semaphore, #tpu.memory_space<semaphore_mem>>) src(%arg13 : memref<80x128xf32, #tpu.memory_space<vmem>>) dst(%dma_wait3A_64 : memref<80x128xf32, #tpu.memory_space<vmem_shared>>)
      tpu.yield
    }) : () -> ()
    %add3A_32 = arith.constant 480 : i32
    %add3A_33 = arith.addi %mul3A_20, %add3A_32 : i32
    "tpu.region"() ({
      %run_scoped3A = tpu.sem_alloc : memref<!tpu.dma_semaphore, #tpu.memory_space<semaphore_mem>>
      %dma_start3A = arith.constant 0 : i32
      %dma_start3A_59 = tpu.memref_slice %arg9[%add3A_33, %dma_start3A] : memref<10240x128xf32, #tpu.memory_space<vmem_shared>> -> memref<80x128xf32, #tpu.memory_space<vmem_shared>>
      %dma_start3A_60 = arith.constant 0 : i32
      %dma_start3A_61 = tpu.memref_slice %arg9[%add3A_33, %dma_start3A_60] : memref<10240x128xf32, #tpu.memory_space<vmem_shared>> -> memref<80x128xf32, #tpu.memory_space<vmem_shared>>
      tpu.enqueue_dma source(%arg13 : memref<80x128xf32, #tpu.memory_space<vmem>>) target(%dma_start3A_61 : memref<80x128xf32, #tpu.memory_space<vmem_shared>>) target_semaphore(%run_scoped3A : memref<!tpu.dma_semaphore, #tpu.memory_space<semaphore_mem>>)
      %dma_wait3A = arith.constant 0 : i32
      %dma_wait3A_62 = tpu.memref_slice %arg9[%add3A_33, %dma_wait3A] : memref<10240x128xf32, #tpu.memory_space<vmem_shared>> -> memref<80x128xf32, #tpu.memory_space<vmem_shared>>
      %dma_wait3A_63 = arith.constant 0 : i32
      %dma_wait3A_64 = tpu.memref_slice %arg9[%add3A_33, %dma_wait3A_63] : memref<10240x128xf32, #tpu.memory_space<vmem_shared>> -> memref<80x128xf32, #tpu.memory_space<vmem_shared>>
      tpu.wait_dma2 semaphore(%run_scoped3A : memref<!tpu.dma_semaphore, #tpu.memory_space<semaphore_mem>>) src(%arg13 : memref<80x128xf32, #tpu.memory_space<vmem>>) dst(%dma_wait3A_64 : memref<80x128xf32, #tpu.memory_space<vmem_shared>>)
      tpu.yield
    }) : () -> ()
    %add3A_34 = arith.constant 560 : i32
    %add3A_35 = arith.addi %mul3A_20, %add3A_34 : i32
    "tpu.region"() ({
      %run_scoped3A = tpu.sem_alloc : memref<!tpu.dma_semaphore, #tpu.memory_space<semaphore_mem>>
      %dma_start3A = arith.constant 0 : i32
      %dma_start3A_59 = tpu.memref_slice %arg9[%add3A_35, %dma_start3A] : memref<10240x128xf32, #tpu.memory_space<vmem_shared>> -> memref<80x128xf32, #tpu.memory_space<vmem_shared>>
      %dma_start3A_60 = arith.constant 0 : i32
      %dma_start3A_61 = tpu.memref_slice %arg9[%add3A_35, %dma_start3A_60] : memref<10240x128xf32, #tpu.memory_space<vmem_shared>> -> memref<80x128xf32, #tpu.memory_space<vmem_shared>>
      tpu.enqueue_dma source(%arg13 : memref<80x128xf32, #tpu.memory_space<vmem>>) target(%dma_start3A_61 : memref<80x128xf32, #tpu.memory_space<vmem_shared>>) target_semaphore(%run_scoped3A : memref<!tpu.dma_semaphore, #tpu.memory_space<semaphore_mem>>)
      %dma_wait3A = arith.constant 0 : i32
      %dma_wait3A_62 = tpu.memref_slice %arg9[%add3A_35, %dma_wait3A] : memref<10240x128xf32, #tpu.memory_space<vmem_shared>> -> memref<80x128xf32, #tpu.memory_space<vmem_shared>>
      %dma_wait3A_63 = arith.constant 0 : i32
      %dma_wait3A_64 = tpu.memref_slice %arg9[%add3A_35, %dma_wait3A_63] : memref<10240x128xf32, #tpu.memory_space<vmem_shared>> -> memref<80x128xf32, #tpu.memory_space<vmem_shared>>
      tpu.wait_dma2 semaphore(%run_scoped3A : memref<!tpu.dma_semaphore, #tpu.memory_space<semaphore_mem>>) src(%arg13 : memref<80x128xf32, #tpu.memory_space<vmem>>) dst(%dma_wait3A_64 : memref<80x128xf32, #tpu.memory_space<vmem_shared>>)
      tpu.yield
    }) : () -> ()
    "tpu.region"() ({
      %run_scoped3A = tpu.sem_alloc : memref<!tpu.dma_semaphore, #tpu.memory_space<semaphore_mem>>
      %dma_start3A = tpu.memref_slice %arg10[%mul3A_20] : memref<10240xf32, #tpu.memory_space<vmem_shared>> -> memref<640xf32, #tpu.memory_space<vmem_shared>>
      %dma_start3A_59 = tpu.memref_slice %arg10[%mul3A_20] : memref<10240xf32, #tpu.memory_space<vmem_shared>> -> memref<640xf32, #tpu.memory_space<vmem_shared>>
      tpu.enqueue_dma source(%arg17 : memref<640xf32, #tpu.memory_space<vmem>>) target(%dma_start3A_59 : memref<640xf32, #tpu.memory_space<vmem_shared>>) target_semaphore(%run_scoped3A : memref<!tpu.dma_semaphore, #tpu.memory_space<semaphore_mem>>)
      %dma_wait3A = tpu.memref_slice %arg10[%mul3A_20] : memref<10240xf32, #tpu.memory_space<vmem_shared>> -> memref<640xf32, #tpu.memory_space<vmem_shared>>
      %dma_wait3A_60 = tpu.memref_slice %arg10[%mul3A_20] : memref<10240xf32, #tpu.memory_space<vmem_shared>> -> memref<640xf32, #tpu.memory_space<vmem_shared>>
      tpu.wait_dma2 semaphore(%run_scoped3A : memref<!tpu.dma_semaphore, #tpu.memory_space<semaphore_mem>>) src(%arg17 : memref<640xf32, #tpu.memory_space<vmem>>) dst(%dma_wait3A_60 : memref<640xf32, #tpu.memory_space<vmem_shared>>)
      tpu.yield
    }) : () -> ()
    %barrier3A = arith.constant 0 : index
    tpu.barrier barrier_id(%barrier3A)
    %eq3A = arith.constant 0 : i32
    %eq3A_36 = arith.cmpi eq, %arg0, %eq3A : i32
    %convert_element_type3A = arith.extui %eq3A_36 : i1 to i32
    %cond3A = arith.constant 0 : i32
    %cond3A_37 = arith.cmpi ne, %convert_element_type3A, %cond3A : i32
    scf.if %cond3A_37 {
      %mul3A_59 = arith.constant 2 : i32
      %mul3A_60 = arith.muli %arg1, %mul3A_59 : i32
      %add3A_61 = arith.constant 0 : i32
      %add3A_62 = arith.addi %mul3A_60, %add3A_61 : i32
      "tpu.region"() ({
        %run_scoped3A = tpu.sem_alloc : memref<!tpu.dma_semaphore, #tpu.memory_space<semaphore_mem>>
        %dma_start3A_157 = arith.constant 0 : i32
        %dma_start3A_158 = arith.constant 0 : i32
        %dma_start3A_159 = tpu.memref_slice %arg4[%add3A_62, %dma_start3A_157, %dma_start3A_158] : memref<32x63x80xi32, #tpu.memory_space<hbm>> -> memref<1x63x80xi32, #tpu.memory_space<hbm>>
        %dma_start3A_160 = tpu.memref_squeeze %dma_start3A_159 : memref<1x63x80xi32, #tpu.memory_space<hbm>> -> memref<63x80xi32, #tpu.memory_space<hbm>>
        %dma_start3A_161 = arith.constant 0 : i32
        %dma_start3A_162 = arith.constant 0 : i32
        %dma_start3A_163 = tpu.memref_slice %arg4[%add3A_62, %dma_start3A_161, %dma_start3A_162] : memref<32x63x80xi32, #tpu.memory_space<hbm>> -> memref<1x63x80xi32, #tpu.memory_space<hbm>>
        %dma_start3A_164 = tpu.memref_squeeze %dma_start3A_163 : memref<1x63x80xi32, #tpu.memory_space<hbm>> -> memref<63x80xi32, #tpu.memory_space<hbm>>
        tpu.enqueue_dma source(%dma_start3A_164 : memref<63x80xi32, #tpu.memory_space<hbm>>) target(%arg11 : memref<63x80xi32, #tpu.memory_space<vmem>>) target_semaphore(%run_scoped3A : memref<!tpu.dma_semaphore, #tpu.memory_space<semaphore_mem>>)
        %dma_wait3A_165 = arith.constant 0 : i32
        %dma_wait3A_166 = arith.constant 0 : i32
        %dma_wait3A_167 = tpu.memref_slice %arg4[%add3A_62, %dma_wait3A_165, %dma_wait3A_166] : memref<32x63x80xi32, #tpu.memory_space<hbm>> -> memref<1x63x80xi32, #tpu.memory_space<hbm>>
        %dma_wait3A_168 = tpu.memref_squeeze %dma_wait3A_167 : memref<1x63x80xi32, #tpu.memory_space<hbm>> -> memref<63x80xi32, #tpu.memory_space<hbm>>
        %dma_wait3A_169 = arith.constant 0 : i32
        %dma_wait3A_170 = arith.constant 0 : i32
        %dma_wait3A_171 = tpu.memref_slice %arg4[%add3A_62, %dma_wait3A_169, %dma_wait3A_170] : memref<32x63x80xi32, #tpu.memory_space<hbm>> -> memref<1x63x80xi32, #tpu.memory_space<hbm>>
        %dma_wait3A_172 = tpu.memref_squeeze %dma_wait3A_171 : memref<1x63x80xi32, #tpu.memory_space<hbm>> -> memref<63x80xi32, #tpu.memory_space<hbm>>
        tpu.wait_dma2 semaphore(%run_scoped3A : memref<!tpu.dma_semaphore, #tpu.memory_space<semaphore_mem>>) src(%dma_wait3A_172 : memref<63x80xi32, #tpu.memory_space<hbm>>) dst(%arg11 : memref<63x80xi32, #tpu.memory_space<vmem>>)
        tpu.yield
      }) : () -> ()
      "tpu.region"() ({
        %run_scoped3A = tpu.sem_alloc : memref<!tpu.dma_semaphore, #tpu.memory_space<semaphore_mem>>
        %dma_start3A_157 = arith.constant 0 : i32
        %dma_start3A_158 = arith.constant 0 : i32
        %dma_start3A_159 = tpu.memref_slice %arg5[%add3A_62, %dma_start3A_157, %dma_start3A_158] : memref<32x63x80xi32, #tpu.memory_space<hbm>> -> memref<1x63x80xi32, #tpu.memory_space<hbm>>
        %dma_start3A_160 = tpu.memref_squeeze %dma_start3A_159 : memref<1x63x80xi32, #tpu.memory_space<hbm>> -> memref<63x80xi32, #tpu.memory_space<hbm>>
        %dma_start3A_161 = arith.constant 0 : i32
        %dma_start3A_162 = arith.constant 0 : i32
        %dma_start3A_163 = tpu.memref_slice %arg5[%add3A_62, %dma_start3A_161, %dma_start3A_162] : memref<32x63x80xi32, #tpu.memory_space<hbm>> -> memref<1x63x80xi32, #tpu.memory_space<hbm>>
        %dma_start3A_164 = tpu.memref_squeeze %dma_start3A_163 : memref<1x63x80xi32, #tpu.memory_space<hbm>> -> memref<63x80xi32, #tpu.memory_space<hbm>>
        tpu.enqueue_dma source(%dma_start3A_164 : memref<63x80xi32, #tpu.memory_space<hbm>>) target(%arg12 : memref<63x80xi32, #tpu.memory_space<vmem>>) target_semaphore(%run_scoped3A : memref<!tpu.dma_semaphore, #tpu.memory_space<semaphore_mem>>)
        %dma_wait3A_165 = arith.constant 0 : i32
        %dma_wait3A_166 = arith.constant 0 : i32
        %dma_wait3A_167 = tpu.memref_slice %arg5[%add3A_62, %dma_wait3A_165, %dma_wait3A_166] : memref<32x63x80xi32, #tpu.memory_space<hbm>> -> memref<1x63x80xi32, #tpu.memory_space<hbm>>
        %dma_wait3A_168 = tpu.memref_squeeze %dma_wait3A_167 : memref<1x63x80xi32, #tpu.memory_space<hbm>> -> memref<63x80xi32, #tpu.memory_space<hbm>>
        %dma_wait3A_169 = arith.constant 0 : i32
        %dma_wait3A_170 = arith.constant 0 : i32
        %dma_wait3A_171 = tpu.memref_slice %arg5[%add3A_62, %dma_wait3A_169, %dma_wait3A_170] : memref<32x63x80xi32, #tpu.memory_space<hbm>> -> memref<1x63x80xi32, #tpu.memory_space<hbm>>
        %dma_wait3A_172 = tpu.memref_squeeze %dma_wait3A_171 : memref<1x63x80xi32, #tpu.memory_space<hbm>> -> memref<63x80xi32, #tpu.memory_space<hbm>>
        tpu.wait_dma2 semaphore(%run_scoped3A : memref<!tpu.dma_semaphore, #tpu.memory_space<semaphore_mem>>) src(%dma_wait3A_172 : memref<63x80xi32, #tpu.memory_space<hbm>>) dst(%arg12 : memref<63x80xi32, #tpu.memory_space<vmem>>)
        tpu.yield
      }) : () -> ()
      %dma_start3A = arith.constant 0 : i32
      %dma_start3A_63 = arith.constant 0 : i32
      %dma_start3A_64 = arith.constant 0 : i32
      %dma_start3A_65 = tpu.memref_slice %arg11[%dma_start3A, %dma_start3A_64] : memref<63x80xi32, #tpu.memory_space<vmem>> -> memref<1x80xi32, #tpu.memory_space<vmem>>
      %dma_start3A_66 = tpu.memref_squeeze %dma_start3A_65 : memref<1x80xi32, #tpu.memory_space<vmem>> -> memref<80xi32, #tpu.memory_space<vmem>>
      %dma_start3A_67 = arith.constant 0 : i32
      %dma_start3A_68 = arith.constant 0 : i32
      %dma_start3A_69 = tpu.memref_slice %arg2[%dma_start3A_67, %dma_start3A_68] : memref<10000x128xf32, #tpu.memory_space<hbm>> -> memref<10000x128xf32, #tpu.memory_space<hbm>>
      %dma_start3A_70 = tpu.memref_slice %arg18[%dma_start3A_63] : memref<3x!tpu.dma_semaphore, #tpu.memory_space<semaphore_mem>> -> memref<1x!tpu.dma_semaphore, #tpu.memory_space<semaphore_mem>>
      %dma_start3A_71 = tpu.memref_squeeze %dma_start3A_70 : memref<1x!tpu.dma_semaphore, #tpu.memory_space<semaphore_mem>> -> memref<!tpu.dma_semaphore, #tpu.memory_space<semaphore_mem>>
      tpu.enqueue_indirect_dma source(%dma_start3A_69 : memref<10000x128xf32, #tpu.memory_space<hbm>>) target(%arg13 : memref<80x128xf32, #tpu.memory_space<vmem>>) offsets(%dma_start3A_66 : memref<80xi32, #tpu.memory_space<vmem>>) semaphore(%dma_start3A_71 : memref<!tpu.dma_semaphore, #tpu.memory_space<semaphore_mem>>)
      %dma_start3A_72 = arith.constant 1 : i32
      %dma_start3A_73 = arith.constant 1 : i32
      %dma_start3A_74 = arith.constant 0 : i32
      %dma_start3A_75 = tpu.memref_slice %arg11[%dma_start3A_72, %dma_start3A_74] : memref<63x80xi32, #tpu.memory_space<vmem>> -> memref<1x80xi32, #tpu.memory_space<vmem>>
      %dma_start3A_76 = tpu.memref_squeeze %dma_start3A_75 : memref<1x80xi32, #tpu.memory_space<vmem>> -> memref<80xi32, #tpu.memory_space<vmem>>
      %dma_start3A_77 = arith.constant 0 : i32
      %dma_start3A_78 = arith.constant 0 : i32
      %dma_start3A_79 = tpu.memref_slice %arg2[%dma_start3A_77, %dma_start3A_78] : memref<10000x128xf32, #tpu.memory_space<hbm>> -> memref<10000x128xf32, #tpu.memory_space<hbm>>
      %dma_start3A_80 = tpu.memref_slice %arg18[%dma_start3A_73] : memref<3x!tpu.dma_semaphore, #tpu.memory_space<semaphore_mem>> -> memref<1x!tpu.dma_semaphore, #tpu.memory_space<semaphore_mem>>
      %dma_start3A_81 = tpu.memref_squeeze %dma_start3A_80 : memref<1x!tpu.dma_semaphore, #tpu.memory_space<semaphore_mem>> -> memref<!tpu.dma_semaphore, #tpu.memory_space<semaphore_mem>>
      tpu.enqueue_indirect_dma source(%dma_start3A_79 : memref<10000x128xf32, #tpu.memory_space<hbm>>) target(%arg14 : memref<80x128xf32, #tpu.memory_space<vmem>>) offsets(%dma_start3A_76 : memref<80xi32, #tpu.memory_space<vmem>>) semaphore(%dma_start3A_81 : memref<!tpu.dma_semaphore, #tpu.memory_space<semaphore_mem>>)
      %scan3A_82 = arith.constant 0 : i32
      %scan3A_83 = arith.constant 0 : i32
      %scan3A_84 = arith.constant 21 : i32
      %scan3A_85 = arith.addi %scan3A_83, %scan3A_84 : i32
      %scan3A_86 = arith.constant 1 : i32
      %scan3A_87 = scf.for %scan3A_157 = %scan3A_83 to %scan3A_85 step %scan3A_86 iter_args(%scan3A_158 = %scan3A_82) -> (i32)  : i32 {
        %mul3A_159 = arith.constant 3 : i32
        %mul3A_160 = arith.muli %scan3A_157, %mul3A_159 : i32
        %add3A_161 = arith.constant 0 : i32
        %add3A_162 = arith.addi %mul3A_160, %add3A_161 : i32
        %dma_wait3A_163 = arith.constant 0 : i32
        %dma_wait3A_164 = arith.constant 0 : i32
        %dma_wait3A_165 = tpu.memref_slice %arg11[%add3A_162, %dma_wait3A_164] : memref<63x80xi32, #tpu.memory_space<vmem>> -> memref<1x80xi32, #tpu.memory_space<vmem>>
        %dma_wait3A_166 = tpu.memref_squeeze %dma_wait3A_165 : memref<1x80xi32, #tpu.memory_space<vmem>> -> memref<80xi32, #tpu.memory_space<vmem>>
        %dma_wait3A_167 = arith.constant 0 : i32
        %dma_wait3A_168 = arith.constant 0 : i32
        %dma_wait3A_169 = tpu.memref_slice %arg2[%dma_wait3A_167, %dma_wait3A_168] : memref<10000x128xf32, #tpu.memory_space<hbm>> -> memref<10000x128xf32, #tpu.memory_space<hbm>>
        %dma_wait3A_170 = tpu.memref_slice %arg18[%dma_wait3A_163] : memref<3x!tpu.dma_semaphore, #tpu.memory_space<semaphore_mem>> -> memref<1x!tpu.dma_semaphore, #tpu.memory_space<semaphore_mem>>
        %dma_wait3A_171 = tpu.memref_squeeze %dma_wait3A_170 : memref<1x!tpu.dma_semaphore, #tpu.memory_space<semaphore_mem>> -> memref<!tpu.dma_semaphore, #tpu.memory_space<semaphore_mem>>
        tpu.wait_indirect_dma semaphore(%dma_wait3A_171 : memref<!tpu.dma_semaphore, #tpu.memory_space<semaphore_mem>>) src(%dma_wait3A_169 : memref<10000x128xf32, #tpu.memory_space<hbm>>) dst(%arg13 : memref<80x128xf32, #tpu.memory_space<vmem>>)
        %dma_start3A_172 = arith.constant 0 : i32
        %dma_start3A_173 = arith.constant 0 : i32
        %dma_start3A_174 = tpu.memref_slice %arg12[%add3A_162, %dma_start3A_173] : memref<63x80xi32, #tpu.memory_space<vmem>> -> memref<1x80xi32, #tpu.memory_space<vmem>>
        %dma_start3A_175 = tpu.memref_squeeze %dma_start3A_174 : memref<1x80xi32, #tpu.memory_space<vmem>> -> memref<80xi32, #tpu.memory_space<vmem>>
        %dma_start3A_176 = arith.constant 0 : i32
        %dma_start3A_177 = arith.constant 0 : i32
        %dma_start3A_178 = tpu.memref_slice %arg9[%dma_start3A_176, %dma_start3A_177] : memref<10240x128xf32, #tpu.memory_space<vmem_shared>> -> memref<10240x128xf32, #tpu.memory_space<vmem_shared>>
        %dma_start3A_179 = tpu.memref_slice %arg19[%dma_start3A_172] : memref<3x!tpu.dma_semaphore, #tpu.memory_space<semaphore_mem>> -> memref<1x!tpu.dma_semaphore, #tpu.memory_space<semaphore_mem>>
        %dma_start3A_180 = tpu.memref_squeeze %dma_start3A_179 : memref<1x!tpu.dma_semaphore, #tpu.memory_space<semaphore_mem>> -> memref<!tpu.dma_semaphore, #tpu.memory_space<semaphore_mem>>
        tpu.enqueue_indirect_dma source(%arg13 : memref<80x128xf32, #tpu.memory_space<vmem>>) target(%dma_start3A_178 : memref<10240x128xf32, #tpu.memory_space<vmem_shared>>) offsets(%dma_start3A_175 : memref<80xi32, #tpu.memory_space<vmem>>) semaphore(%dma_start3A_180 : memref<!tpu.dma_semaphore, #tpu.memory_space<semaphore_mem>>) {add = true}
        %dma_start3A_181 = arith.constant 0 : i32
        %dma_start3A_182 = arith.constant 0 : i32
        %dma_start3A_183 = tpu.memref_slice %arg12[%add3A_162, %dma_start3A_182] : memref<63x80xi32, #tpu.memory_space<vmem>> -> memref<1x80xi32, #tpu.memory_space<vmem>>
        %dma_start3A_184 = tpu.memref_squeeze %dma_start3A_183 : memref<1x80xi32, #tpu.memory_space<vmem>> -> memref<80xi32, #tpu.memory_space<vmem>>
        %dma_start3A_185 = arith.constant 0 : i32
        %dma_start3A_186 = tpu.memref_slice %arg10[%dma_start3A_185] : memref<10240xf32, #tpu.memory_space<vmem_shared>> -> memref<10240xf32, #tpu.memory_space<vmem_shared>>
        %dma_start3A_187 = tpu.memref_slice %arg20[%dma_start3A_181] : memref<3x!tpu.dma_semaphore, #tpu.memory_space<semaphore_mem>> -> memref<1x!tpu.dma_semaphore, #tpu.memory_space<semaphore_mem>>
        %dma_start3A_188 = tpu.memref_squeeze %dma_start3A_187 : memref<1x!tpu.dma_semaphore, #tpu.memory_space<semaphore_mem>> -> memref<!tpu.dma_semaphore, #tpu.memory_space<semaphore_mem>>
        tpu.enqueue_indirect_dma source(%arg16 : memref<80xf32, #tpu.memory_space<vmem>>) target(%dma_start3A_186 : memref<10240xf32, #tpu.memory_space<vmem_shared>>) offsets(%dma_start3A_184 : memref<80xi32, #tpu.memory_space<vmem>>) semaphore(%dma_start3A_188 : memref<!tpu.dma_semaphore, #tpu.memory_space<semaphore_mem>>) {add = true}
        %ge3A = arith.constant 1 : i32
        %ge3A_189 = arith.cmpi sge, %add3A_162, %ge3A : i32
        %convert_element_type3A_190 = arith.extui %ge3A_189 : i1 to i32
        %cond3A_191 = arith.constant 0 : i32
        %cond3A_192 = arith.cmpi ne, %convert_element_type3A_190, %cond3A_191 : i32
        scf.if %cond3A_192 {
          %sub3A = arith.constant 1 : i32
          %sub3A_284 = arith.subi %add3A_162, %sub3A : i32
          %dma_wait3A_285 = arith.constant 2 : i32
          %dma_wait3A_286 = arith.constant 0 : i32
          %dma_wait3A_287 = tpu.memref_slice %arg12[%sub3A_284, %dma_wait3A_286] : memref<63x80xi32, #tpu.memory_space<vmem>> -> memref<1x80xi32, #tpu.memory_space<vmem>>
          %dma_wait3A_288 = tpu.memref_squeeze %dma_wait3A_287 : memref<1x80xi32, #tpu.memory_space<vmem>> -> memref<80xi32, #tpu.memory_space<vmem>>
          %dma_wait3A_289 = arith.constant 0 : i32
          %dma_wait3A_290 = arith.constant 0 : i32
          %dma_wait3A_291 = tpu.memref_slice %arg9[%dma_wait3A_289, %dma_wait3A_290] : memref<10240x128xf32, #tpu.memory_space<vmem_shared>> -> memref<10240x128xf32, #tpu.memory_space<vmem_shared>>
          %dma_wait3A_292 = tpu.memref_slice %arg19[%dma_wait3A_285] : memref<3x!tpu.dma_semaphore, #tpu.memory_space<semaphore_mem>> -> memref<1x!tpu.dma_semaphore, #tpu.memory_space<semaphore_mem>>
          %dma_wait3A_293 = tpu.memref_squeeze %dma_wait3A_292 : memref<1x!tpu.dma_semaphore, #tpu.memory_space<semaphore_mem>> -> memref<!tpu.dma_semaphore, #tpu.memory_space<semaphore_mem>>
          tpu.wait_indirect_dma semaphore(%dma_wait3A_293 : memref<!tpu.dma_semaphore, #tpu.memory_space<semaphore_mem>>) src(%arg15 : memref<80x128xf32, #tpu.memory_space<vmem>>) dst(%dma_wait3A_291 : memref<10240x128xf32, #tpu.memory_space<vmem_shared>>)
          %dma_wait3A_294 = arith.constant 2 : i32
          %dma_wait3A_295 = arith.constant 0 : i32
          %dma_wait3A_296 = tpu.memref_slice %arg12[%sub3A_284, %dma_wait3A_295] : memref<63x80xi32, #tpu.memory_space<vmem>> -> memref<1x80xi32, #tpu.memory_space<vmem>>
          %dma_wait3A_297 = tpu.memref_squeeze %dma_wait3A_296 : memref<1x80xi32, #tpu.memory_space<vmem>> -> memref<80xi32, #tpu.memory_space<vmem>>
          %dma_wait3A_298 = arith.constant 0 : i32
          %dma_wait3A_299 = tpu.memref_slice %arg10[%dma_wait3A_298] : memref<10240xf32, #tpu.memory_space<vmem_shared>> -> memref<10240xf32, #tpu.memory_space<vmem_shared>>
          %dma_wait3A_300 = tpu.memref_slice %arg20[%dma_wait3A_294] : memref<3x!tpu.dma_semaphore, #tpu.memory_space<semaphore_mem>> -> memref<1x!tpu.dma_semaphore, #tpu.memory_space<semaphore_mem>>
          %dma_wait3A_301 = tpu.memref_squeeze %dma_wait3A_300 : memref<1x!tpu.dma_semaphore, #tpu.memory_space<semaphore_mem>> -> memref<!tpu.dma_semaphore, #tpu.memory_space<semaphore_mem>>
          tpu.wait_indirect_dma semaphore(%dma_wait3A_301 : memref<!tpu.dma_semaphore, #tpu.memory_space<semaphore_mem>>) src(%arg16 : memref<80xf32, #tpu.memory_space<vmem>>) dst(%dma_wait3A_299 : memref<10240xf32, #tpu.memory_space<vmem_shared>>)
        } else {
        }
        %add3A_193 = arith.constant 2 : i32
        %add3A_194 = arith.addi %add3A_162, %add3A_193 : i32
        %lt3A = arith.constant 63 : i32
        %lt3A_195 = arith.cmpi slt, %add3A_194, %lt3A : i32
        %convert_element_type3A_196 = arith.extui %lt3A_195 : i1 to i32
        %cond3A_197 = arith.constant 0 : i32
        %cond3A_198 = arith.cmpi ne, %convert_element_type3A_196, %cond3A_197 : i32
        scf.if %cond3A_198 {
          %add3A_284 = arith.constant 2 : i32
          %add3A_285 = arith.addi %add3A_162, %add3A_284 : i32
          %dma_start3A_286 = arith.constant 2 : i32
          %dma_start3A_287 = arith.constant 0 : i32
          %dma_start3A_288 = tpu.memref_slice %arg11[%add3A_285, %dma_start3A_287] : memref<63x80xi32, #tpu.memory_space<vmem>> -> memref<1x80xi32, #tpu.memory_space<vmem>>
          %dma_start3A_289 = tpu.memref_squeeze %dma_start3A_288 : memref<1x80xi32, #tpu.memory_space<vmem>> -> memref<80xi32, #tpu.memory_space<vmem>>
          %dma_start3A_290 = arith.constant 0 : i32
          %dma_start3A_291 = arith.constant 0 : i32
          %dma_start3A_292 = tpu.memref_slice %arg2[%dma_start3A_290, %dma_start3A_291] : memref<10000x128xf32, #tpu.memory_space<hbm>> -> memref<10000x128xf32, #tpu.memory_space<hbm>>
          %dma_start3A_293 = tpu.memref_slice %arg18[%dma_start3A_286] : memref<3x!tpu.dma_semaphore, #tpu.memory_space<semaphore_mem>> -> memref<1x!tpu.dma_semaphore, #tpu.memory_space<semaphore_mem>>
          %dma_start3A_294 = tpu.memref_squeeze %dma_start3A_293 : memref<1x!tpu.dma_semaphore, #tpu.memory_space<semaphore_mem>> -> memref<!tpu.dma_semaphore, #tpu.memory_space<semaphore_mem>>
          tpu.enqueue_indirect_dma source(%dma_start3A_292 : memref<10000x128xf32, #tpu.memory_space<hbm>>) target(%arg15 : memref<80x128xf32, #tpu.memory_space<vmem>>) offsets(%dma_start3A_289 : memref<80xi32, #tpu.memory_space<vmem>>) semaphore(%dma_start3A_294 : memref<!tpu.dma_semaphore, #tpu.memory_space<semaphore_mem>>)
        } else {
        }
        %mul3A_199 = arith.constant 3 : i32
        %mul3A_200 = arith.muli %scan3A_157, %mul3A_199 : i32
        %add3A_201 = arith.constant 1 : i32
        %add3A_202 = arith.addi %mul3A_200, %add3A_201 : i32
        %dma_wait3A_203 = arith.constant 1 : i32
        %dma_wait3A_204 = arith.constant 0 : i32
        %dma_wait3A_205 = tpu.memref_slice %arg11[%add3A_202, %dma_wait3A_204] : memref<63x80xi32, #tpu.memory_space<vmem>> -> memref<1x80xi32, #tpu.memory_space<vmem>>
        %dma_wait3A_206 = tpu.memref_squeeze %dma_wait3A_205 : memref<1x80xi32, #tpu.memory_space<vmem>> -> memref<80xi32, #tpu.memory_space<vmem>>
        %dma_wait3A_207 = arith.constant 0 : i32
        %dma_wait3A_208 = arith.constant 0 : i32
        %dma_wait3A_209 = tpu.memref_slice %arg2[%dma_wait3A_207, %dma_wait3A_208] : memref<10000x128xf32, #tpu.memory_space<hbm>> -> memref<10000x128xf32, #tpu.memory_space<hbm>>
        %dma_wait3A_210 = tpu.memref_slice %arg18[%dma_wait3A_203] : memref<3x!tpu.dma_semaphore, #tpu.memory_space<semaphore_mem>> -> memref<1x!tpu.dma_semaphore, #tpu.memory_space<semaphore_mem>>
        %dma_wait3A_211 = tpu.memref_squeeze %dma_wait3A_210 : memref<1x!tpu.dma_semaphore, #tpu.memory_space<semaphore_mem>> -> memref<!tpu.dma_semaphore, #tpu.memory_space<semaphore_mem>>
        tpu.wait_indirect_dma semaphore(%dma_wait3A_211 : memref<!tpu.dma_semaphore, #tpu.memory_space<semaphore_mem>>) src(%dma_wait3A_209 : memref<10000x128xf32, #tpu.memory_space<hbm>>) dst(%arg14 : memref<80x128xf32, #tpu.memory_space<vmem>>)
        %dma_start3A_212 = arith.constant 1 : i32
        %dma_start3A_213 = arith.constant 0 : i32
        %dma_start3A_214 = tpu.memref_slice %arg12[%add3A_202, %dma_start3A_213] : memref<63x80xi32, #tpu.memory_space<vmem>> -> memref<1x80xi32, #tpu.memory_space<vmem>>
        %dma_start3A_215 = tpu.memref_squeeze %dma_start3A_214 : memref<1x80xi32, #tpu.memory_space<vmem>> -> memref<80xi32, #tpu.memory_space<vmem>>
        %dma_start3A_216 = arith.constant 0 : i32
        %dma_start3A_217 = arith.constant 0 : i32
        %dma_start3A_218 = tpu.memref_slice %arg9[%dma_start3A_216, %dma_start3A_217] : memref<10240x128xf32, #tpu.memory_space<vmem_shared>> -> memref<10240x128xf32, #tpu.memory_space<vmem_shared>>
        %dma_start3A_219 = tpu.memref_slice %arg19[%dma_start3A_212] : memref<3x!tpu.dma_semaphore, #tpu.memory_space<semaphore_mem>> -> memref<1x!tpu.dma_semaphore, #tpu.memory_space<semaphore_mem>>
        %dma_start3A_220 = tpu.memref_squeeze %dma_start3A_219 : memref<1x!tpu.dma_semaphore, #tpu.memory_space<semaphore_mem>> -> memref<!tpu.dma_semaphore, #tpu.memory_space<semaphore_mem>>
        tpu.enqueue_indirect_dma source(%arg14 : memref<80x128xf32, #tpu.memory_space<vmem>>) target(%dma_start3A_218 : memref<10240x128xf32, #tpu.memory_space<vmem_shared>>) offsets(%dma_start3A_215 : memref<80xi32, #tpu.memory_space<vmem>>) semaphore(%dma_start3A_220 : memref<!tpu.dma_semaphore, #tpu.memory_space<semaphore_mem>>) {add = true}
        %dma_start3A_221 = arith.constant 1 : i32
        %dma_start3A_222 = arith.constant 0 : i32
        %dma_start3A_223 = tpu.memref_slice %arg12[%add3A_202, %dma_start3A_222] : memref<63x80xi32, #tpu.memory_space<vmem>> -> memref<1x80xi32, #tpu.memory_space<vmem>>
        %dma_start3A_224 = tpu.memref_squeeze %dma_start3A_223 : memref<1x80xi32, #tpu.memory_space<vmem>> -> memref<80xi32, #tpu.memory_space<vmem>>
        %dma_start3A_225 = arith.constant 0 : i32
        %dma_start3A_226 = tpu.memref_slice %arg10[%dma_start3A_225] : memref<10240xf32, #tpu.memory_space<vmem_shared>> -> memref<10240xf32, #tpu.memory_space<vmem_shared>>
        %dma_start3A_227 = tpu.memref_slice %arg20[%dma_start3A_221] : memref<3x!tpu.dma_semaphore, #tpu.memory_space<semaphore_mem>> -> memref<1x!tpu.dma_semaphore, #tpu.memory_space<semaphore_mem>>
        %dma_start3A_228 = tpu.memref_squeeze %dma_start3A_227 : memref<1x!tpu.dma_semaphore, #tpu.memory_space<semaphore_mem>> -> memref<!tpu.dma_semaphore, #tpu.memory_space<semaphore_mem>>
        tpu.enqueue_indirect_dma source(%arg16 : memref<80xf32, #tpu.memory_space<vmem>>) target(%dma_start3A_226 : memref<10240xf32, #tpu.memory_space<vmem_shared>>) offsets(%dma_start3A_224 : memref<80xi32, #tpu.memory_space<vmem>>) semaphore(%dma_start3A_228 : memref<!tpu.dma_semaphore, #tpu.memory_space<semaphore_mem>>) {add = true}
        %ge3A_229 = arith.constant 1 : i32
        %ge3A_230 = arith.cmpi sge, %add3A_202, %ge3A_229 : i32
        %convert_element_type3A_231 = arith.extui %ge3A_230 : i1 to i32
        %cond3A_232 = arith.constant 0 : i32
        %cond3A_233 = arith.cmpi ne, %convert_element_type3A_231, %cond3A_232 : i32
        scf.if %cond3A_233 {
          %sub3A = arith.constant 1 : i32
          %sub3A_284 = arith.subi %add3A_202, %sub3A : i32
          %dma_wait3A_285 = arith.constant 0 : i32
          %dma_wait3A_286 = arith.constant 0 : i32
          %dma_wait3A_287 = tpu.memref_slice %arg12[%sub3A_284, %dma_wait3A_286] : memref<63x80xi32, #tpu.memory_space<vmem>> -> memref<1x80xi32, #tpu.memory_space<vmem>>
          %dma_wait3A_288 = tpu.memref_squeeze %dma_wait3A_287 : memref<1x80xi32, #tpu.memory_space<vmem>> -> memref<80xi32, #tpu.memory_space<vmem>>
          %dma_wait3A_289 = arith.constant 0 : i32
          %dma_wait3A_290 = arith.constant 0 : i32
          %dma_wait3A_291 = tpu.memref_slice %arg9[%dma_wait3A_289, %dma_wait3A_290] : memref<10240x128xf32, #tpu.memory_space<vmem_shared>> -> memref<10240x128xf32, #tpu.memory_space<vmem_shared>>
          %dma_wait3A_292 = tpu.memref_slice %arg19[%dma_wait3A_285] : memref<3x!tpu.dma_semaphore, #tpu.memory_space<semaphore_mem>> -> memref<1x!tpu.dma_semaphore, #tpu.memory_space<semaphore_mem>>
          %dma_wait3A_293 = tpu.memref_squeeze %dma_wait3A_292 : memref<1x!tpu.dma_semaphore, #tpu.memory_space<semaphore_mem>> -> memref<!tpu.dma_semaphore, #tpu.memory_space<semaphore_mem>>
          tpu.wait_indirect_dma semaphore(%dma_wait3A_293 : memref<!tpu.dma_semaphore, #tpu.memory_space<semaphore_mem>>) src(%arg13 : memref<80x128xf32, #tpu.memory_space<vmem>>) dst(%dma_wait3A_291 : memref<10240x128xf32, #tpu.memory_space<vmem_shared>>)
          %dma_wait3A_294 = arith.constant 0 : i32
          %dma_wait3A_295 = arith.constant 0 : i32
          %dma_wait3A_296 = tpu.memref_slice %arg12[%sub3A_284, %dma_wait3A_295] : memref<63x80xi32, #tpu.memory_space<vmem>> -> memref<1x80xi32, #tpu.memory_space<vmem>>
          %dma_wait3A_297 = tpu.memref_squeeze %dma_wait3A_296 : memref<1x80xi32, #tpu.memory_space<vmem>> -> memref<80xi32, #tpu.memory_space<vmem>>
          %dma_wait3A_298 = arith.constant 0 : i32
          %dma_wait3A_299 = tpu.memref_slice %arg10[%dma_wait3A_298] : memref<10240xf32, #tpu.memory_space<vmem_shared>> -> memref<10240xf32, #tpu.memory_space<vmem_shared>>
          %dma_wait3A_300 = tpu.memref_slice %arg20[%dma_wait3A_294] : memref<3x!tpu.dma_semaphore, #tpu.memory_space<semaphore_mem>> -> memref<1x!tpu.dma_semaphore, #tpu.memory_space<semaphore_mem>>
          %dma_wait3A_301 = tpu.memref_squeeze %dma_wait3A_300 : memref<1x!tpu.dma_semaphore, #tpu.memory_space<semaphore_mem>> -> memref<!tpu.dma_semaphore, #tpu.memory_space<semaphore_mem>>
          tpu.wait_indirect_dma semaphore(%dma_wait3A_301 : memref<!tpu.dma_semaphore, #tpu.memory_space<semaphore_mem>>) src(%arg16 : memref<80xf32, #tpu.memory_space<vmem>>) dst(%dma_wait3A_299 : memref<10240xf32, #tpu.memory_space<vmem_shared>>)
        } else {
        }
        %add3A_234 = arith.constant 2 : i32
        %add3A_235 = arith.addi %add3A_202, %add3A_234 : i32
        %lt3A_236 = arith.constant 63 : i32
        %lt3A_237 = arith.cmpi slt, %add3A_235, %lt3A_236 : i32
        %convert_element_type3A_238 = arith.extui %lt3A_237 : i1 to i32
        %cond3A_239 = arith.constant 0 : i32
        %cond3A_240 = arith.cmpi ne, %convert_element_type3A_238, %cond3A_239 : i32
        scf.if %cond3A_240 {
          %add3A_284 = arith.constant 2 : i32
          %add3A_285 = arith.addi %add3A_202, %add3A_284 : i32
          %dma_start3A_286 = arith.constant 0 : i32
          %dma_start3A_287 = arith.constant 0 : i32
          %dma_start3A_288 = tpu.memref_slice %arg11[%add3A_285, %dma_start3A_287] : memref<63x80xi32, #tpu.memory_space<vmem>> -> memref<1x80xi32, #tpu.memory_space<vmem>>
          %dma_start3A_289 = tpu.memref_squeeze %dma_start3A_288 : memref<1x80xi32, #tpu.memory_space<vmem>> -> memref<80xi32, #tpu.memory_space<vmem>>
          %dma_start3A_290 = arith.constant 0 : i32
          %dma_start3A_291 = arith.constant 0 : i32
          %dma_start3A_292 = tpu.memref_slice %arg2[%dma_start3A_290, %dma_start3A_291] : memref<10000x128xf32, #tpu.memory_space<hbm>> -> memref<10000x128xf32, #tpu.memory_space<hbm>>
          %dma_start3A_293 = tpu.memref_slice %arg18[%dma_start3A_286] : memref<3x!tpu.dma_semaphore, #tpu.memory_space<semaphore_mem>> -> memref<1x!tpu.dma_semaphore, #tpu.memory_space<semaphore_mem>>
          %dma_start3A_294 = tpu.memref_squeeze %dma_start3A_293 : memref<1x!tpu.dma_semaphore, #tpu.memory_space<semaphore_mem>> -> memref<!tpu.dma_semaphore, #tpu.memory_space<semaphore_mem>>
          tpu.enqueue_indirect_dma source(%dma_start3A_292 : memref<10000x128xf32, #tpu.memory_space<hbm>>) target(%arg13 : memref<80x128xf32, #tpu.memory_space<vmem>>) offsets(%dma_start3A_289 : memref<80xi32, #tpu.memory_space<vmem>>) semaphore(%dma_start3A_294 : memref<!tpu.dma_semaphore, #tpu.memory_space<semaphore_mem>>)
        } else {
        }
        %mul3A_241 = arith.constant 3 : i32
        %mul3A_242 = arith.muli %scan3A_157, %mul3A_241 : i32
        %add3A_243 = arith.constant 2 : i32
        %add3A_244 = arith.addi %mul3A_242, %add3A_243 : i32
        %dma_wait3A_245 = arith.constant 2 : i32
        %dma_wait3A_246 = arith.constant 0 : i32
        %dma_wait3A_247 = tpu.memref_slice %arg11[%add3A_244, %dma_wait3A_246] : memref<63x80xi32, #tpu.memory_space<vmem>> -> memref<1x80xi32, #tpu.memory_space<vmem>>
        %dma_wait3A_248 = tpu.memref_squeeze %dma_wait3A_247 : memref<1x80xi32, #tpu.memory_space<vmem>> -> memref<80xi32, #tpu.memory_space<vmem>>
        %dma_wait3A_249 = arith.constant 0 : i32
        %dma_wait3A_250 = arith.constant 0 : i32
        %dma_wait3A_251 = tpu.memref_slice %arg2[%dma_wait3A_249, %dma_wait3A_250] : memref<10000x128xf32, #tpu.memory_space<hbm>> -> memref<10000x128xf32, #tpu.memory_space<hbm>>
        %dma_wait3A_252 = tpu.memref_slice %arg18[%dma_wait3A_245] : memref<3x!tpu.dma_semaphore, #tpu.memory_space<semaphore_mem>> -> memref<1x!tpu.dma_semaphore, #tpu.memory_space<semaphore_mem>>
        %dma_wait3A_253 = tpu.memref_squeeze %dma_wait3A_252 : memref<1x!tpu.dma_semaphore, #tpu.memory_space<semaphore_mem>> -> memref<!tpu.dma_semaphore, #tpu.memory_space<semaphore_mem>>
        tpu.wait_indirect_dma semaphore(%dma_wait3A_253 : memref<!tpu.dma_semaphore, #tpu.memory_space<semaphore_mem>>) src(%dma_wait3A_251 : memref<10000x128xf32, #tpu.memory_space<hbm>>) dst(%arg15 : memref<80x128xf32, #tpu.memory_space<vmem>>)
        %dma_start3A_254 = arith.constant 2 : i32
        %dma_start3A_255 = arith.constant 0 : i32
        %dma_start3A_256 = tpu.memref_slice %arg12[%add3A_244, %dma_start3A_255] : memref<63x80xi32, #tpu.memory_space<vmem>> -> memref<1x80xi32, #tpu.memory_space<vmem>>
        %dma_start3A_257 = tpu.memref_squeeze %dma_start3A_256 : memref<1x80xi32, #tpu.memory_space<vmem>> -> memref<80xi32, #tpu.memory_space<vmem>>
        %dma_start3A_258 = arith.constant 0 : i32
        %dma_start3A_259 = arith.constant 0 : i32
        %dma_start3A_260 = tpu.memref_slice %arg9[%dma_start3A_258, %dma_start3A_259] : memref<10240x128xf32, #tpu.memory_space<vmem_shared>> -> memref<10240x128xf32, #tpu.memory_space<vmem_shared>>
        %dma_start3A_261 = tpu.memref_slice %arg19[%dma_start3A_254] : memref<3x!tpu.dma_semaphore, #tpu.memory_space<semaphore_mem>> -> memref<1x!tpu.dma_semaphore, #tpu.memory_space<semaphore_mem>>
        %dma_start3A_262 = tpu.memref_squeeze %dma_start3A_261 : memref<1x!tpu.dma_semaphore, #tpu.memory_space<semaphore_mem>> -> memref<!tpu.dma_semaphore, #tpu.memory_space<semaphore_mem>>
        tpu.enqueue_indirect_dma source(%arg15 : memref<80x128xf32, #tpu.memory_space<vmem>>) target(%dma_start3A_260 : memref<10240x128xf32, #tpu.memory_space<vmem_shared>>) offsets(%dma_start3A_257 : memref<80xi32, #tpu.memory_space<vmem>>) semaphore(%dma_start3A_262 : memref<!tpu.dma_semaphore, #tpu.memory_space<semaphore_mem>>) {add = true}
        %dma_start3A_263 = arith.constant 2 : i32
        %dma_start3A_264 = arith.constant 0 : i32
        %dma_start3A_265 = tpu.memref_slice %arg12[%add3A_244, %dma_start3A_264] : memref<63x80xi32, #tpu.memory_space<vmem>> -> memref<1x80xi32, #tpu.memory_space<vmem>>
        %dma_start3A_266 = tpu.memref_squeeze %dma_start3A_265 : memref<1x80xi32, #tpu.memory_space<vmem>> -> memref<80xi32, #tpu.memory_space<vmem>>
        %dma_start3A_267 = arith.constant 0 : i32
        %dma_start3A_268 = tpu.memref_slice %arg10[%dma_start3A_267] : memref<10240xf32, #tpu.memory_space<vmem_shared>> -> memref<10240xf32, #tpu.memory_space<vmem_shared>>
        %dma_start3A_269 = tpu.memref_slice %arg20[%dma_start3A_263] : memref<3x!tpu.dma_semaphore, #tpu.memory_space<semaphore_mem>> -> memref<1x!tpu.dma_semaphore, #tpu.memory_space<semaphore_mem>>
        %dma_start3A_270 = tpu.memref_squeeze %dma_start3A_269 : memref<1x!tpu.dma_semaphore, #tpu.memory_space<semaphore_mem>> -> memref<!tpu.dma_semaphore, #tpu.memory_space<semaphore_mem>>
        tpu.enqueue_indirect_dma source(%arg16 : memref<80xf32, #tpu.memory_space<vmem>>) target(%dma_start3A_268 : memref<10240xf32, #tpu.memory_space<vmem_shared>>) offsets(%dma_start3A_266 : memref<80xi32, #tpu.memory_space<vmem>>) semaphore(%dma_start3A_270 : memref<!tpu.dma_semaphore, #tpu.memory_space<semaphore_mem>>) {add = true}
        %ge3A_271 = arith.constant 1 : i32
        %ge3A_272 = arith.cmpi sge, %add3A_244, %ge3A_271 : i32
        %convert_element_type3A_273 = arith.extui %ge3A_272 : i1 to i32
        %cond3A_274 = arith.constant 0 : i32
        %cond3A_275 = arith.cmpi ne, %convert_element_type3A_273, %cond3A_274 : i32
        scf.if %cond3A_275 {
          %sub3A = arith.constant 1 : i32
          %sub3A_284 = arith.subi %add3A_244, %sub3A : i32
          %dma_wait3A_285 = arith.constant 1 : i32
          %dma_wait3A_286 = arith.constant 0 : i32
          %dma_wait3A_287 = tpu.memref_slice %arg12[%sub3A_284, %dma_wait3A_286] : memref<63x80xi32, #tpu.memory_space<vmem>> -> memref<1x80xi32, #tpu.memory_space<vmem>>
          %dma_wait3A_288 = tpu.memref_squeeze %dma_wait3A_287 : memref<1x80xi32, #tpu.memory_space<vmem>> -> memref<80xi32, #tpu.memory_space<vmem>>
          %dma_wait3A_289 = arith.constant 0 : i32
          %dma_wait3A_290 = arith.constant 0 : i32
          %dma_wait3A_291 = tpu.memref_slice %arg9[%dma_wait3A_289, %dma_wait3A_290] : memref<10240x128xf32, #tpu.memory_space<vmem_shared>> -> memref<10240x128xf32, #tpu.memory_space<vmem_shared>>
          %dma_wait3A_292 = tpu.memref_slice %arg19[%dma_wait3A_285] : memref<3x!tpu.dma_semaphore, #tpu.memory_space<semaphore_mem>> -> memref<1x!tpu.dma_semaphore, #tpu.memory_space<semaphore_mem>>
          %dma_wait3A_293 = tpu.memref_squeeze %dma_wait3A_292 : memref<1x!tpu.dma_semaphore, #tpu.memory_space<semaphore_mem>> -> memref<!tpu.dma_semaphore, #tpu.memory_space<semaphore_mem>>
          tpu.wait_indirect_dma semaphore(%dma_wait3A_293 : memref<!tpu.dma_semaphore, #tpu.memory_space<semaphore_mem>>) src(%arg14 : memref<80x128xf32, #tpu.memory_space<vmem>>) dst(%dma_wait3A_291 : memref<10240x128xf32, #tpu.memory_space<vmem_shared>>)
          %dma_wait3A_294 = arith.constant 1 : i32
          %dma_wait3A_295 = arith.constant 0 : i32
          %dma_wait3A_296 = tpu.memref_slice %arg12[%sub3A_284, %dma_wait3A_295] : memref<63x80xi32, #tpu.memory_space<vmem>> -> memref<1x80xi32, #tpu.memory_space<vmem>>
          %dma_wait3A_297 = tpu.memref_squeeze %dma_wait3A_296 : memref<1x80xi32, #tpu.memory_space<vmem>> -> memref<80xi32, #tpu.memory_space<vmem>>
          %dma_wait3A_298 = arith.constant 0 : i32
          %dma_wait3A_299 = tpu.memref_slice %arg10[%dma_wait3A_298] : memref<10240xf32, #tpu.memory_space<vmem_shared>> -> memref<10240xf32, #tpu.memory_space<vmem_shared>>
          %dma_wait3A_300 = tpu.memref_slice %arg20[%dma_wait3A_294] : memref<3x!tpu.dma_semaphore, #tpu.memory_space<semaphore_mem>> -> memref<1x!tpu.dma_semaphore, #tpu.memory_space<semaphore_mem>>
          %dma_wait3A_301 = tpu.memref_squeeze %dma_wait3A_300 : memref<1x!tpu.dma_semaphore, #tpu.memory_space<semaphore_mem>> -> memref<!tpu.dma_semaphore, #tpu.memory_space<semaphore_mem>>
          tpu.wait_indirect_dma semaphore(%dma_wait3A_301 : memref<!tpu.dma_semaphore, #tpu.memory_space<semaphore_mem>>) src(%arg16 : memref<80xf32, #tpu.memory_space<vmem>>) dst(%dma_wait3A_299 : memref<10240xf32, #tpu.memory_space<vmem_shared>>)
        } else {
        }
        %add3A_276 = arith.constant 2 : i32
        %add3A_277 = arith.addi %add3A_244, %add3A_276 : i32
        %lt3A_278 = arith.constant 63 : i32
        %lt3A_279 = arith.cmpi slt, %add3A_277, %lt3A_278 : i32
        %convert_element_type3A_280 = arith.extui %lt3A_279 : i1 to i32
        %cond3A_281 = arith.constant 0 : i32
        %cond3A_282 = arith.cmpi ne, %convert_element_type3A_280, %cond3A_281 : i32
        scf.if %cond3A_282 {
          %add3A_284 = arith.constant 2 : i32
          %add3A_285 = arith.addi %add3A_244, %add3A_284 : i32
          %dma_start3A_286 = arith.constant 1 : i32
          %dma_start3A_287 = arith.constant 0 : i32
          %dma_start3A_288 = tpu.memref_slice %arg11[%add3A_285, %dma_start3A_287] : memref<63x80xi32, #tpu.memory_space<vmem>> -> memref<1x80xi32, #tpu.memory_space<vmem>>
          %dma_start3A_289 = tpu.memref_squeeze %dma_start3A_288 : memref<1x80xi32, #tpu.memory_space<vmem>> -> memref<80xi32, #tpu.memory_space<vmem>>
          %dma_start3A_290 = arith.constant 0 : i32
          %dma_start3A_291 = arith.constant 0 : i32
          %dma_start3A_292 = tpu.memref_slice %arg2[%dma_start3A_290, %dma_start3A_291] : memref<10000x128xf32, #tpu.memory_space<hbm>> -> memref<10000x128xf32, #tpu.memory_space<hbm>>
          %dma_start3A_293 = tpu.memref_slice %arg18[%dma_start3A_286] : memref<3x!tpu.dma_semaphore, #tpu.memory_space<semaphore_mem>> -> memref<1x!tpu.dma_semaphore, #tpu.memory_space<semaphore_mem>>
          %dma_start3A_294 = tpu.memref_squeeze %dma_start3A_293 : memref<1x!tpu.dma_semaphore, #tpu.memory_space<semaphore_mem>> -> memref<!tpu.dma_semaphore, #tpu.memory_space<semaphore_mem>>
          tpu.enqueue_indirect_dma source(%dma_start3A_292 : memref<10000x128xf32, #tpu.memory_space<hbm>>) target(%arg14 : memref<80x128xf32, #tpu.memory_space<vmem>>) offsets(%dma_start3A_289 : memref<80xi32, #tpu.memory_space<vmem>>) semaphore(%dma_start3A_294 : memref<!tpu.dma_semaphore, #tpu.memory_space<semaphore_mem>>)
        } else {
        }
        %scan3A_283 = arith.constant 0 : i32
        scf.yield %scan3A_283 : i32
      }
      %scan3A_88 = arith.constant 21 : i32
      %dma_wait3A = arith.constant 62 : i32
      %dma_wait3A_89 = arith.constant 2 : i32
      %dma_wait3A_90 = arith.constant 0 : i32
      %dma_wait3A_91 = tpu.memref_slice %arg12[%dma_wait3A, %dma_wait3A_90] : memref<63x80xi32, #tpu.memory_space<vmem>> -> memref<1x80xi32, #tpu.memory_space<vmem>>
      %dma_wait3A_92 = tpu.memref_squeeze %dma_wait3A_91 : memref<1x80xi32, #tpu.memory_space<vmem>> -> memref<80xi32, #tpu.memory_space<vmem>>
      %dma_wait3A_93 = arith.constant 0 : i32
      %dma_wait3A_94 = arith.constant 0 : i32
      %dma_wait3A_95 = tpu.memref_slice %arg9[%dma_wait3A_93, %dma_wait3A_94] : memref<10240x128xf32, #tpu.memory_space<vmem_shared>> -> memref<10240x128xf32, #tpu.memory_space<vmem_shared>>
      %dma_wait3A_96 = tpu.memref_slice %arg19[%dma_wait3A_89] : memref<3x!tpu.dma_semaphore, #tpu.memory_space<semaphore_mem>> -> memref<1x!tpu.dma_semaphore, #tpu.memory_space<semaphore_mem>>
      %dma_wait3A_97 = tpu.memref_squeeze %dma_wait3A_96 : memref<1x!tpu.dma_semaphore, #tpu.memory_space<semaphore_mem>> -> memref<!tpu.dma_semaphore, #tpu.memory_space<semaphore_mem>>
      tpu.wait_indirect_dma semaphore(%dma_wait3A_97 : memref<!tpu.dma_semaphore, #tpu.memory_space<semaphore_mem>>) src(%arg15 : memref<80x128xf32, #tpu.memory_space<vmem>>) dst(%dma_wait3A_95 : memref<10240x128xf32, #tpu.memory_space<vmem_shared>>)
      %dma_wait3A_98 = arith.constant 62 : i32
      %dma_wait3A_99 = arith.constant 2 : i32
      %dma_wait3A_100 = arith.constant 0 : i32
      %dma_wait3A_101 = tpu.memref_slice %arg12[%dma_wait3A_98, %dma_wait3A_100] : memref<63x80xi32, #tpu.memory_space<vmem>> -> memref<1x80xi32, #tpu.memory_space<vmem>>
      %dma_wait3A_102 = tpu.memref_squeeze %dma_wait3A_101 : memref<1x80xi32, #tpu.memory_space<vmem>> -> memref<80xi32, #tpu.memory_space<vmem>>
      %dma_wait3A_103 = arith.constant 0 : i32
      %dma_wait3A_104 = tpu.memref_slice %arg10[%dma_wait3A_103] : memref<10240xf32, #tpu.memory_space<vmem_shared>> -> memref<10240xf32, #tpu.memory_space<vmem_shared>>
      %dma_wait3A_105 = tpu.memref_slice %arg20[%dma_wait3A_99] : memref<3x!tpu.dma_semaphore, #tpu.memory_space<semaphore_mem>> -> memref<1x!tpu.dma_semaphore, #tpu.memory_space<semaphore_mem>>
      %dma_wait3A_106 = tpu.memref_squeeze %dma_wait3A_105 : memref<1x!tpu.dma_semaphore, #tpu.memory_space<semaphore_mem>> -> memref<!tpu.dma_semaphore, #tpu.memory_space<semaphore_mem>>
      tpu.wait_indirect_dma semaphore(%dma_wait3A_106 : memref<!tpu.dma_semaphore, #tpu.memory_space<semaphore_mem>>) src(%arg16 : memref<80xf32, #tpu.memory_space<vmem>>) dst(%dma_wait3A_104 : memref<10240xf32, #tpu.memory_space<vmem_shared>>)
      %mul3A_107 = arith.constant 2 : i32
      %mul3A_108 = arith.muli %arg1, %mul3A_107 : i32
      %add3A_109 = arith.constant 1 : i32
      %add3A_110 = arith.addi %mul3A_108, %add3A_109 : i32
      "tpu.region"() ({
        %run_scoped3A = tpu.sem_alloc : memref<!tpu.dma_semaphore, #tpu.memory_space<semaphore_mem>>
        %dma_start3A_157 = arith.constant 0 : i32
        %dma_start3A_158 = arith.constant 0 : i32
        %dma_start3A_159 = tpu.memref_slice %arg4[%add3A_110, %dma_start3A_157, %dma_start3A_158] : memref<32x63x80xi32, #tpu.memory_space<hbm>> -> memref<1x63x80xi32, #tpu.memory_space<hbm>>
        %dma_start3A_160 = tpu.memref_squeeze %dma_start3A_159 : memref<1x63x80xi32, #tpu.memory_space<hbm>> -> memref<63x80xi32, #tpu.memory_space<hbm>>
        %dma_start3A_161 = arith.constant 0 : i32
        %dma_start3A_162 = arith.constant 0 : i32
        %dma_start3A_163 = tpu.memref_slice %arg4[%add3A_110, %dma_start3A_161, %dma_start3A_162] : memref<32x63x80xi32, #tpu.memory_space<hbm>> -> memref<1x63x80xi32, #tpu.memory_space<hbm>>
        %dma_start3A_164 = tpu.memref_squeeze %dma_start3A_163 : memref<1x63x80xi32, #tpu.memory_space<hbm>> -> memref<63x80xi32, #tpu.memory_space<hbm>>
        tpu.enqueue_dma source(%dma_start3A_164 : memref<63x80xi32, #tpu.memory_space<hbm>>) target(%arg11 : memref<63x80xi32, #tpu.memory_space<vmem>>) target_semaphore(%run_scoped3A : memref<!tpu.dma_semaphore, #tpu.memory_space<semaphore_mem>>)
        %dma_wait3A_165 = arith.constant 0 : i32
        %dma_wait3A_166 = arith.constant 0 : i32
        %dma_wait3A_167 = tpu.memref_slice %arg4[%add3A_110, %dma_wait3A_165, %dma_wait3A_166] : memref<32x63x80xi32, #tpu.memory_space<hbm>> -> memref<1x63x80xi32, #tpu.memory_space<hbm>>
        %dma_wait3A_168 = tpu.memref_squeeze %dma_wait3A_167 : memref<1x63x80xi32, #tpu.memory_space<hbm>> -> memref<63x80xi32, #tpu.memory_space<hbm>>
        %dma_wait3A_169 = arith.constant 0 : i32
        %dma_wait3A_170 = arith.constant 0 : i32
        %dma_wait3A_171 = tpu.memref_slice %arg4[%add3A_110, %dma_wait3A_169, %dma_wait3A_170] : memref<32x63x80xi32, #tpu.memory_space<hbm>> -> memref<1x63x80xi32, #tpu.memory_space<hbm>>
        %dma_wait3A_172 = tpu.memref_squeeze %dma_wait3A_171 : memref<1x63x80xi32, #tpu.memory_space<hbm>> -> memref<63x80xi32, #tpu.memory_space<hbm>>
        tpu.wait_dma2 semaphore(%run_scoped3A : memref<!tpu.dma_semaphore, #tpu.memory_space<semaphore_mem>>) src(%dma_wait3A_172 : memref<63x80xi32, #tpu.memory_space<hbm>>) dst(%arg11 : memref<63x80xi32, #tpu.memory_space<vmem>>)
        tpu.yield
      }) : () -> ()
      "tpu.region"() ({
        %run_scoped3A = tpu.sem_alloc : memref<!tpu.dma_semaphore, #tpu.memory_space<semaphore_mem>>
        %dma_start3A_157 = arith.constant 0 : i32
        %dma_start3A_158 = arith.constant 0 : i32
        %dma_start3A_159 = tpu.memref_slice %arg5[%add3A_110, %dma_start3A_157, %dma_start3A_158] : memref<32x63x80xi32, #tpu.memory_space<hbm>> -> memref<1x63x80xi32, #tpu.memory_space<hbm>>
        %dma_start3A_160 = tpu.memref_squeeze %dma_start3A_159 : memref<1x63x80xi32, #tpu.memory_space<hbm>> -> memref<63x80xi32, #tpu.memory_space<hbm>>
        %dma_start3A_161 = arith.constant 0 : i32
        %dma_start3A_162 = arith.constant 0 : i32
        %dma_start3A_163 = tpu.memref_slice %arg5[%add3A_110, %dma_start3A_161, %dma_start3A_162] : memref<32x63x80xi32, #tpu.memory_space<hbm>> -> memref<1x63x80xi32, #tpu.memory_space<hbm>>
        %dma_start3A_164 = tpu.memref_squeeze %dma_start3A_163 : memref<1x63x80xi32, #tpu.memory_space<hbm>> -> memref<63x80xi32, #tpu.memory_space<hbm>>
        tpu.enqueue_dma source(%dma_start3A_164 : memref<63x80xi32, #tpu.memory_space<hbm>>) target(%arg12 : memref<63x80xi32, #tpu.memory_space<vmem>>) target_semaphore(%run_scoped3A : memref<!tpu.dma_semaphore, #tpu.memory_space<semaphore_mem>>)
        %dma_wait3A_165 = arith.constant 0 : i32
        %dma_wait3A_166 = arith.constant 0 : i32
        %dma_wait3A_167 = tpu.memref_slice %arg5[%add3A_110, %dma_wait3A_165, %dma_wait3A_166] : memref<32x63x80xi32, #tpu.memory_space<hbm>> -> memref<1x63x80xi32, #tpu.memory_space<hbm>>
        %dma_wait3A_168 = tpu.memref_squeeze %dma_wait3A_167 : memref<1x63x80xi32, #tpu.memory_space<hbm>> -> memref<63x80xi32, #tpu.memory_space<hbm>>
        %dma_wait3A_169 = arith.constant 0 : i32
        %dma_wait3A_170 = arith.constant 0 : i32
        %dma_wait3A_171 = tpu.memref_slice %arg5[%add3A_110, %dma_wait3A_169, %dma_wait3A_170] : memref<32x63x80xi32, #tpu.memory_space<hbm>> -> memref<1x63x80xi32, #tpu.memory_space<hbm>>
        %dma_wait3A_172 = tpu.memref_squeeze %dma_wait3A_171 : memref<1x63x80xi32, #tpu.memory_space<hbm>> -> memref<63x80xi32, #tpu.memory_space<hbm>>
        tpu.wait_dma2 semaphore(%run_scoped3A : memref<!tpu.dma_semaphore, #tpu.memory_space<semaphore_mem>>) src(%dma_wait3A_172 : memref<63x80xi32, #tpu.memory_space<hbm>>) dst(%arg12 : memref<63x80xi32, #tpu.memory_space<vmem>>)
        tpu.yield
      }) : () -> ()
      %dma_start3A_111 = arith.constant 0 : i32
      %dma_start3A_112 = arith.constant 0 : i32
      %dma_start3A_113 = arith.constant 0 : i32
      %dma_start3A_114 = tpu.memref_slice %arg11[%dma_start3A_111, %dma_start3A_113] : memref<63x80xi32, #tpu.memory_space<vmem>> -> memref<1x80xi32, #tpu.memory_space<vmem>>
      %dma_start3A_115 = tpu.memref_squeeze %dma_start3A_114 : memref<1x80xi32, #tpu.memory_space<vmem>> -> memref<80xi32, #tpu.memory_space<vmem>>
      %dma_start3A_116 = arith.constant 0 : i32
      %dma_start3A_117 = arith.constant 0 : i32
      %dma_start3A_118 = tpu.memref_slice %arg2[%dma_start3A_116, %dma_start3A_117] : memref<10000x128xf32, #tpu.memory_space<hbm>> -> memref<10000x128xf32, #tpu.memory_space<hbm>>
      %dma_start3A_119 = tpu.memref_slice %arg18[%dma_start3A_112] : memref<3x!tpu.dma_semaphore, #tpu.memory_space<semaphore_mem>> -> memref<1x!tpu.dma_semaphore, #tpu.memory_space<semaphore_mem>>
      %dma_start3A_120 = tpu.memref_squeeze %dma_start3A_119 : memref<1x!tpu.dma_semaphore, #tpu.memory_space<semaphore_mem>> -> memref<!tpu.dma_semaphore, #tpu.memory_space<semaphore_mem>>
      tpu.enqueue_indirect_dma source(%dma_start3A_118 : memref<10000x128xf32, #tpu.memory_space<hbm>>) target(%arg13 : memref<80x128xf32, #tpu.memory_space<vmem>>) offsets(%dma_start3A_115 : memref<80xi32, #tpu.memory_space<vmem>>) semaphore(%dma_start3A_120 : memref<!tpu.dma_semaphore, #tpu.memory_space<semaphore_mem>>)
      %dma_start3A_121 = arith.constant 1 : i32
      %dma_start3A_122 = arith.constant 1 : i32
      %dma_start3A_123 = arith.constant 0 : i32
      %dma_start3A_124 = tpu.memref_slice %arg11[%dma_start3A_121, %dma_start3A_123] : memref<63x80xi32, #tpu.memory_space<vmem>> -> memref<1x80xi32, #tpu.memory_space<vmem>>
      %dma_start3A_125 = tpu.memref_squeeze %dma_start3A_124 : memref<1x80xi32, #tpu.memory_space<vmem>> -> memref<80xi32, #tpu.memory_space<vmem>>
      %dma_start3A_126 = arith.constant 0 : i32
      %dma_start3A_127 = arith.constant 0 : i32
      %dma_start3A_128 = tpu.memref_slice %arg2[%dma_start3A_126, %dma_start3A_127] : memref<10000x128xf32, #tpu.memory_space<hbm>> -> memref<10000x128xf32, #tpu.memory_space<hbm>>
      %dma_start3A_129 = tpu.memref_slice %arg18[%dma_start3A_122] : memref<3x!tpu.dma_semaphore, #tpu.memory_space<semaphore_mem>> -> memref<1x!tpu.dma_semaphore, #tpu.memory_space<semaphore_mem>>
      %dma_start3A_130 = tpu.memref_squeeze %dma_start3A_129 : memref<1x!tpu.dma_semaphore, #tpu.memory_space<semaphore_mem>> -> memref<!tpu.dma_semaphore, #tpu.memory_space<semaphore_mem>>
      tpu.enqueue_indirect_dma source(%dma_start3A_128 : memref<10000x128xf32, #tpu.memory_space<hbm>>) target(%arg14 : memref<80x128xf32, #tpu.memory_space<vmem>>) offsets(%dma_start3A_125 : memref<80xi32, #tpu.memory_space<vmem>>) semaphore(%dma_start3A_130 : memref<!tpu.dma_semaphore, #tpu.memory_space<semaphore_mem>>)
      %scan3A_131 = arith.constant 0 : i32
      %scan3A_132 = arith.constant 0 : i32
      %scan3A_133 = arith.constant 21 : i32
      %scan3A_134 = arith.addi %scan3A_132, %scan3A_133 : i32
      %scan3A_135 = arith.constant 1 : i32
      %scan3A_136 = scf.for %scan3A_157 = %scan3A_132 to %scan3A_134 step %scan3A_135 iter_args(%scan3A_158 = %scan3A_131) -> (i32)  : i32 {
        %mul3A_159 = arith.constant 3 : i32
        %mul3A_160 = arith.muli %scan3A_157, %mul3A_159 : i32
        %add3A_161 = arith.constant 0 : i32
        %add3A_162 = arith.addi %mul3A_160, %add3A_161 : i32
        %dma_wait3A_163 = arith.constant 0 : i32
        %dma_wait3A_164 = arith.constant 0 : i32
        %dma_wait3A_165 = tpu.memref_slice %arg11[%add3A_162, %dma_wait3A_164] : memref<63x80xi32, #tpu.memory_space<vmem>> -> memref<1x80xi32, #tpu.memory_space<vmem>>
        %dma_wait3A_166 = tpu.memref_squeeze %dma_wait3A_165 : memref<1x80xi32, #tpu.memory_space<vmem>> -> memref<80xi32, #tpu.memory_space<vmem>>
        %dma_wait3A_167 = arith.constant 0 : i32
        %dma_wait3A_168 = arith.constant 0 : i32
        %dma_wait3A_169 = tpu.memref_slice %arg2[%dma_wait3A_167, %dma_wait3A_168] : memref<10000x128xf32, #tpu.memory_space<hbm>> -> memref<10000x128xf32, #tpu.memory_space<hbm>>
        %dma_wait3A_170 = tpu.memref_slice %arg18[%dma_wait3A_163] : memref<3x!tpu.dma_semaphore, #tpu.memory_space<semaphore_mem>> -> memref<1x!tpu.dma_semaphore, #tpu.memory_space<semaphore_mem>>
        %dma_wait3A_171 = tpu.memref_squeeze %dma_wait3A_170 : memref<1x!tpu.dma_semaphore, #tpu.memory_space<semaphore_mem>> -> memref<!tpu.dma_semaphore, #tpu.memory_space<semaphore_mem>>
        tpu.wait_indirect_dma semaphore(%dma_wait3A_171 : memref<!tpu.dma_semaphore, #tpu.memory_space<semaphore_mem>>) src(%dma_wait3A_169 : memref<10000x128xf32, #tpu.memory_space<hbm>>) dst(%arg13 : memref<80x128xf32, #tpu.memory_space<vmem>>)
        %dma_start3A_172 = arith.constant 0 : i32
        %dma_start3A_173 = arith.constant 0 : i32
        %dma_start3A_174 = tpu.memref_slice %arg12[%add3A_162, %dma_start3A_173] : memref<63x80xi32, #tpu.memory_space<vmem>> -> memref<1x80xi32, #tpu.memory_space<vmem>>
        %dma_start3A_175 = tpu.memref_squeeze %dma_start3A_174 : memref<1x80xi32, #tpu.memory_space<vmem>> -> memref<80xi32, #tpu.memory_space<vmem>>
        %dma_start3A_176 = arith.constant 0 : i32
        %dma_start3A_177 = arith.constant 0 : i32
        %dma_start3A_178 = tpu.memref_slice %arg9[%dma_start3A_176, %dma_start3A_177] : memref<10240x128xf32, #tpu.memory_space<vmem_shared>> -> memref<10240x128xf32, #tpu.memory_space<vmem_shared>>
        %dma_start3A_179 = tpu.memref_slice %arg19[%dma_start3A_172] : memref<3x!tpu.dma_semaphore, #tpu.memory_space<semaphore_mem>> -> memref<1x!tpu.dma_semaphore, #tpu.memory_space<semaphore_mem>>
        %dma_start3A_180 = tpu.memref_squeeze %dma_start3A_179 : memref<1x!tpu.dma_semaphore, #tpu.memory_space<semaphore_mem>> -> memref<!tpu.dma_semaphore, #tpu.memory_space<semaphore_mem>>
        tpu.enqueue_indirect_dma source(%arg13 : memref<80x128xf32, #tpu.memory_space<vmem>>) target(%dma_start3A_178 : memref<10240x128xf32, #tpu.memory_space<vmem_shared>>) offsets(%dma_start3A_175 : memref<80xi32, #tpu.memory_space<vmem>>) semaphore(%dma_start3A_180 : memref<!tpu.dma_semaphore, #tpu.memory_space<semaphore_mem>>) {add = true}
        %dma_start3A_181 = arith.constant 0 : i32
        %dma_start3A_182 = arith.constant 0 : i32
        %dma_start3A_183 = tpu.memref_slice %arg12[%add3A_162, %dma_start3A_182] : memref<63x80xi32, #tpu.memory_space<vmem>> -> memref<1x80xi32, #tpu.memory_space<vmem>>
        %dma_start3A_184 = tpu.memref_squeeze %dma_start3A_183 : memref<1x80xi32, #tpu.memory_space<vmem>> -> memref<80xi32, #tpu.memory_space<vmem>>
        %dma_start3A_185 = arith.constant 0 : i32
        %dma_start3A_186 = tpu.memref_slice %arg10[%dma_start3A_185] : memref<10240xf32, #tpu.memory_space<vmem_shared>> -> memref<10240xf32, #tpu.memory_space<vmem_shared>>
        %dma_start3A_187 = tpu.memref_slice %arg20[%dma_start3A_181] : memref<3x!tpu.dma_semaphore, #tpu.memory_space<semaphore_mem>> -> memref<1x!tpu.dma_semaphore, #tpu.memory_space<semaphore_mem>>
        %dma_start3A_188 = tpu.memref_squeeze %dma_start3A_187 : memref<1x!tpu.dma_semaphore, #tpu.memory_space<semaphore_mem>> -> memref<!tpu.dma_semaphore, #tpu.memory_space<semaphore_mem>>
        tpu.enqueue_indirect_dma source(%arg16 : memref<80xf32, #tpu.memory_space<vmem>>) target(%dma_start3A_186 : memref<10240xf32, #tpu.memory_space<vmem_shared>>) offsets(%dma_start3A_184 : memref<80xi32, #tpu.memory_space<vmem>>) semaphore(%dma_start3A_188 : memref<!tpu.dma_semaphore, #tpu.memory_space<semaphore_mem>>) {add = true}
        %ge3A = arith.constant 1 : i32
        %ge3A_189 = arith.cmpi sge, %add3A_162, %ge3A : i32
        %convert_element_type3A_190 = arith.extui %ge3A_189 : i1 to i32
        %cond3A_191 = arith.constant 0 : i32
        %cond3A_192 = arith.cmpi ne, %convert_element_type3A_190, %cond3A_191 : i32
        scf.if %cond3A_192 {
          %sub3A = arith.constant 1 : i32
          %sub3A_284 = arith.subi %add3A_162, %sub3A : i32
          %dma_wait3A_285 = arith.constant 2 : i32
          %dma_wait3A_286 = arith.constant 0 : i32
          %dma_wait3A_287 = tpu.memref_slice %arg12[%sub3A_284, %dma_wait3A_286] : memref<63x80xi32, #tpu.memory_space<vmem>> -> memref<1x80xi32, #tpu.memory_space<vmem>>
          %dma_wait3A_288 = tpu.memref_squeeze %dma_wait3A_287 : memref<1x80xi32, #tpu.memory_space<vmem>> -> memref<80xi32, #tpu.memory_space<vmem>>
          %dma_wait3A_289 = arith.constant 0 : i32
          %dma_wait3A_290 = arith.constant 0 : i32
          %dma_wait3A_291 = tpu.memref_slice %arg9[%dma_wait3A_289, %dma_wait3A_290] : memref<10240x128xf32, #tpu.memory_space<vmem_shared>> -> memref<10240x128xf32, #tpu.memory_space<vmem_shared>>
          %dma_wait3A_292 = tpu.memref_slice %arg19[%dma_wait3A_285] : memref<3x!tpu.dma_semaphore, #tpu.memory_space<semaphore_mem>> -> memref<1x!tpu.dma_semaphore, #tpu.memory_space<semaphore_mem>>
          %dma_wait3A_293 = tpu.memref_squeeze %dma_wait3A_292 : memref<1x!tpu.dma_semaphore, #tpu.memory_space<semaphore_mem>> -> memref<!tpu.dma_semaphore, #tpu.memory_space<semaphore_mem>>
          tpu.wait_indirect_dma semaphore(%dma_wait3A_293 : memref<!tpu.dma_semaphore, #tpu.memory_space<semaphore_mem>>) src(%arg15 : memref<80x128xf32, #tpu.memory_space<vmem>>) dst(%dma_wait3A_291 : memref<10240x128xf32, #tpu.memory_space<vmem_shared>>)
          %dma_wait3A_294 = arith.constant 2 : i32
          %dma_wait3A_295 = arith.constant 0 : i32
          %dma_wait3A_296 = tpu.memref_slice %arg12[%sub3A_284, %dma_wait3A_295] : memref<63x80xi32, #tpu.memory_space<vmem>> -> memref<1x80xi32, #tpu.memory_space<vmem>>
          %dma_wait3A_297 = tpu.memref_squeeze %dma_wait3A_296 : memref<1x80xi32, #tpu.memory_space<vmem>> -> memref<80xi32, #tpu.memory_space<vmem>>
          %dma_wait3A_298 = arith.constant 0 : i32
          %dma_wait3A_299 = tpu.memref_slice %arg10[%dma_wait3A_298] : memref<10240xf32, #tpu.memory_space<vmem_shared>> -> memref<10240xf32, #tpu.memory_space<vmem_shared>>
          %dma_wait3A_300 = tpu.memref_slice %arg20[%dma_wait3A_294] : memref<3x!tpu.dma_semaphore, #tpu.memory_space<semaphore_mem>> -> memref<1x!tpu.dma_semaphore, #tpu.memory_space<semaphore_mem>>
          %dma_wait3A_301 = tpu.memref_squeeze %dma_wait3A_300 : memref<1x!tpu.dma_semaphore, #tpu.memory_space<semaphore_mem>> -> memref<!tpu.dma_semaphore, #tpu.memory_space<semaphore_mem>>
          tpu.wait_indirect_dma semaphore(%dma_wait3A_301 : memref<!tpu.dma_semaphore, #tpu.memory_space<semaphore_mem>>) src(%arg16 : memref<80xf32, #tpu.memory_space<vmem>>) dst(%dma_wait3A_299 : memref<10240xf32, #tpu.memory_space<vmem_shared>>)
        } else {
        }
        %add3A_193 = arith.constant 2 : i32
        %add3A_194 = arith.addi %add3A_162, %add3A_193 : i32
        %lt3A = arith.constant 63 : i32
        %lt3A_195 = arith.cmpi slt, %add3A_194, %lt3A : i32
        %convert_element_type3A_196 = arith.extui %lt3A_195 : i1 to i32
        %cond3A_197 = arith.constant 0 : i32
        %cond3A_198 = arith.cmpi ne, %convert_element_type3A_196, %cond3A_197 : i32
        scf.if %cond3A_198 {
          %add3A_284 = arith.constant 2 : i32
          %add3A_285 = arith.addi %add3A_162, %add3A_284 : i32
          %dma_start3A_286 = arith.constant 2 : i32
          %dma_start3A_287 = arith.constant 0 : i32
          %dma_start3A_288 = tpu.memref_slice %arg11[%add3A_285, %dma_start3A_287] : memref<63x80xi32, #tpu.memory_space<vmem>> -> memref<1x80xi32, #tpu.memory_space<vmem>>
          %dma_start3A_289 = tpu.memref_squeeze %dma_start3A_288 : memref<1x80xi32, #tpu.memory_space<vmem>> -> memref<80xi32, #tpu.memory_space<vmem>>
          %dma_start3A_290 = arith.constant 0 : i32
          %dma_start3A_291 = arith.constant 0 : i32
          %dma_start3A_292 = tpu.memref_slice %arg2[%dma_start3A_290, %dma_start3A_291] : memref<10000x128xf32, #tpu.memory_space<hbm>> -> memref<10000x128xf32, #tpu.memory_space<hbm>>
          %dma_start3A_293 = tpu.memref_slice %arg18[%dma_start3A_286] : memref<3x!tpu.dma_semaphore, #tpu.memory_space<semaphore_mem>> -> memref<1x!tpu.dma_semaphore, #tpu.memory_space<semaphore_mem>>
          %dma_start3A_294 = tpu.memref_squeeze %dma_start3A_293 : memref<1x!tpu.dma_semaphore, #tpu.memory_space<semaphore_mem>> -> memref<!tpu.dma_semaphore, #tpu.memory_space<semaphore_mem>>
          tpu.enqueue_indirect_dma source(%dma_start3A_292 : memref<10000x128xf32, #tpu.memory_space<hbm>>) target(%arg15 : memref<80x128xf32, #tpu.memory_space<vmem>>) offsets(%dma_start3A_289 : memref<80xi32, #tpu.memory_space<vmem>>) semaphore(%dma_start3A_294 : memref<!tpu.dma_semaphore, #tpu.memory_space<semaphore_mem>>)
        } else {
        }
        %mul3A_199 = arith.constant 3 : i32
        %mul3A_200 = arith.muli %scan3A_157, %mul3A_199 : i32
        %add3A_201 = arith.constant 1 : i32
        %add3A_202 = arith.addi %mul3A_200, %add3A_201 : i32
        %dma_wait3A_203 = arith.constant 1 : i32
        %dma_wait3A_204 = arith.constant 0 : i32
        %dma_wait3A_205 = tpu.memref_slice %arg11[%add3A_202, %dma_wait3A_204] : memref<63x80xi32, #tpu.memory_space<vmem>> -> memref<1x80xi32, #tpu.memory_space<vmem>>
        %dma_wait3A_206 = tpu.memref_squeeze %dma_wait3A_205 : memref<1x80xi32, #tpu.memory_space<vmem>> -> memref<80xi32, #tpu.memory_space<vmem>>
        %dma_wait3A_207 = arith.constant 0 : i32
        %dma_wait3A_208 = arith.constant 0 : i32
        %dma_wait3A_209 = tpu.memref_slice %arg2[%dma_wait3A_207, %dma_wait3A_208] : memref<10000x128xf32, #tpu.memory_space<hbm>> -> memref<10000x128xf32, #tpu.memory_space<hbm>>
        %dma_wait3A_210 = tpu.memref_slice %arg18[%dma_wait3A_203] : memref<3x!tpu.dma_semaphore, #tpu.memory_space<semaphore_mem>> -> memref<1x!tpu.dma_semaphore, #tpu.memory_space<semaphore_mem>>
        %dma_wait3A_211 = tpu.memref_squeeze %dma_wait3A_210 : memref<1x!tpu.dma_semaphore, #tpu.memory_space<semaphore_mem>> -> memref<!tpu.dma_semaphore, #tpu.memory_space<semaphore_mem>>
        tpu.wait_indirect_dma semaphore(%dma_wait3A_211 : memref<!tpu.dma_semaphore, #tpu.memory_space<semaphore_mem>>) src(%dma_wait3A_209 : memref<10000x128xf32, #tpu.memory_space<hbm>>) dst(%arg14 : memref<80x128xf32, #tpu.memory_space<vmem>>)
        %dma_start3A_212 = arith.constant 1 : i32
        %dma_start3A_213 = arith.constant 0 : i32
        %dma_start3A_214 = tpu.memref_slice %arg12[%add3A_202, %dma_start3A_213] : memref<63x80xi32, #tpu.memory_space<vmem>> -> memref<1x80xi32, #tpu.memory_space<vmem>>
        %dma_start3A_215 = tpu.memref_squeeze %dma_start3A_214 : memref<1x80xi32, #tpu.memory_space<vmem>> -> memref<80xi32, #tpu.memory_space<vmem>>
        %dma_start3A_216 = arith.constant 0 : i32
        %dma_start3A_217 = arith.constant 0 : i32
        %dma_start3A_218 = tpu.memref_slice %arg9[%dma_start3A_216, %dma_start3A_217] : memref<10240x128xf32, #tpu.memory_space<vmem_shared>> -> memref<10240x128xf32, #tpu.memory_space<vmem_shared>>
        %dma_start3A_219 = tpu.memref_slice %arg19[%dma_start3A_212] : memref<3x!tpu.dma_semaphore, #tpu.memory_space<semaphore_mem>> -> memref<1x!tpu.dma_semaphore, #tpu.memory_space<semaphore_mem>>
        %dma_start3A_220 = tpu.memref_squeeze %dma_start3A_219 : memref<1x!tpu.dma_semaphore, #tpu.memory_space<semaphore_mem>> -> memref<!tpu.dma_semaphore, #tpu.memory_space<semaphore_mem>>
        tpu.enqueue_indirect_dma source(%arg14 : memref<80x128xf32, #tpu.memory_space<vmem>>) target(%dma_start3A_218 : memref<10240x128xf32, #tpu.memory_space<vmem_shared>>) offsets(%dma_start3A_215 : memref<80xi32, #tpu.memory_space<vmem>>) semaphore(%dma_start3A_220 : memref<!tpu.dma_semaphore, #tpu.memory_space<semaphore_mem>>) {add = true}
        %dma_start3A_221 = arith.constant 1 : i32
        %dma_start3A_222 = arith.constant 0 : i32
        %dma_start3A_223 = tpu.memref_slice %arg12[%add3A_202, %dma_start3A_222] : memref<63x80xi32, #tpu.memory_space<vmem>> -> memref<1x80xi32, #tpu.memory_space<vmem>>
        %dma_start3A_224 = tpu.memref_squeeze %dma_start3A_223 : memref<1x80xi32, #tpu.memory_space<vmem>> -> memref<80xi32, #tpu.memory_space<vmem>>
        %dma_start3A_225 = arith.constant 0 : i32
        %dma_start3A_226 = tpu.memref_slice %arg10[%dma_start3A_225] : memref<10240xf32, #tpu.memory_space<vmem_shared>> -> memref<10240xf32, #tpu.memory_space<vmem_shared>>
        %dma_start3A_227 = tpu.memref_slice %arg20[%dma_start3A_221] : memref<3x!tpu.dma_semaphore, #tpu.memory_space<semaphore_mem>> -> memref<1x!tpu.dma_semaphore, #tpu.memory_space<semaphore_mem>>
        %dma_start3A_228 = tpu.memref_squeeze %dma_start3A_227 : memref<1x!tpu.dma_semaphore, #tpu.memory_space<semaphore_mem>> -> memref<!tpu.dma_semaphore, #tpu.memory_space<semaphore_mem>>
        tpu.enqueue_indirect_dma source(%arg16 : memref<80xf32, #tpu.memory_space<vmem>>) target(%dma_start3A_226 : memref<10240xf32, #tpu.memory_space<vmem_shared>>) offsets(%dma_start3A_224 : memref<80xi32, #tpu.memory_space<vmem>>) semaphore(%dma_start3A_228 : memref<!tpu.dma_semaphore, #tpu.memory_space<semaphore_mem>>) {add = true}
        %ge3A_229 = arith.constant 1 : i32
        %ge3A_230 = arith.cmpi sge, %add3A_202, %ge3A_229 : i32
        %convert_element_type3A_231 = arith.extui %ge3A_230 : i1 to i32
        %cond3A_232 = arith.constant 0 : i32
        %cond3A_233 = arith.cmpi ne, %convert_element_type3A_231, %cond3A_232 : i32
        scf.if %cond3A_233 {
          %sub3A = arith.constant 1 : i32
          %sub3A_284 = arith.subi %add3A_202, %sub3A : i32
          %dma_wait3A_285 = arith.constant 0 : i32
          %dma_wait3A_286 = arith.constant 0 : i32
          %dma_wait3A_287 = tpu.memref_slice %arg12[%sub3A_284, %dma_wait3A_286] : memref<63x80xi32, #tpu.memory_space<vmem>> -> memref<1x80xi32, #tpu.memory_space<vmem>>
          %dma_wait3A_288 = tpu.memref_squeeze %dma_wait3A_287 : memref<1x80xi32, #tpu.memory_space<vmem>> -> memref<80xi32, #tpu.memory_space<vmem>>
          %dma_wait3A_289 = arith.constant 0 : i32
          %dma_wait3A_290 = arith.constant 0 : i32
          %dma_wait3A_291 = tpu.memref_slice %arg9[%dma_wait3A_289, %dma_wait3A_290] : memref<10240x128xf32, #tpu.memory_space<vmem_shared>> -> memref<10240x128xf32, #tpu.memory_space<vmem_shared>>
          %dma_wait3A_292 = tpu.memref_slice %arg19[%dma_wait3A_285] : memref<3x!tpu.dma_semaphore, #tpu.memory_space<semaphore_mem>> -> memref<1x!tpu.dma_semaphore, #tpu.memory_space<semaphore_mem>>
          %dma_wait3A_293 = tpu.memref_squeeze %dma_wait3A_292 : memref<1x!tpu.dma_semaphore, #tpu.memory_space<semaphore_mem>> -> memref<!tpu.dma_semaphore, #tpu.memory_space<semaphore_mem>>
          tpu.wait_indirect_dma semaphore(%dma_wait3A_293 : memref<!tpu.dma_semaphore, #tpu.memory_space<semaphore_mem>>) src(%arg13 : memref<80x128xf32, #tpu.memory_space<vmem>>) dst(%dma_wait3A_291 : memref<10240x128xf32, #tpu.memory_space<vmem_shared>>)
          %dma_wait3A_294 = arith.constant 0 : i32
          %dma_wait3A_295 = arith.constant 0 : i32
          %dma_wait3A_296 = tpu.memref_slice %arg12[%sub3A_284, %dma_wait3A_295] : memref<63x80xi32, #tpu.memory_space<vmem>> -> memref<1x80xi32, #tpu.memory_space<vmem>>
          %dma_wait3A_297 = tpu.memref_squeeze %dma_wait3A_296 : memref<1x80xi32, #tpu.memory_space<vmem>> -> memref<80xi32, #tpu.memory_space<vmem>>
          %dma_wait3A_298 = arith.constant 0 : i32
          %dma_wait3A_299 = tpu.memref_slice %arg10[%dma_wait3A_298] : memref<10240xf32, #tpu.memory_space<vmem_shared>> -> memref<10240xf32, #tpu.memory_space<vmem_shared>>
          %dma_wait3A_300 = tpu.memref_slice %arg20[%dma_wait3A_294] : memref<3x!tpu.dma_semaphore, #tpu.memory_space<semaphore_mem>> -> memref<1x!tpu.dma_semaphore, #tpu.memory_space<semaphore_mem>>
          %dma_wait3A_301 = tpu.memref_squeeze %dma_wait3A_300 : memref<1x!tpu.dma_semaphore, #tpu.memory_space<semaphore_mem>> -> memref<!tpu.dma_semaphore, #tpu.memory_space<semaphore_mem>>
          tpu.wait_indirect_dma semaphore(%dma_wait3A_301 : memref<!tpu.dma_semaphore, #tpu.memory_space<semaphore_mem>>) src(%arg16 : memref<80xf32, #tpu.memory_space<vmem>>) dst(%dma_wait3A_299 : memref<10240xf32, #tpu.memory_space<vmem_shared>>)
        } else {
        }
        %add3A_234 = arith.constant 2 : i32
        %add3A_235 = arith.addi %add3A_202, %add3A_234 : i32
        %lt3A_236 = arith.constant 63 : i32
        %lt3A_237 = arith.cmpi slt, %add3A_235, %lt3A_236 : i32
        %convert_element_type3A_238 = arith.extui %lt3A_237 : i1 to i32
        %cond3A_239 = arith.constant 0 : i32
        %cond3A_240 = arith.cmpi ne, %convert_element_type3A_238, %cond3A_239 : i32
        scf.if %cond3A_240 {
          %add3A_284 = arith.constant 2 : i32
          %add3A_285 = arith.addi %add3A_202, %add3A_284 : i32
          %dma_start3A_286 = arith.constant 0 : i32
          %dma_start3A_287 = arith.constant 0 : i32
          %dma_start3A_288 = tpu.memref_slice %arg11[%add3A_285, %dma_start3A_287] : memref<63x80xi32, #tpu.memory_space<vmem>> -> memref<1x80xi32, #tpu.memory_space<vmem>>
          %dma_start3A_289 = tpu.memref_squeeze %dma_start3A_288 : memref<1x80xi32, #tpu.memory_space<vmem>> -> memref<80xi32, #tpu.memory_space<vmem>>
          %dma_start3A_290 = arith.constant 0 : i32
          %dma_start3A_291 = arith.constant 0 : i32
          %dma_start3A_292 = tpu.memref_slice %arg2[%dma_start3A_290, %dma_start3A_291] : memref<10000x128xf32, #tpu.memory_space<hbm>> -> memref<10000x128xf32, #tpu.memory_space<hbm>>
          %dma_start3A_293 = tpu.memref_slice %arg18[%dma_start3A_286] : memref<3x!tpu.dma_semaphore, #tpu.memory_space<semaphore_mem>> -> memref<1x!tpu.dma_semaphore, #tpu.memory_space<semaphore_mem>>
          %dma_start3A_294 = tpu.memref_squeeze %dma_start3A_293 : memref<1x!tpu.dma_semaphore, #tpu.memory_space<semaphore_mem>> -> memref<!tpu.dma_semaphore, #tpu.memory_space<semaphore_mem>>
          tpu.enqueue_indirect_dma source(%dma_start3A_292 : memref<10000x128xf32, #tpu.memory_space<hbm>>) target(%arg13 : memref<80x128xf32, #tpu.memory_space<vmem>>) offsets(%dma_start3A_289 : memref<80xi32, #tpu.memory_space<vmem>>) semaphore(%dma_start3A_294 : memref<!tpu.dma_semaphore, #tpu.memory_space<semaphore_mem>>)
        } else {
        }
        %mul3A_241 = arith.constant 3 : i32
        %mul3A_242 = arith.muli %scan3A_157, %mul3A_241 : i32
        %add3A_243 = arith.constant 2 : i32
        %add3A_244 = arith.addi %mul3A_242, %add3A_243 : i32
        %dma_wait3A_245 = arith.constant 2 : i32
        %dma_wait3A_246 = arith.constant 0 : i32
        %dma_wait3A_247 = tpu.memref_slice %arg11[%add3A_244, %dma_wait3A_246] : memref<63x80xi32, #tpu.memory_space<vmem>> -> memref<1x80xi32, #tpu.memory_space<vmem>>
        %dma_wait3A_248 = tpu.memref_squeeze %dma_wait3A_247 : memref<1x80xi32, #tpu.memory_space<vmem>> -> memref<80xi32, #tpu.memory_space<vmem>>
        %dma_wait3A_249 = arith.constant 0 : i32
        %dma_wait3A_250 = arith.constant 0 : i32
        %dma_wait3A_251 = tpu.memref_slice %arg2[%dma_wait3A_249, %dma_wait3A_250] : memref<10000x128xf32, #tpu.memory_space<hbm>> -> memref<10000x128xf32, #tpu.memory_space<hbm>>
        %dma_wait3A_252 = tpu.memref_slice %arg18[%dma_wait3A_245] : memref<3x!tpu.dma_semaphore, #tpu.memory_space<semaphore_mem>> -> memref<1x!tpu.dma_semaphore, #tpu.memory_space<semaphore_mem>>
        %dma_wait3A_253 = tpu.memref_squeeze %dma_wait3A_252 : memref<1x!tpu.dma_semaphore, #tpu.memory_space<semaphore_mem>> -> memref<!tpu.dma_semaphore, #tpu.memory_space<semaphore_mem>>
        tpu.wait_indirect_dma semaphore(%dma_wait3A_253 : memref<!tpu.dma_semaphore, #tpu.memory_space<semaphore_mem>>) src(%dma_wait3A_251 : memref<10000x128xf32, #tpu.memory_space<hbm>>) dst(%arg15 : memref<80x128xf32, #tpu.memory_space<vmem>>)
        %dma_start3A_254 = arith.constant 2 : i32
        %dma_start3A_255 = arith.constant 0 : i32
        %dma_start3A_256 = tpu.memref_slice %arg12[%add3A_244, %dma_start3A_255] : memref<63x80xi32, #tpu.memory_space<vmem>> -> memref<1x80xi32, #tpu.memory_space<vmem>>
        %dma_start3A_257 = tpu.memref_squeeze %dma_start3A_256 : memref<1x80xi32, #tpu.memory_space<vmem>> -> memref<80xi32, #tpu.memory_space<vmem>>
        %dma_start3A_258 = arith.constant 0 : i32
        %dma_start3A_259 = arith.constant 0 : i32
        %dma_start3A_260 = tpu.memref_slice %arg9[%dma_start3A_258, %dma_start3A_259] : memref<10240x128xf32, #tpu.memory_space<vmem_shared>> -> memref<10240x128xf32, #tpu.memory_space<vmem_shared>>
        %dma_start3A_261 = tpu.memref_slice %arg19[%dma_start3A_254] : memref<3x!tpu.dma_semaphore, #tpu.memory_space<semaphore_mem>> -> memref<1x!tpu.dma_semaphore, #tpu.memory_space<semaphore_mem>>
        %dma_start3A_262 = tpu.memref_squeeze %dma_start3A_261 : memref<1x!tpu.dma_semaphore, #tpu.memory_space<semaphore_mem>> -> memref<!tpu.dma_semaphore, #tpu.memory_space<semaphore_mem>>
        tpu.enqueue_indirect_dma source(%arg15 : memref<80x128xf32, #tpu.memory_space<vmem>>) target(%dma_start3A_260 : memref<10240x128xf32, #tpu.memory_space<vmem_shared>>) offsets(%dma_start3A_257 : memref<80xi32, #tpu.memory_space<vmem>>) semaphore(%dma_start3A_262 : memref<!tpu.dma_semaphore, #tpu.memory_space<semaphore_mem>>) {add = true}
        %dma_start3A_263 = arith.constant 2 : i32
        %dma_start3A_264 = arith.constant 0 : i32
        %dma_start3A_265 = tpu.memref_slice %arg12[%add3A_244, %dma_start3A_264] : memref<63x80xi32, #tpu.memory_space<vmem>> -> memref<1x80xi32, #tpu.memory_space<vmem>>
        %dma_start3A_266 = tpu.memref_squeeze %dma_start3A_265 : memref<1x80xi32, #tpu.memory_space<vmem>> -> memref<80xi32, #tpu.memory_space<vmem>>
        %dma_start3A_267 = arith.constant 0 : i32
        %dma_start3A_268 = tpu.memref_slice %arg10[%dma_start3A_267] : memref<10240xf32, #tpu.memory_space<vmem_shared>> -> memref<10240xf32, #tpu.memory_space<vmem_shared>>
        %dma_start3A_269 = tpu.memref_slice %arg20[%dma_start3A_263] : memref<3x!tpu.dma_semaphore, #tpu.memory_space<semaphore_mem>> -> memref<1x!tpu.dma_semaphore, #tpu.memory_space<semaphore_mem>>
        %dma_start3A_270 = tpu.memref_squeeze %dma_start3A_269 : memref<1x!tpu.dma_semaphore, #tpu.memory_space<semaphore_mem>> -> memref<!tpu.dma_semaphore, #tpu.memory_space<semaphore_mem>>
        tpu.enqueue_indirect_dma source(%arg16 : memref<80xf32, #tpu.memory_space<vmem>>) target(%dma_start3A_268 : memref<10240xf32, #tpu.memory_space<vmem_shared>>) offsets(%dma_start3A_266 : memref<80xi32, #tpu.memory_space<vmem>>) semaphore(%dma_start3A_270 : memref<!tpu.dma_semaphore, #tpu.memory_space<semaphore_mem>>) {add = true}
        %ge3A_271 = arith.constant 1 : i32
        %ge3A_272 = arith.cmpi sge, %add3A_244, %ge3A_271 : i32
        %convert_element_type3A_273 = arith.extui %ge3A_272 : i1 to i32
        %cond3A_274 = arith.constant 0 : i32
        %cond3A_275 = arith.cmpi ne, %convert_element_type3A_273, %cond3A_274 : i32
        scf.if %cond3A_275 {
          %sub3A = arith.constant 1 : i32
          %sub3A_284 = arith.subi %add3A_244, %sub3A : i32
          %dma_wait3A_285 = arith.constant 1 : i32
          %dma_wait3A_286 = arith.constant 0 : i32
          %dma_wait3A_287 = tpu.memref_slice %arg12[%sub3A_284, %dma_wait3A_286] : memref<63x80xi32, #tpu.memory_space<vmem>> -> memref<1x80xi32, #tpu.memory_space<vmem>>
          %dma_wait3A_288 = tpu.memref_squeeze %dma_wait3A_287 : memref<1x80xi32, #tpu.memory_space<vmem>> -> memref<80xi32, #tpu.memory_space<vmem>>
          %dma_wait3A_289 = arith.constant 0 : i32
          %dma_wait3A_290 = arith.constant 0 : i32
          %dma_wait3A_291 = tpu.memref_slice %arg9[%dma_wait3A_289, %dma_wait3A_290] : memref<10240x128xf32, #tpu.memory_space<vmem_shared>> -> memref<10240x128xf32, #tpu.memory_space<vmem_shared>>
          %dma_wait3A_292 = tpu.memref_slice %arg19[%dma_wait3A_285] : memref<3x!tpu.dma_semaphore, #tpu.memory_space<semaphore_mem>> -> memref<1x!tpu.dma_semaphore, #tpu.memory_space<semaphore_mem>>
          %dma_wait3A_293 = tpu.memref_squeeze %dma_wait3A_292 : memref<1x!tpu.dma_semaphore, #tpu.memory_space<semaphore_mem>> -> memref<!tpu.dma_semaphore, #tpu.memory_space<semaphore_mem>>
          tpu.wait_indirect_dma semaphore(%dma_wait3A_293 : memref<!tpu.dma_semaphore, #tpu.memory_space<semaphore_mem>>) src(%arg14 : memref<80x128xf32, #tpu.memory_space<vmem>>) dst(%dma_wait3A_291 : memref<10240x128xf32, #tpu.memory_space<vmem_shared>>)
          %dma_wait3A_294 = arith.constant 1 : i32
          %dma_wait3A_295 = arith.constant 0 : i32
          %dma_wait3A_296 = tpu.memref_slice %arg12[%sub3A_284, %dma_wait3A_295] : memref<63x80xi32, #tpu.memory_space<vmem>> -> memref<1x80xi32, #tpu.memory_space<vmem>>
          %dma_wait3A_297 = tpu.memref_squeeze %dma_wait3A_296 : memref<1x80xi32, #tpu.memory_space<vmem>> -> memref<80xi32, #tpu.memory_space<vmem>>
          %dma_wait3A_298 = arith.constant 0 : i32
          %dma_wait3A_299 = tpu.memref_slice %arg10[%dma_wait3A_298] : memref<10240xf32, #tpu.memory_space<vmem_shared>> -> memref<10240xf32, #tpu.memory_space<vmem_shared>>
          %dma_wait3A_300 = tpu.memref_slice %arg20[%dma_wait3A_294] : memref<3x!tpu.dma_semaphore, #tpu.memory_space<semaphore_mem>> -> memref<1x!tpu.dma_semaphore, #tpu.memory_space<semaphore_mem>>
          %dma_wait3A_301 = tpu.memref_squeeze %dma_wait3A_300 : memref<1x!tpu.dma_semaphore, #tpu.memory_space<semaphore_mem>> -> memref<!tpu.dma_semaphore, #tpu.memory_space<semaphore_mem>>
          tpu.wait_indirect_dma semaphore(%dma_wait3A_301 : memref<!tpu.dma_semaphore, #tpu.memory_space<semaphore_mem>>) src(%arg16 : memref<80xf32, #tpu.memory_space<vmem>>) dst(%dma_wait3A_299 : memref<10240xf32, #tpu.memory_space<vmem_shared>>)
        } else {
        }
        %add3A_276 = arith.constant 2 : i32
        %add3A_277 = arith.addi %add3A_244, %add3A_276 : i32
        %lt3A_278 = arith.constant 63 : i32
        %lt3A_279 = arith.cmpi slt, %add3A_277, %lt3A_278 : i32
        %convert_element_type3A_280 = arith.extui %lt3A_279 : i1 to i32
        %cond3A_281 = arith.constant 0 : i32
        %cond3A_282 = arith.cmpi ne, %convert_element_type3A_280, %cond3A_281 : i32
        scf.if %cond3A_282 {
          %add3A_284 = arith.constant 2 : i32
          %add3A_285 = arith.addi %add3A_244, %add3A_284 : i32
          %dma_start3A_286 = arith.constant 1 : i32
          %dma_start3A_287 = arith.constant 0 : i32
          %dma_start3A_288 = tpu.memref_slice %arg11[%add3A_285, %dma_start3A_287] : memref<63x80xi32, #tpu.memory_space<vmem>> -> memref<1x80xi32, #tpu.memory_space<vmem>>
          %dma_start3A_289 = tpu.memref_squeeze %dma_start3A_288 : memref<1x80xi32, #tpu.memory_space<vmem>> -> memref<80xi32, #tpu.memory_space<vmem>>
          %dma_start3A_290 = arith.constant 0 : i32
          %dma_start3A_291 = arith.constant 0 : i32
          %dma_start3A_292 = tpu.memref_slice %arg2[%dma_start3A_290, %dma_start3A_291] : memref<10000x128xf32, #tpu.memory_space<hbm>> -> memref<10000x128xf32, #tpu.memory_space<hbm>>
          %dma_start3A_293 = tpu.memref_slice %arg18[%dma_start3A_286] : memref<3x!tpu.dma_semaphore, #tpu.memory_space<semaphore_mem>> -> memref<1x!tpu.dma_semaphore, #tpu.memory_space<semaphore_mem>>
          %dma_start3A_294 = tpu.memref_squeeze %dma_start3A_293 : memref<1x!tpu.dma_semaphore, #tpu.memory_space<semaphore_mem>> -> memref<!tpu.dma_semaphore, #tpu.memory_space<semaphore_mem>>
          tpu.enqueue_indirect_dma source(%dma_start3A_292 : memref<10000x128xf32, #tpu.memory_space<hbm>>) target(%arg14 : memref<80x128xf32, #tpu.memory_space<vmem>>) offsets(%dma_start3A_289 : memref<80xi32, #tpu.memory_space<vmem>>) semaphore(%dma_start3A_294 : memref<!tpu.dma_semaphore, #tpu.memory_space<semaphore_mem>>)
        } else {
        }
        %scan3A_283 = arith.constant 0 : i32
        scf.yield %scan3A_283 : i32
      }
      %scan3A_137 = arith.constant 21 : i32
      %dma_wait3A_138 = arith.constant 62 : i32
      %dma_wait3A_139 = arith.constant 2 : i32
      %dma_wait3A_140 = arith.constant 0 : i32
      %dma_wait3A_141 = tpu.memref_slice %arg12[%dma_wait3A_138, %dma_wait3A_140] : memref<63x80xi32, #tpu.memory_space<vmem>> -> memref<1x80xi32, #tpu.memory_space<vmem>>
      %dma_wait3A_142 = tpu.memref_squeeze %dma_wait3A_141 : memref<1x80xi32, #tpu.memory_space<vmem>> -> memref<80xi32, #tpu.memory_space<vmem>>
      %dma_wait3A_143 = arith.constant 0 : i32
      %dma_wait3A_144 = arith.constant 0 : i32
      %dma_wait3A_145 = tpu.memref_slice %arg9[%dma_wait3A_143, %dma_wait3A_144] : memref<10240x128xf32, #tpu.memory_space<vmem_shared>> -> memref<10240x128xf32, #tpu.memory_space<vmem_shared>>
      %dma_wait3A_146 = tpu.memref_slice %arg19[%dma_wait3A_139] : memref<3x!tpu.dma_semaphore, #tpu.memory_space<semaphore_mem>> -> memref<1x!tpu.dma_semaphore, #tpu.memory_space<semaphore_mem>>
      %dma_wait3A_147 = tpu.memref_squeeze %dma_wait3A_146 : memref<1x!tpu.dma_semaphore, #tpu.memory_space<semaphore_mem>> -> memref<!tpu.dma_semaphore, #tpu.memory_space<semaphore_mem>>
      tpu.wait_indirect_dma semaphore(%dma_wait3A_147 : memref<!tpu.dma_semaphore, #tpu.memory_space<semaphore_mem>>) src(%arg15 : memref<80x128xf32, #tpu.memory_space<vmem>>) dst(%dma_wait3A_145 : memref<10240x128xf32, #tpu.memory_space<vmem_shared>>)
      %dma_wait3A_148 = arith.constant 62 : i32
      %dma_wait3A_149 = arith.constant 2 : i32
      %dma_wait3A_150 = arith.constant 0 : i32
      %dma_wait3A_151 = tpu.memref_slice %arg12[%dma_wait3A_148, %dma_wait3A_150] : memref<63x80xi32, #tpu.memory_space<vmem>> -> memref<1x80xi32, #tpu.memory_space<vmem>>
      %dma_wait3A_152 = tpu.memref_squeeze %dma_wait3A_151 : memref<1x80xi32, #tpu.memory_space<vmem>> -> memref<80xi32, #tpu.memory_space<vmem>>
      %dma_wait3A_153 = arith.constant 0 : i32
      %dma_wait3A_154 = tpu.memref_slice %arg10[%dma_wait3A_153] : memref<10240xf32, #tpu.memory_space<vmem_shared>> -> memref<10240xf32, #tpu.memory_space<vmem_shared>>
      %dma_wait3A_155 = tpu.memref_slice %arg20[%dma_wait3A_149] : memref<3x!tpu.dma_semaphore, #tpu.memory_space<semaphore_mem>> -> memref<1x!tpu.dma_semaphore, #tpu.memory_space<semaphore_mem>>
      %dma_wait3A_156 = tpu.memref_squeeze %dma_wait3A_155 : memref<1x!tpu.dma_semaphore, #tpu.memory_space<semaphore_mem>> -> memref<!tpu.dma_semaphore, #tpu.memory_space<semaphore_mem>>
      tpu.wait_indirect_dma semaphore(%dma_wait3A_156 : memref<!tpu.dma_semaphore, #tpu.memory_space<semaphore_mem>>) src(%arg16 : memref<80xf32, #tpu.memory_space<vmem>>) dst(%dma_wait3A_154 : memref<10240xf32, #tpu.memory_space<vmem_shared>>)
    } else {
    }
    %eq3A_38 = arith.constant 1 : i32
    %eq3A_39 = arith.cmpi eq, %arg0, %eq3A_38 : i32
    %convert_element_type3A_40 = arith.extui %eq3A_39 : i1 to i32
    %cond3A_41 = arith.constant 0 : i32
    %cond3A_42 = arith.cmpi ne, %convert_element_type3A_40, %cond3A_41 : i32
    scf.if %cond3A_42 {
      %mul3A_59 = arith.constant 2 : i32
      %mul3A_60 = arith.muli %arg1, %mul3A_59 : i32
      %add3A_61 = arith.constant 0 : i32
      %add3A_62 = arith.addi %mul3A_60, %add3A_61 : i32
      "tpu.region"() ({
        %run_scoped3A = tpu.sem_alloc : memref<!tpu.dma_semaphore, #tpu.memory_space<semaphore_mem>>
        %dma_start3A_139 = arith.constant 0 : i32
        %dma_start3A_140 = arith.constant 0 : i32
        %dma_start3A_141 = tpu.memref_slice %arg4[%add3A_62, %dma_start3A_139, %dma_start3A_140] : memref<32x63x80xi32, #tpu.memory_space<hbm>> -> memref<1x63x80xi32, #tpu.memory_space<hbm>>
        %dma_start3A_142 = tpu.memref_squeeze %dma_start3A_141 : memref<1x63x80xi32, #tpu.memory_space<hbm>> -> memref<63x80xi32, #tpu.memory_space<hbm>>
        %dma_start3A_143 = arith.constant 0 : i32
        %dma_start3A_144 = arith.constant 0 : i32
        %dma_start3A_145 = tpu.memref_slice %arg4[%add3A_62, %dma_start3A_143, %dma_start3A_144] : memref<32x63x80xi32, #tpu.memory_space<hbm>> -> memref<1x63x80xi32, #tpu.memory_space<hbm>>
        %dma_start3A_146 = tpu.memref_squeeze %dma_start3A_145 : memref<1x63x80xi32, #tpu.memory_space<hbm>> -> memref<63x80xi32, #tpu.memory_space<hbm>>
        tpu.enqueue_dma source(%dma_start3A_146 : memref<63x80xi32, #tpu.memory_space<hbm>>) target(%arg11 : memref<63x80xi32, #tpu.memory_space<vmem>>) target_semaphore(%run_scoped3A : memref<!tpu.dma_semaphore, #tpu.memory_space<semaphore_mem>>)
        %dma_wait3A_147 = arith.constant 0 : i32
        %dma_wait3A_148 = arith.constant 0 : i32
        %dma_wait3A_149 = tpu.memref_slice %arg4[%add3A_62, %dma_wait3A_147, %dma_wait3A_148] : memref<32x63x80xi32, #tpu.memory_space<hbm>> -> memref<1x63x80xi32, #tpu.memory_space<hbm>>
        %dma_wait3A_150 = tpu.memref_squeeze %dma_wait3A_149 : memref<1x63x80xi32, #tpu.memory_space<hbm>> -> memref<63x80xi32, #tpu.memory_space<hbm>>
        %dma_wait3A_151 = arith.constant 0 : i32
        %dma_wait3A_152 = arith.constant 0 : i32
        %dma_wait3A_153 = tpu.memref_slice %arg4[%add3A_62, %dma_wait3A_151, %dma_wait3A_152] : memref<32x63x80xi32, #tpu.memory_space<hbm>> -> memref<1x63x80xi32, #tpu.memory_space<hbm>>
        %dma_wait3A_154 = tpu.memref_squeeze %dma_wait3A_153 : memref<1x63x80xi32, #tpu.memory_space<hbm>> -> memref<63x80xi32, #tpu.memory_space<hbm>>
        tpu.wait_dma2 semaphore(%run_scoped3A : memref<!tpu.dma_semaphore, #tpu.memory_space<semaphore_mem>>) src(%dma_wait3A_154 : memref<63x80xi32, #tpu.memory_space<hbm>>) dst(%arg11 : memref<63x80xi32, #tpu.memory_space<vmem>>)
        tpu.yield
      }) : () -> ()
      "tpu.region"() ({
        %run_scoped3A = tpu.sem_alloc : memref<!tpu.dma_semaphore, #tpu.memory_space<semaphore_mem>>
        %dma_start3A_139 = arith.constant 0 : i32
        %dma_start3A_140 = arith.constant 0 : i32
        %dma_start3A_141 = tpu.memref_slice %arg5[%add3A_62, %dma_start3A_139, %dma_start3A_140] : memref<32x63x80xi32, #tpu.memory_space<hbm>> -> memref<1x63x80xi32, #tpu.memory_space<hbm>>
        %dma_start3A_142 = tpu.memref_squeeze %dma_start3A_141 : memref<1x63x80xi32, #tpu.memory_space<hbm>> -> memref<63x80xi32, #tpu.memory_space<hbm>>
        %dma_start3A_143 = arith.constant 0 : i32
        %dma_start3A_144 = arith.constant 0 : i32
        %dma_start3A_145 = tpu.memref_slice %arg5[%add3A_62, %dma_start3A_143, %dma_start3A_144] : memref<32x63x80xi32, #tpu.memory_space<hbm>> -> memref<1x63x80xi32, #tpu.memory_space<hbm>>
        %dma_start3A_146 = tpu.memref_squeeze %dma_start3A_145 : memref<1x63x80xi32, #tpu.memory_space<hbm>> -> memref<63x80xi32, #tpu.memory_space<hbm>>
        tpu.enqueue_dma source(%dma_start3A_146 : memref<63x80xi32, #tpu.memory_space<hbm>>) target(%arg12 : memref<63x80xi32, #tpu.memory_space<vmem>>) target_semaphore(%run_scoped3A : memref<!tpu.dma_semaphore, #tpu.memory_space<semaphore_mem>>)
        %dma_wait3A_147 = arith.constant 0 : i32
        %dma_wait3A_148 = arith.constant 0 : i32
        %dma_wait3A_149 = tpu.memref_slice %arg5[%add3A_62, %dma_wait3A_147, %dma_wait3A_148] : memref<32x63x80xi32, #tpu.memory_space<hbm>> -> memref<1x63x80xi32, #tpu.memory_space<hbm>>
        %dma_wait3A_150 = tpu.memref_squeeze %dma_wait3A_149 : memref<1x63x80xi32, #tpu.memory_space<hbm>> -> memref<63x80xi32, #tpu.memory_space<hbm>>
        %dma_wait3A_151 = arith.constant 0 : i32
        %dma_wait3A_152 = arith.constant 0 : i32
        %dma_wait3A_153 = tpu.memref_slice %arg5[%add3A_62, %dma_wait3A_151, %dma_wait3A_152] : memref<32x63x80xi32, #tpu.memory_space<hbm>> -> memref<1x63x80xi32, #tpu.memory_space<hbm>>
        %dma_wait3A_154 = tpu.memref_squeeze %dma_wait3A_153 : memref<1x63x80xi32, #tpu.memory_space<hbm>> -> memref<63x80xi32, #tpu.memory_space<hbm>>
        tpu.wait_dma2 semaphore(%run_scoped3A : memref<!tpu.dma_semaphore, #tpu.memory_space<semaphore_mem>>) src(%dma_wait3A_154 : memref<63x80xi32, #tpu.memory_space<hbm>>) dst(%arg12 : memref<63x80xi32, #tpu.memory_space<vmem>>)
        tpu.yield
      }) : () -> ()
      %dma_start3A = arith.constant 0 : i32
      %dma_start3A_63 = arith.constant 0 : i32
      %dma_start3A_64 = arith.constant 0 : i32
      %dma_start3A_65 = tpu.memref_slice %arg11[%dma_start3A, %dma_start3A_64] : memref<63x80xi32, #tpu.memory_space<vmem>> -> memref<1x80xi32, #tpu.memory_space<vmem>>
      %dma_start3A_66 = tpu.memref_squeeze %dma_start3A_65 : memref<1x80xi32, #tpu.memory_space<vmem>> -> memref<80xi32, #tpu.memory_space<vmem>>
      %dma_start3A_67 = arith.constant 0 : i32
      %dma_start3A_68 = arith.constant 0 : i32
      %dma_start3A_69 = tpu.memref_slice %arg3[%dma_start3A_67, %dma_start3A_68] : memref<10000x128xf32, #tpu.memory_space<hbm>> -> memref<10000x128xf32, #tpu.memory_space<hbm>>
      %dma_start3A_70 = tpu.memref_slice %arg18[%dma_start3A_63] : memref<3x!tpu.dma_semaphore, #tpu.memory_space<semaphore_mem>> -> memref<1x!tpu.dma_semaphore, #tpu.memory_space<semaphore_mem>>
      %dma_start3A_71 = tpu.memref_squeeze %dma_start3A_70 : memref<1x!tpu.dma_semaphore, #tpu.memory_space<semaphore_mem>> -> memref<!tpu.dma_semaphore, #tpu.memory_space<semaphore_mem>>
      tpu.enqueue_indirect_dma source(%dma_start3A_69 : memref<10000x128xf32, #tpu.memory_space<hbm>>) target(%arg13 : memref<80x128xf32, #tpu.memory_space<vmem>>) offsets(%dma_start3A_66 : memref<80xi32, #tpu.memory_space<vmem>>) semaphore(%dma_start3A_71 : memref<!tpu.dma_semaphore, #tpu.memory_space<semaphore_mem>>)
      %dma_start3A_72 = arith.constant 1 : i32
      %dma_start3A_73 = arith.constant 1 : i32
      %dma_start3A_74 = arith.constant 0 : i32
      %dma_start3A_75 = tpu.memref_slice %arg11[%dma_start3A_72, %dma_start3A_74] : memref<63x80xi32, #tpu.memory_space<vmem>> -> memref<1x80xi32, #tpu.memory_space<vmem>>
      %dma_start3A_76 = tpu.memref_squeeze %dma_start3A_75 : memref<1x80xi32, #tpu.memory_space<vmem>> -> memref<80xi32, #tpu.memory_space<vmem>>
      %dma_start3A_77 = arith.constant 0 : i32
      %dma_start3A_78 = arith.constant 0 : i32
      %dma_start3A_79 = tpu.memref_slice %arg3[%dma_start3A_77, %dma_start3A_78] : memref<10000x128xf32, #tpu.memory_space<hbm>> -> memref<10000x128xf32, #tpu.memory_space<hbm>>
      %dma_start3A_80 = tpu.memref_slice %arg18[%dma_start3A_73] : memref<3x!tpu.dma_semaphore, #tpu.memory_space<semaphore_mem>> -> memref<1x!tpu.dma_semaphore, #tpu.memory_space<semaphore_mem>>
      %dma_start3A_81 = tpu.memref_squeeze %dma_start3A_80 : memref<1x!tpu.dma_semaphore, #tpu.memory_space<semaphore_mem>> -> memref<!tpu.dma_semaphore, #tpu.memory_space<semaphore_mem>>
      tpu.enqueue_indirect_dma source(%dma_start3A_79 : memref<10000x128xf32, #tpu.memory_space<hbm>>) target(%arg14 : memref<80x128xf32, #tpu.memory_space<vmem>>) offsets(%dma_start3A_76 : memref<80xi32, #tpu.memory_space<vmem>>) semaphore(%dma_start3A_81 : memref<!tpu.dma_semaphore, #tpu.memory_space<semaphore_mem>>)
      %scan3A_82 = arith.constant 0 : i32
      %scan3A_83 = arith.constant 0 : i32
      %scan3A_84 = arith.constant 21 : i32
      %scan3A_85 = arith.addi %scan3A_83, %scan3A_84 : i32
      %scan3A_86 = arith.constant 1 : i32
      %scan3A_87 = scf.for %scan3A_139 = %scan3A_83 to %scan3A_85 step %scan3A_86 iter_args(%scan3A_140 = %scan3A_82) -> (i32)  : i32 {
        %mul3A_141 = arith.constant 3 : i32
        %mul3A_142 = arith.muli %scan3A_139, %mul3A_141 : i32
        %add3A_143 = arith.constant 0 : i32
        %add3A_144 = arith.addi %mul3A_142, %add3A_143 : i32
        %dma_wait3A_145 = arith.constant 0 : i32
        %dma_wait3A_146 = arith.constant 0 : i32
        %dma_wait3A_147 = tpu.memref_slice %arg11[%add3A_144, %dma_wait3A_146] : memref<63x80xi32, #tpu.memory_space<vmem>> -> memref<1x80xi32, #tpu.memory_space<vmem>>
        %dma_wait3A_148 = tpu.memref_squeeze %dma_wait3A_147 : memref<1x80xi32, #tpu.memory_space<vmem>> -> memref<80xi32, #tpu.memory_space<vmem>>
        %dma_wait3A_149 = arith.constant 0 : i32
        %dma_wait3A_150 = arith.constant 0 : i32
        %dma_wait3A_151 = tpu.memref_slice %arg3[%dma_wait3A_149, %dma_wait3A_150] : memref<10000x128xf32, #tpu.memory_space<hbm>> -> memref<10000x128xf32, #tpu.memory_space<hbm>>
        %dma_wait3A_152 = tpu.memref_slice %arg18[%dma_wait3A_145] : memref<3x!tpu.dma_semaphore, #tpu.memory_space<semaphore_mem>> -> memref<1x!tpu.dma_semaphore, #tpu.memory_space<semaphore_mem>>
        %dma_wait3A_153 = tpu.memref_squeeze %dma_wait3A_152 : memref<1x!tpu.dma_semaphore, #tpu.memory_space<semaphore_mem>> -> memref<!tpu.dma_semaphore, #tpu.memory_space<semaphore_mem>>
        tpu.wait_indirect_dma semaphore(%dma_wait3A_153 : memref<!tpu.dma_semaphore, #tpu.memory_space<semaphore_mem>>) src(%dma_wait3A_151 : memref<10000x128xf32, #tpu.memory_space<hbm>>) dst(%arg13 : memref<80x128xf32, #tpu.memory_space<vmem>>)
        %dma_start3A_154 = arith.constant 0 : i32
        %dma_start3A_155 = arith.constant 0 : i32
        %dma_start3A_156 = tpu.memref_slice %arg12[%add3A_144, %dma_start3A_155] : memref<63x80xi32, #tpu.memory_space<vmem>> -> memref<1x80xi32, #tpu.memory_space<vmem>>
        %dma_start3A_157 = tpu.memref_squeeze %dma_start3A_156 : memref<1x80xi32, #tpu.memory_space<vmem>> -> memref<80xi32, #tpu.memory_space<vmem>>
        %dma_start3A_158 = arith.constant 0 : i32
        %dma_start3A_159 = arith.constant 0 : i32
        %dma_start3A_160 = tpu.memref_slice %arg9[%dma_start3A_158, %dma_start3A_159] : memref<10240x128xf32, #tpu.memory_space<vmem_shared>> -> memref<10240x128xf32, #tpu.memory_space<vmem_shared>>
        %dma_start3A_161 = tpu.memref_slice %arg19[%dma_start3A_154] : memref<3x!tpu.dma_semaphore, #tpu.memory_space<semaphore_mem>> -> memref<1x!tpu.dma_semaphore, #tpu.memory_space<semaphore_mem>>
        %dma_start3A_162 = tpu.memref_squeeze %dma_start3A_161 : memref<1x!tpu.dma_semaphore, #tpu.memory_space<semaphore_mem>> -> memref<!tpu.dma_semaphore, #tpu.memory_space<semaphore_mem>>
        tpu.enqueue_indirect_dma source(%arg13 : memref<80x128xf32, #tpu.memory_space<vmem>>) target(%dma_start3A_160 : memref<10240x128xf32, #tpu.memory_space<vmem_shared>>) offsets(%dma_start3A_157 : memref<80xi32, #tpu.memory_space<vmem>>) semaphore(%dma_start3A_162 : memref<!tpu.dma_semaphore, #tpu.memory_space<semaphore_mem>>) {add = true}
        %ge3A = arith.constant 1 : i32
        %ge3A_163 = arith.cmpi sge, %add3A_144, %ge3A : i32
        %convert_element_type3A_164 = arith.extui %ge3A_163 : i1 to i32
        %cond3A_165 = arith.constant 0 : i32
        %cond3A_166 = arith.cmpi ne, %convert_element_type3A_164, %cond3A_165 : i32
        scf.if %cond3A_166 {
          %sub3A = arith.constant 1 : i32
          %sub3A_242 = arith.subi %add3A_144, %sub3A : i32
          %dma_wait3A_243 = arith.constant 2 : i32
          %dma_wait3A_244 = arith.constant 0 : i32
          %dma_wait3A_245 = tpu.memref_slice %arg12[%sub3A_242, %dma_wait3A_244] : memref<63x80xi32, #tpu.memory_space<vmem>> -> memref<1x80xi32, #tpu.memory_space<vmem>>
          %dma_wait3A_246 = tpu.memref_squeeze %dma_wait3A_245 : memref<1x80xi32, #tpu.memory_space<vmem>> -> memref<80xi32, #tpu.memory_space<vmem>>
          %dma_wait3A_247 = arith.constant 0 : i32
          %dma_wait3A_248 = arith.constant 0 : i32
          %dma_wait3A_249 = tpu.memref_slice %arg9[%dma_wait3A_247, %dma_wait3A_248] : memref<10240x128xf32, #tpu.memory_space<vmem_shared>> -> memref<10240x128xf32, #tpu.memory_space<vmem_shared>>
          %dma_wait3A_250 = tpu.memref_slice %arg19[%dma_wait3A_243] : memref<3x!tpu.dma_semaphore, #tpu.memory_space<semaphore_mem>> -> memref<1x!tpu.dma_semaphore, #tpu.memory_space<semaphore_mem>>
          %dma_wait3A_251 = tpu.memref_squeeze %dma_wait3A_250 : memref<1x!tpu.dma_semaphore, #tpu.memory_space<semaphore_mem>> -> memref<!tpu.dma_semaphore, #tpu.memory_space<semaphore_mem>>
          tpu.wait_indirect_dma semaphore(%dma_wait3A_251 : memref<!tpu.dma_semaphore, #tpu.memory_space<semaphore_mem>>) src(%arg15 : memref<80x128xf32, #tpu.memory_space<vmem>>) dst(%dma_wait3A_249 : memref<10240x128xf32, #tpu.memory_space<vmem_shared>>)
        } else {
        }
        %add3A_167 = arith.constant 2 : i32
        %add3A_168 = arith.addi %add3A_144, %add3A_167 : i32
        %lt3A = arith.constant 63 : i32
        %lt3A_169 = arith.cmpi slt, %add3A_168, %lt3A : i32
        %convert_element_type3A_170 = arith.extui %lt3A_169 : i1 to i32
        %cond3A_171 = arith.constant 0 : i32
        %cond3A_172 = arith.cmpi ne, %convert_element_type3A_170, %cond3A_171 : i32
        scf.if %cond3A_172 {
          %add3A_242 = arith.constant 2 : i32
          %add3A_243 = arith.addi %add3A_144, %add3A_242 : i32
          %dma_start3A_244 = arith.constant 2 : i32
          %dma_start3A_245 = arith.constant 0 : i32
          %dma_start3A_246 = tpu.memref_slice %arg11[%add3A_243, %dma_start3A_245] : memref<63x80xi32, #tpu.memory_space<vmem>> -> memref<1x80xi32, #tpu.memory_space<vmem>>
          %dma_start3A_247 = tpu.memref_squeeze %dma_start3A_246 : memref<1x80xi32, #tpu.memory_space<vmem>> -> memref<80xi32, #tpu.memory_space<vmem>>
          %dma_start3A_248 = arith.constant 0 : i32
          %dma_start3A_249 = arith.constant 0 : i32
          %dma_start3A_250 = tpu.memref_slice %arg3[%dma_start3A_248, %dma_start3A_249] : memref<10000x128xf32, #tpu.memory_space<hbm>> -> memref<10000x128xf32, #tpu.memory_space<hbm>>
          %dma_start3A_251 = tpu.memref_slice %arg18[%dma_start3A_244] : memref<3x!tpu.dma_semaphore, #tpu.memory_space<semaphore_mem>> -> memref<1x!tpu.dma_semaphore, #tpu.memory_space<semaphore_mem>>
          %dma_start3A_252 = tpu.memref_squeeze %dma_start3A_251 : memref<1x!tpu.dma_semaphore, #tpu.memory_space<semaphore_mem>> -> memref<!tpu.dma_semaphore, #tpu.memory_space<semaphore_mem>>
          tpu.enqueue_indirect_dma source(%dma_start3A_250 : memref<10000x128xf32, #tpu.memory_space<hbm>>) target(%arg15 : memref<80x128xf32, #tpu.memory_space<vmem>>) offsets(%dma_start3A_247 : memref<80xi32, #tpu.memory_space<vmem>>) semaphore(%dma_start3A_252 : memref<!tpu.dma_semaphore, #tpu.memory_space<semaphore_mem>>)
        } else {
        }
        %mul3A_173 = arith.constant 3 : i32
        %mul3A_174 = arith.muli %scan3A_139, %mul3A_173 : i32
        %add3A_175 = arith.constant 1 : i32
        %add3A_176 = arith.addi %mul3A_174, %add3A_175 : i32
        %dma_wait3A_177 = arith.constant 1 : i32
        %dma_wait3A_178 = arith.constant 0 : i32
        %dma_wait3A_179 = tpu.memref_slice %arg11[%add3A_176, %dma_wait3A_178] : memref<63x80xi32, #tpu.memory_space<vmem>> -> memref<1x80xi32, #tpu.memory_space<vmem>>
        %dma_wait3A_180 = tpu.memref_squeeze %dma_wait3A_179 : memref<1x80xi32, #tpu.memory_space<vmem>> -> memref<80xi32, #tpu.memory_space<vmem>>
        %dma_wait3A_181 = arith.constant 0 : i32
        %dma_wait3A_182 = arith.constant 0 : i32
        %dma_wait3A_183 = tpu.memref_slice %arg3[%dma_wait3A_181, %dma_wait3A_182] : memref<10000x128xf32, #tpu.memory_space<hbm>> -> memref<10000x128xf32, #tpu.memory_space<hbm>>
        %dma_wait3A_184 = tpu.memref_slice %arg18[%dma_wait3A_177] : memref<3x!tpu.dma_semaphore, #tpu.memory_space<semaphore_mem>> -> memref<1x!tpu.dma_semaphore, #tpu.memory_space<semaphore_mem>>
        %dma_wait3A_185 = tpu.memref_squeeze %dma_wait3A_184 : memref<1x!tpu.dma_semaphore, #tpu.memory_space<semaphore_mem>> -> memref<!tpu.dma_semaphore, #tpu.memory_space<semaphore_mem>>
        tpu.wait_indirect_dma semaphore(%dma_wait3A_185 : memref<!tpu.dma_semaphore, #tpu.memory_space<semaphore_mem>>) src(%dma_wait3A_183 : memref<10000x128xf32, #tpu.memory_space<hbm>>) dst(%arg14 : memref<80x128xf32, #tpu.memory_space<vmem>>)
        %dma_start3A_186 = arith.constant 1 : i32
        %dma_start3A_187 = arith.constant 0 : i32
        %dma_start3A_188 = tpu.memref_slice %arg12[%add3A_176, %dma_start3A_187] : memref<63x80xi32, #tpu.memory_space<vmem>> -> memref<1x80xi32, #tpu.memory_space<vmem>>
        %dma_start3A_189 = tpu.memref_squeeze %dma_start3A_188 : memref<1x80xi32, #tpu.memory_space<vmem>> -> memref<80xi32, #tpu.memory_space<vmem>>
        %dma_start3A_190 = arith.constant 0 : i32
        %dma_start3A_191 = arith.constant 0 : i32
        %dma_start3A_192 = tpu.memref_slice %arg9[%dma_start3A_190, %dma_start3A_191] : memref<10240x128xf32, #tpu.memory_space<vmem_shared>> -> memref<10240x128xf32, #tpu.memory_space<vmem_shared>>
        %dma_start3A_193 = tpu.memref_slice %arg19[%dma_start3A_186] : memref<3x!tpu.dma_semaphore, #tpu.memory_space<semaphore_mem>> -> memref<1x!tpu.dma_semaphore, #tpu.memory_space<semaphore_mem>>
        %dma_start3A_194 = tpu.memref_squeeze %dma_start3A_193 : memref<1x!tpu.dma_semaphore, #tpu.memory_space<semaphore_mem>> -> memref<!tpu.dma_semaphore, #tpu.memory_space<semaphore_mem>>
        tpu.enqueue_indirect_dma source(%arg14 : memref<80x128xf32, #tpu.memory_space<vmem>>) target(%dma_start3A_192 : memref<10240x128xf32, #tpu.memory_space<vmem_shared>>) offsets(%dma_start3A_189 : memref<80xi32, #tpu.memory_space<vmem>>) semaphore(%dma_start3A_194 : memref<!tpu.dma_semaphore, #tpu.memory_space<semaphore_mem>>) {add = true}
        %ge3A_195 = arith.constant 1 : i32
        %ge3A_196 = arith.cmpi sge, %add3A_176, %ge3A_195 : i32
        %convert_element_type3A_197 = arith.extui %ge3A_196 : i1 to i32
        %cond3A_198 = arith.constant 0 : i32
        %cond3A_199 = arith.cmpi ne, %convert_element_type3A_197, %cond3A_198 : i32
        scf.if %cond3A_199 {
          %sub3A = arith.constant 1 : i32
          %sub3A_242 = arith.subi %add3A_176, %sub3A : i32
          %dma_wait3A_243 = arith.constant 0 : i32
          %dma_wait3A_244 = arith.constant 0 : i32
          %dma_wait3A_245 = tpu.memref_slice %arg12[%sub3A_242, %dma_wait3A_244] : memref<63x80xi32, #tpu.memory_space<vmem>> -> memref<1x80xi32, #tpu.memory_space<vmem>>
          %dma_wait3A_246 = tpu.memref_squeeze %dma_wait3A_245 : memref<1x80xi32, #tpu.memory_space<vmem>> -> memref<80xi32, #tpu.memory_space<vmem>>
          %dma_wait3A_247 = arith.constant 0 : i32
          %dma_wait3A_248 = arith.constant 0 : i32
          %dma_wait3A_249 = tpu.memref_slice %arg9[%dma_wait3A_247, %dma_wait3A_248] : memref<10240x128xf32, #tpu.memory_space<vmem_shared>> -> memref<10240x128xf32, #tpu.memory_space<vmem_shared>>
          %dma_wait3A_250 = tpu.memref_slice %arg19[%dma_wait3A_243] : memref<3x!tpu.dma_semaphore, #tpu.memory_space<semaphore_mem>> -> memref<1x!tpu.dma_semaphore, #tpu.memory_space<semaphore_mem>>
          %dma_wait3A_251 = tpu.memref_squeeze %dma_wait3A_250 : memref<1x!tpu.dma_semaphore, #tpu.memory_space<semaphore_mem>> -> memref<!tpu.dma_semaphore, #tpu.memory_space<semaphore_mem>>
          tpu.wait_indirect_dma semaphore(%dma_wait3A_251 : memref<!tpu.dma_semaphore, #tpu.memory_space<semaphore_mem>>) src(%arg13 : memref<80x128xf32, #tpu.memory_space<vmem>>) dst(%dma_wait3A_249 : memref<10240x128xf32, #tpu.memory_space<vmem_shared>>)
        } else {
        }
        %add3A_200 = arith.constant 2 : i32
        %add3A_201 = arith.addi %add3A_176, %add3A_200 : i32
        %lt3A_202 = arith.constant 63 : i32
        %lt3A_203 = arith.cmpi slt, %add3A_201, %lt3A_202 : i32
        %convert_element_type3A_204 = arith.extui %lt3A_203 : i1 to i32
        %cond3A_205 = arith.constant 0 : i32
        %cond3A_206 = arith.cmpi ne, %convert_element_type3A_204, %cond3A_205 : i32
        scf.if %cond3A_206 {
          %add3A_242 = arith.constant 2 : i32
          %add3A_243 = arith.addi %add3A_176, %add3A_242 : i32
          %dma_start3A_244 = arith.constant 0 : i32
          %dma_start3A_245 = arith.constant 0 : i32
          %dma_start3A_246 = tpu.memref_slice %arg11[%add3A_243, %dma_start3A_245] : memref<63x80xi32, #tpu.memory_space<vmem>> -> memref<1x80xi32, #tpu.memory_space<vmem>>
          %dma_start3A_247 = tpu.memref_squeeze %dma_start3A_246 : memref<1x80xi32, #tpu.memory_space<vmem>> -> memref<80xi32, #tpu.memory_space<vmem>>
          %dma_start3A_248 = arith.constant 0 : i32
          %dma_start3A_249 = arith.constant 0 : i32
          %dma_start3A_250 = tpu.memref_slice %arg3[%dma_start3A_248, %dma_start3A_249] : memref<10000x128xf32, #tpu.memory_space<hbm>> -> memref<10000x128xf32, #tpu.memory_space<hbm>>
          %dma_start3A_251 = tpu.memref_slice %arg18[%dma_start3A_244] : memref<3x!tpu.dma_semaphore, #tpu.memory_space<semaphore_mem>> -> memref<1x!tpu.dma_semaphore, #tpu.memory_space<semaphore_mem>>
          %dma_start3A_252 = tpu.memref_squeeze %dma_start3A_251 : memref<1x!tpu.dma_semaphore, #tpu.memory_space<semaphore_mem>> -> memref<!tpu.dma_semaphore, #tpu.memory_space<semaphore_mem>>
          tpu.enqueue_indirect_dma source(%dma_start3A_250 : memref<10000x128xf32, #tpu.memory_space<hbm>>) target(%arg13 : memref<80x128xf32, #tpu.memory_space<vmem>>) offsets(%dma_start3A_247 : memref<80xi32, #tpu.memory_space<vmem>>) semaphore(%dma_start3A_252 : memref<!tpu.dma_semaphore, #tpu.memory_space<semaphore_mem>>)
        } else {
        }
        %mul3A_207 = arith.constant 3 : i32
        %mul3A_208 = arith.muli %scan3A_139, %mul3A_207 : i32
        %add3A_209 = arith.constant 2 : i32
        %add3A_210 = arith.addi %mul3A_208, %add3A_209 : i32
        %dma_wait3A_211 = arith.constant 2 : i32
        %dma_wait3A_212 = arith.constant 0 : i32
        %dma_wait3A_213 = tpu.memref_slice %arg11[%add3A_210, %dma_wait3A_212] : memref<63x80xi32, #tpu.memory_space<vmem>> -> memref<1x80xi32, #tpu.memory_space<vmem>>
        %dma_wait3A_214 = tpu.memref_squeeze %dma_wait3A_213 : memref<1x80xi32, #tpu.memory_space<vmem>> -> memref<80xi32, #tpu.memory_space<vmem>>
        %dma_wait3A_215 = arith.constant 0 : i32
        %dma_wait3A_216 = arith.constant 0 : i32
        %dma_wait3A_217 = tpu.memref_slice %arg3[%dma_wait3A_215, %dma_wait3A_216] : memref<10000x128xf32, #tpu.memory_space<hbm>> -> memref<10000x128xf32, #tpu.memory_space<hbm>>
        %dma_wait3A_218 = tpu.memref_slice %arg18[%dma_wait3A_211] : memref<3x!tpu.dma_semaphore, #tpu.memory_space<semaphore_mem>> -> memref<1x!tpu.dma_semaphore, #tpu.memory_space<semaphore_mem>>
        %dma_wait3A_219 = tpu.memref_squeeze %dma_wait3A_218 : memref<1x!tpu.dma_semaphore, #tpu.memory_space<semaphore_mem>> -> memref<!tpu.dma_semaphore, #tpu.memory_space<semaphore_mem>>
        tpu.wait_indirect_dma semaphore(%dma_wait3A_219 : memref<!tpu.dma_semaphore, #tpu.memory_space<semaphore_mem>>) src(%dma_wait3A_217 : memref<10000x128xf32, #tpu.memory_space<hbm>>) dst(%arg15 : memref<80x128xf32, #tpu.memory_space<vmem>>)
        %dma_start3A_220 = arith.constant 2 : i32
        %dma_start3A_221 = arith.constant 0 : i32
        %dma_start3A_222 = tpu.memref_slice %arg12[%add3A_210, %dma_start3A_221] : memref<63x80xi32, #tpu.memory_space<vmem>> -> memref<1x80xi32, #tpu.memory_space<vmem>>
        %dma_start3A_223 = tpu.memref_squeeze %dma_start3A_222 : memref<1x80xi32, #tpu.memory_space<vmem>> -> memref<80xi32, #tpu.memory_space<vmem>>
        %dma_start3A_224 = arith.constant 0 : i32
        %dma_start3A_225 = arith.constant 0 : i32
        %dma_start3A_226 = tpu.memref_slice %arg9[%dma_start3A_224, %dma_start3A_225] : memref<10240x128xf32, #tpu.memory_space<vmem_shared>> -> memref<10240x128xf32, #tpu.memory_space<vmem_shared>>
        %dma_start3A_227 = tpu.memref_slice %arg19[%dma_start3A_220] : memref<3x!tpu.dma_semaphore, #tpu.memory_space<semaphore_mem>> -> memref<1x!tpu.dma_semaphore, #tpu.memory_space<semaphore_mem>>
        %dma_start3A_228 = tpu.memref_squeeze %dma_start3A_227 : memref<1x!tpu.dma_semaphore, #tpu.memory_space<semaphore_mem>> -> memref<!tpu.dma_semaphore, #tpu.memory_space<semaphore_mem>>
        tpu.enqueue_indirect_dma source(%arg15 : memref<80x128xf32, #tpu.memory_space<vmem>>) target(%dma_start3A_226 : memref<10240x128xf32, #tpu.memory_space<vmem_shared>>) offsets(%dma_start3A_223 : memref<80xi32, #tpu.memory_space<vmem>>) semaphore(%dma_start3A_228 : memref<!tpu.dma_semaphore, #tpu.memory_space<semaphore_mem>>) {add = true}
        %ge3A_229 = arith.constant 1 : i32
        %ge3A_230 = arith.cmpi sge, %add3A_210, %ge3A_229 : i32
        %convert_element_type3A_231 = arith.extui %ge3A_230 : i1 to i32
        %cond3A_232 = arith.constant 0 : i32
        %cond3A_233 = arith.cmpi ne, %convert_element_type3A_231, %cond3A_232 : i32
        scf.if %cond3A_233 {
          %sub3A = arith.constant 1 : i32
          %sub3A_242 = arith.subi %add3A_210, %sub3A : i32
          %dma_wait3A_243 = arith.constant 1 : i32
          %dma_wait3A_244 = arith.constant 0 : i32
          %dma_wait3A_245 = tpu.memref_slice %arg12[%sub3A_242, %dma_wait3A_244] : memref<63x80xi32, #tpu.memory_space<vmem>> -> memref<1x80xi32, #tpu.memory_space<vmem>>
          %dma_wait3A_246 = tpu.memref_squeeze %dma_wait3A_245 : memref<1x80xi32, #tpu.memory_space<vmem>> -> memref<80xi32, #tpu.memory_space<vmem>>
          %dma_wait3A_247 = arith.constant 0 : i32
          %dma_wait3A_248 = arith.constant 0 : i32
          %dma_wait3A_249 = tpu.memref_slice %arg9[%dma_wait3A_247, %dma_wait3A_248] : memref<10240x128xf32, #tpu.memory_space<vmem_shared>> -> memref<10240x128xf32, #tpu.memory_space<vmem_shared>>
          %dma_wait3A_250 = tpu.memref_slice %arg19[%dma_wait3A_243] : memref<3x!tpu.dma_semaphore, #tpu.memory_space<semaphore_mem>> -> memref<1x!tpu.dma_semaphore, #tpu.memory_space<semaphore_mem>>
          %dma_wait3A_251 = tpu.memref_squeeze %dma_wait3A_250 : memref<1x!tpu.dma_semaphore, #tpu.memory_space<semaphore_mem>> -> memref<!tpu.dma_semaphore, #tpu.memory_space<semaphore_mem>>
          tpu.wait_indirect_dma semaphore(%dma_wait3A_251 : memref<!tpu.dma_semaphore, #tpu.memory_space<semaphore_mem>>) src(%arg14 : memref<80x128xf32, #tpu.memory_space<vmem>>) dst(%dma_wait3A_249 : memref<10240x128xf32, #tpu.memory_space<vmem_shared>>)
        } else {
        }
        %add3A_234 = arith.constant 2 : i32
        %add3A_235 = arith.addi %add3A_210, %add3A_234 : i32
        %lt3A_236 = arith.constant 63 : i32
        %lt3A_237 = arith.cmpi slt, %add3A_235, %lt3A_236 : i32
        %convert_element_type3A_238 = arith.extui %lt3A_237 : i1 to i32
        %cond3A_239 = arith.constant 0 : i32
        %cond3A_240 = arith.cmpi ne, %convert_element_type3A_238, %cond3A_239 : i32
        scf.if %cond3A_240 {
          %add3A_242 = arith.constant 2 : i32
          %add3A_243 = arith.addi %add3A_210, %add3A_242 : i32
          %dma_start3A_244 = arith.constant 1 : i32
          %dma_start3A_245 = arith.constant 0 : i32
          %dma_start3A_246 = tpu.memref_slice %arg11[%add3A_243, %dma_start3A_245] : memref<63x80xi32, #tpu.memory_space<vmem>> -> memref<1x80xi32, #tpu.memory_space<vmem>>
          %dma_start3A_247 = tpu.memref_squeeze %dma_start3A_246 : memref<1x80xi32, #tpu.memory_space<vmem>> -> memref<80xi32, #tpu.memory_space<vmem>>
          %dma_start3A_248 = arith.constant 0 : i32
          %dma_start3A_249 = arith.constant 0 : i32
          %dma_start3A_250 = tpu.memref_slice %arg3[%dma_start3A_248, %dma_start3A_249] : memref<10000x128xf32, #tpu.memory_space<hbm>> -> memref<10000x128xf32, #tpu.memory_space<hbm>>
          %dma_start3A_251 = tpu.memref_slice %arg18[%dma_start3A_244] : memref<3x!tpu.dma_semaphore, #tpu.memory_space<semaphore_mem>> -> memref<1x!tpu.dma_semaphore, #tpu.memory_space<semaphore_mem>>
          %dma_start3A_252 = tpu.memref_squeeze %dma_start3A_251 : memref<1x!tpu.dma_semaphore, #tpu.memory_space<semaphore_mem>> -> memref<!tpu.dma_semaphore, #tpu.memory_space<semaphore_mem>>
          tpu.enqueue_indirect_dma source(%dma_start3A_250 : memref<10000x128xf32, #tpu.memory_space<hbm>>) target(%arg14 : memref<80x128xf32, #tpu.memory_space<vmem>>) offsets(%dma_start3A_247 : memref<80xi32, #tpu.memory_space<vmem>>) semaphore(%dma_start3A_252 : memref<!tpu.dma_semaphore, #tpu.memory_space<semaphore_mem>>)
        } else {
        }
        %scan3A_241 = arith.constant 0 : i32
        scf.yield %scan3A_241 : i32
      }
      %scan3A_88 = arith.constant 21 : i32
      %dma_wait3A = arith.constant 62 : i32
      %dma_wait3A_89 = arith.constant 2 : i32
      %dma_wait3A_90 = arith.constant 0 : i32
      %dma_wait3A_91 = tpu.memref_slice %arg12[%dma_wait3A, %dma_wait3A_90] : memref<63x80xi32, #tpu.memory_space<vmem>> -> memref<1x80xi32, #tpu.memory_space<vmem>>
      %dma_wait3A_92 = tpu.memref_squeeze %dma_wait3A_91 : memref<1x80xi32, #tpu.memory_space<vmem>> -> memref<80xi32, #tpu.memory_space<vmem>>
      %dma_wait3A_93 = arith.constant 0 : i32
      %dma_wait3A_94 = arith.constant 0 : i32
      %dma_wait3A_95 = tpu.memref_slice %arg9[%dma_wait3A_93, %dma_wait3A_94] : memref<10240x128xf32, #tpu.memory_space<vmem_shared>> -> memref<10240x128xf32, #tpu.memory_space<vmem_shared>>
      %dma_wait3A_96 = tpu.memref_slice %arg19[%dma_wait3A_89] : memref<3x!tpu.dma_semaphore, #tpu.memory_space<semaphore_mem>> -> memref<1x!tpu.dma_semaphore, #tpu.memory_space<semaphore_mem>>
      %dma_wait3A_97 = tpu.memref_squeeze %dma_wait3A_96 : memref<1x!tpu.dma_semaphore, #tpu.memory_space<semaphore_mem>> -> memref<!tpu.dma_semaphore, #tpu.memory_space<semaphore_mem>>
      tpu.wait_indirect_dma semaphore(%dma_wait3A_97 : memref<!tpu.dma_semaphore, #tpu.memory_space<semaphore_mem>>) src(%arg15 : memref<80x128xf32, #tpu.memory_space<vmem>>) dst(%dma_wait3A_95 : memref<10240x128xf32, #tpu.memory_space<vmem_shared>>)
      %mul3A_98 = arith.constant 2 : i32
      %mul3A_99 = arith.muli %arg1, %mul3A_98 : i32
      %add3A_100 = arith.constant 1 : i32
      %add3A_101 = arith.addi %mul3A_99, %add3A_100 : i32
      "tpu.region"() ({
        %run_scoped3A = tpu.sem_alloc : memref<!tpu.dma_semaphore, #tpu.memory_space<semaphore_mem>>
        %dma_start3A_139 = arith.constant 0 : i32
        %dma_start3A_140 = arith.constant 0 : i32
        %dma_start3A_141 = tpu.memref_slice %arg4[%add3A_101, %dma_start3A_139, %dma_start3A_140] : memref<32x63x80xi32, #tpu.memory_space<hbm>> -> memref<1x63x80xi32, #tpu.memory_space<hbm>>
        %dma_start3A_142 = tpu.memref_squeeze %dma_start3A_141 : memref<1x63x80xi32, #tpu.memory_space<hbm>> -> memref<63x80xi32, #tpu.memory_space<hbm>>
        %dma_start3A_143 = arith.constant 0 : i32
        %dma_start3A_144 = arith.constant 0 : i32
        %dma_start3A_145 = tpu.memref_slice %arg4[%add3A_101, %dma_start3A_143, %dma_start3A_144] : memref<32x63x80xi32, #tpu.memory_space<hbm>> -> memref<1x63x80xi32, #tpu.memory_space<hbm>>
        %dma_start3A_146 = tpu.memref_squeeze %dma_start3A_145 : memref<1x63x80xi32, #tpu.memory_space<hbm>> -> memref<63x80xi32, #tpu.memory_space<hbm>>
        tpu.enqueue_dma source(%dma_start3A_146 : memref<63x80xi32, #tpu.memory_space<hbm>>) target(%arg11 : memref<63x80xi32, #tpu.memory_space<vmem>>) target_semaphore(%run_scoped3A : memref<!tpu.dma_semaphore, #tpu.memory_space<semaphore_mem>>)
        %dma_wait3A_147 = arith.constant 0 : i32
        %dma_wait3A_148 = arith.constant 0 : i32
        %dma_wait3A_149 = tpu.memref_slice %arg4[%add3A_101, %dma_wait3A_147, %dma_wait3A_148] : memref<32x63x80xi32, #tpu.memory_space<hbm>> -> memref<1x63x80xi32, #tpu.memory_space<hbm>>
        %dma_wait3A_150 = tpu.memref_squeeze %dma_wait3A_149 : memref<1x63x80xi32, #tpu.memory_space<hbm>> -> memref<63x80xi32, #tpu.memory_space<hbm>>
        %dma_wait3A_151 = arith.constant 0 : i32
        %dma_wait3A_152 = arith.constant 0 : i32
        %dma_wait3A_153 = tpu.memref_slice %arg4[%add3A_101, %dma_wait3A_151, %dma_wait3A_152] : memref<32x63x80xi32, #tpu.memory_space<hbm>> -> memref<1x63x80xi32, #tpu.memory_space<hbm>>
        %dma_wait3A_154 = tpu.memref_squeeze %dma_wait3A_153 : memref<1x63x80xi32, #tpu.memory_space<hbm>> -> memref<63x80xi32, #tpu.memory_space<hbm>>
        tpu.wait_dma2 semaphore(%run_scoped3A : memref<!tpu.dma_semaphore, #tpu.memory_space<semaphore_mem>>) src(%dma_wait3A_154 : memref<63x80xi32, #tpu.memory_space<hbm>>) dst(%arg11 : memref<63x80xi32, #tpu.memory_space<vmem>>)
        tpu.yield
      }) : () -> ()
      "tpu.region"() ({
        %run_scoped3A = tpu.sem_alloc : memref<!tpu.dma_semaphore, #tpu.memory_space<semaphore_mem>>
        %dma_start3A_139 = arith.constant 0 : i32
        %dma_start3A_140 = arith.constant 0 : i32
        %dma_start3A_141 = tpu.memref_slice %arg5[%add3A_101, %dma_start3A_139, %dma_start3A_140] : memref<32x63x80xi32, #tpu.memory_space<hbm>> -> memref<1x63x80xi32, #tpu.memory_space<hbm>>
        %dma_start3A_142 = tpu.memref_squeeze %dma_start3A_141 : memref<1x63x80xi32, #tpu.memory_space<hbm>> -> memref<63x80xi32, #tpu.memory_space<hbm>>
        %dma_start3A_143 = arith.constant 0 : i32
        %dma_start3A_144 = arith.constant 0 : i32
        %dma_start3A_145 = tpu.memref_slice %arg5[%add3A_101, %dma_start3A_143, %dma_start3A_144] : memref<32x63x80xi32, #tpu.memory_space<hbm>> -> memref<1x63x80xi32, #tpu.memory_space<hbm>>
        %dma_start3A_146 = tpu.memref_squeeze %dma_start3A_145 : memref<1x63x80xi32, #tpu.memory_space<hbm>> -> memref<63x80xi32, #tpu.memory_space<hbm>>
        tpu.enqueue_dma source(%dma_start3A_146 : memref<63x80xi32, #tpu.memory_space<hbm>>) target(%arg12 : memref<63x80xi32, #tpu.memory_space<vmem>>) target_semaphore(%run_scoped3A : memref<!tpu.dma_semaphore, #tpu.memory_space<semaphore_mem>>)
        %dma_wait3A_147 = arith.constant 0 : i32
        %dma_wait3A_148 = arith.constant 0 : i32
        %dma_wait3A_149 = tpu.memref_slice %arg5[%add3A_101, %dma_wait3A_147, %dma_wait3A_148] : memref<32x63x80xi32, #tpu.memory_space<hbm>> -> memref<1x63x80xi32, #tpu.memory_space<hbm>>
        %dma_wait3A_150 = tpu.memref_squeeze %dma_wait3A_149 : memref<1x63x80xi32, #tpu.memory_space<hbm>> -> memref<63x80xi32, #tpu.memory_space<hbm>>
        %dma_wait3A_151 = arith.constant 0 : i32
        %dma_wait3A_152 = arith.constant 0 : i32
        %dma_wait3A_153 = tpu.memref_slice %arg5[%add3A_101, %dma_wait3A_151, %dma_wait3A_152] : memref<32x63x80xi32, #tpu.memory_space<hbm>> -> memref<1x63x80xi32, #tpu.memory_space<hbm>>
        %dma_wait3A_154 = tpu.memref_squeeze %dma_wait3A_153 : memref<1x63x80xi32, #tpu.memory_space<hbm>> -> memref<63x80xi32, #tpu.memory_space<hbm>>
        tpu.wait_dma2 semaphore(%run_scoped3A : memref<!tpu.dma_semaphore, #tpu.memory_space<semaphore_mem>>) src(%dma_wait3A_154 : memref<63x80xi32, #tpu.memory_space<hbm>>) dst(%arg12 : memref<63x80xi32, #tpu.memory_space<vmem>>)
        tpu.yield
      }) : () -> ()
      %dma_start3A_102 = arith.constant 0 : i32
      %dma_start3A_103 = arith.constant 0 : i32
      %dma_start3A_104 = arith.constant 0 : i32
      %dma_start3A_105 = tpu.memref_slice %arg11[%dma_start3A_102, %dma_start3A_104] : memref<63x80xi32, #tpu.memory_space<vmem>> -> memref<1x80xi32, #tpu.memory_space<vmem>>
      %dma_start3A_106 = tpu.memref_squeeze %dma_start3A_105 : memref<1x80xi32, #tpu.memory_space<vmem>> -> memref<80xi32, #tpu.memory_space<vmem>>
      %dma_start3A_107 = arith.constant 0 : i32
      %dma_start3A_108 = arith.constant 0 : i32
      %dma_start3A_109 = tpu.memref_slice %arg3[%dma_start3A_107, %dma_start3A_108] : memref<10000x128xf32, #tpu.memory_space<hbm>> -> memref<10000x128xf32, #tpu.memory_space<hbm>>
      %dma_start3A_110 = tpu.memref_slice %arg18[%dma_start3A_103] : memref<3x!tpu.dma_semaphore, #tpu.memory_space<semaphore_mem>> -> memref<1x!tpu.dma_semaphore, #tpu.memory_space<semaphore_mem>>
      %dma_start3A_111 = tpu.memref_squeeze %dma_start3A_110 : memref<1x!tpu.dma_semaphore, #tpu.memory_space<semaphore_mem>> -> memref<!tpu.dma_semaphore, #tpu.memory_space<semaphore_mem>>
      tpu.enqueue_indirect_dma source(%dma_start3A_109 : memref<10000x128xf32, #tpu.memory_space<hbm>>) target(%arg13 : memref<80x128xf32, #tpu.memory_space<vmem>>) offsets(%dma_start3A_106 : memref<80xi32, #tpu.memory_space<vmem>>) semaphore(%dma_start3A_111 : memref<!tpu.dma_semaphore, #tpu.memory_space<semaphore_mem>>)
      %dma_start3A_112 = arith.constant 1 : i32
      %dma_start3A_113 = arith.constant 1 : i32
      %dma_start3A_114 = arith.constant 0 : i32
      %dma_start3A_115 = tpu.memref_slice %arg11[%dma_start3A_112, %dma_start3A_114] : memref<63x80xi32, #tpu.memory_space<vmem>> -> memref<1x80xi32, #tpu.memory_space<vmem>>
      %dma_start3A_116 = tpu.memref_squeeze %dma_start3A_115 : memref<1x80xi32, #tpu.memory_space<vmem>> -> memref<80xi32, #tpu.memory_space<vmem>>
      %dma_start3A_117 = arith.constant 0 : i32
      %dma_start3A_118 = arith.constant 0 : i32
      %dma_start3A_119 = tpu.memref_slice %arg3[%dma_start3A_117, %dma_start3A_118] : memref<10000x128xf32, #tpu.memory_space<hbm>> -> memref<10000x128xf32, #tpu.memory_space<hbm>>
      %dma_start3A_120 = tpu.memref_slice %arg18[%dma_start3A_113] : memref<3x!tpu.dma_semaphore, #tpu.memory_space<semaphore_mem>> -> memref<1x!tpu.dma_semaphore, #tpu.memory_space<semaphore_mem>>
      %dma_start3A_121 = tpu.memref_squeeze %dma_start3A_120 : memref<1x!tpu.dma_semaphore, #tpu.memory_space<semaphore_mem>> -> memref<!tpu.dma_semaphore, #tpu.memory_space<semaphore_mem>>
      tpu.enqueue_indirect_dma source(%dma_start3A_119 : memref<10000x128xf32, #tpu.memory_space<hbm>>) target(%arg14 : memref<80x128xf32, #tpu.memory_space<vmem>>) offsets(%dma_start3A_116 : memref<80xi32, #tpu.memory_space<vmem>>) semaphore(%dma_start3A_121 : memref<!tpu.dma_semaphore, #tpu.memory_space<semaphore_mem>>)
      %scan3A_122 = arith.constant 0 : i32
      %scan3A_123 = arith.constant 0 : i32
      %scan3A_124 = arith.constant 21 : i32
      %scan3A_125 = arith.addi %scan3A_123, %scan3A_124 : i32
      %scan3A_126 = arith.constant 1 : i32
      %scan3A_127 = scf.for %scan3A_139 = %scan3A_123 to %scan3A_125 step %scan3A_126 iter_args(%scan3A_140 = %scan3A_122) -> (i32)  : i32 {
        %mul3A_141 = arith.constant 3 : i32
        %mul3A_142 = arith.muli %scan3A_139, %mul3A_141 : i32
        %add3A_143 = arith.constant 0 : i32
        %add3A_144 = arith.addi %mul3A_142, %add3A_143 : i32
        %dma_wait3A_145 = arith.constant 0 : i32
        %dma_wait3A_146 = arith.constant 0 : i32
        %dma_wait3A_147 = tpu.memref_slice %arg11[%add3A_144, %dma_wait3A_146] : memref<63x80xi32, #tpu.memory_space<vmem>> -> memref<1x80xi32, #tpu.memory_space<vmem>>
        %dma_wait3A_148 = tpu.memref_squeeze %dma_wait3A_147 : memref<1x80xi32, #tpu.memory_space<vmem>> -> memref<80xi32, #tpu.memory_space<vmem>>
        %dma_wait3A_149 = arith.constant 0 : i32
        %dma_wait3A_150 = arith.constant 0 : i32
        %dma_wait3A_151 = tpu.memref_slice %arg3[%dma_wait3A_149, %dma_wait3A_150] : memref<10000x128xf32, #tpu.memory_space<hbm>> -> memref<10000x128xf32, #tpu.memory_space<hbm>>
        %dma_wait3A_152 = tpu.memref_slice %arg18[%dma_wait3A_145] : memref<3x!tpu.dma_semaphore, #tpu.memory_space<semaphore_mem>> -> memref<1x!tpu.dma_semaphore, #tpu.memory_space<semaphore_mem>>
        %dma_wait3A_153 = tpu.memref_squeeze %dma_wait3A_152 : memref<1x!tpu.dma_semaphore, #tpu.memory_space<semaphore_mem>> -> memref<!tpu.dma_semaphore, #tpu.memory_space<semaphore_mem>>
        tpu.wait_indirect_dma semaphore(%dma_wait3A_153 : memref<!tpu.dma_semaphore, #tpu.memory_space<semaphore_mem>>) src(%dma_wait3A_151 : memref<10000x128xf32, #tpu.memory_space<hbm>>) dst(%arg13 : memref<80x128xf32, #tpu.memory_space<vmem>>)
        %dma_start3A_154 = arith.constant 0 : i32
        %dma_start3A_155 = arith.constant 0 : i32
        %dma_start3A_156 = tpu.memref_slice %arg12[%add3A_144, %dma_start3A_155] : memref<63x80xi32, #tpu.memory_space<vmem>> -> memref<1x80xi32, #tpu.memory_space<vmem>>
        %dma_start3A_157 = tpu.memref_squeeze %dma_start3A_156 : memref<1x80xi32, #tpu.memory_space<vmem>> -> memref<80xi32, #tpu.memory_space<vmem>>
        %dma_start3A_158 = arith.constant 0 : i32
        %dma_start3A_159 = arith.constant 0 : i32
        %dma_start3A_160 = tpu.memref_slice %arg9[%dma_start3A_158, %dma_start3A_159] : memref<10240x128xf32, #tpu.memory_space<vmem_shared>> -> memref<10240x128xf32, #tpu.memory_space<vmem_shared>>
        %dma_start3A_161 = tpu.memref_slice %arg19[%dma_start3A_154] : memref<3x!tpu.dma_semaphore, #tpu.memory_space<semaphore_mem>> -> memref<1x!tpu.dma_semaphore, #tpu.memory_space<semaphore_mem>>
        %dma_start3A_162 = tpu.memref_squeeze %dma_start3A_161 : memref<1x!tpu.dma_semaphore, #tpu.memory_space<semaphore_mem>> -> memref<!tpu.dma_semaphore, #tpu.memory_space<semaphore_mem>>
        tpu.enqueue_indirect_dma source(%arg13 : memref<80x128xf32, #tpu.memory_space<vmem>>) target(%dma_start3A_160 : memref<10240x128xf32, #tpu.memory_space<vmem_shared>>) offsets(%dma_start3A_157 : memref<80xi32, #tpu.memory_space<vmem>>) semaphore(%dma_start3A_162 : memref<!tpu.dma_semaphore, #tpu.memory_space<semaphore_mem>>) {add = true}
        %ge3A = arith.constant 1 : i32
        %ge3A_163 = arith.cmpi sge, %add3A_144, %ge3A : i32
        %convert_element_type3A_164 = arith.extui %ge3A_163 : i1 to i32
        %cond3A_165 = arith.constant 0 : i32
        %cond3A_166 = arith.cmpi ne, %convert_element_type3A_164, %cond3A_165 : i32
        scf.if %cond3A_166 {
          %sub3A = arith.constant 1 : i32
          %sub3A_242 = arith.subi %add3A_144, %sub3A : i32
          %dma_wait3A_243 = arith.constant 2 : i32
          %dma_wait3A_244 = arith.constant 0 : i32
          %dma_wait3A_245 = tpu.memref_slice %arg12[%sub3A_242, %dma_wait3A_244] : memref<63x80xi32, #tpu.memory_space<vmem>> -> memref<1x80xi32, #tpu.memory_space<vmem>>
          %dma_wait3A_246 = tpu.memref_squeeze %dma_wait3A_245 : memref<1x80xi32, #tpu.memory_space<vmem>> -> memref<80xi32, #tpu.memory_space<vmem>>
          %dma_wait3A_247 = arith.constant 0 : i32
          %dma_wait3A_248 = arith.constant 0 : i32
          %dma_wait3A_249 = tpu.memref_slice %arg9[%dma_wait3A_247, %dma_wait3A_248] : memref<10240x128xf32, #tpu.memory_space<vmem_shared>> -> memref<10240x128xf32, #tpu.memory_space<vmem_shared>>
          %dma_wait3A_250 = tpu.memref_slice %arg19[%dma_wait3A_243] : memref<3x!tpu.dma_semaphore, #tpu.memory_space<semaphore_mem>> -> memref<1x!tpu.dma_semaphore, #tpu.memory_space<semaphore_mem>>
          %dma_wait3A_251 = tpu.memref_squeeze %dma_wait3A_250 : memref<1x!tpu.dma_semaphore, #tpu.memory_space<semaphore_mem>> -> memref<!tpu.dma_semaphore, #tpu.memory_space<semaphore_mem>>
          tpu.wait_indirect_dma semaphore(%dma_wait3A_251 : memref<!tpu.dma_semaphore, #tpu.memory_space<semaphore_mem>>) src(%arg15 : memref<80x128xf32, #tpu.memory_space<vmem>>) dst(%dma_wait3A_249 : memref<10240x128xf32, #tpu.memory_space<vmem_shared>>)
        } else {
        }
        %add3A_167 = arith.constant 2 : i32
        %add3A_168 = arith.addi %add3A_144, %add3A_167 : i32
        %lt3A = arith.constant 63 : i32
        %lt3A_169 = arith.cmpi slt, %add3A_168, %lt3A : i32
        %convert_element_type3A_170 = arith.extui %lt3A_169 : i1 to i32
        %cond3A_171 = arith.constant 0 : i32
        %cond3A_172 = arith.cmpi ne, %convert_element_type3A_170, %cond3A_171 : i32
        scf.if %cond3A_172 {
          %add3A_242 = arith.constant 2 : i32
          %add3A_243 = arith.addi %add3A_144, %add3A_242 : i32
          %dma_start3A_244 = arith.constant 2 : i32
          %dma_start3A_245 = arith.constant 0 : i32
          %dma_start3A_246 = tpu.memref_slice %arg11[%add3A_243, %dma_start3A_245] : memref<63x80xi32, #tpu.memory_space<vmem>> -> memref<1x80xi32, #tpu.memory_space<vmem>>
          %dma_start3A_247 = tpu.memref_squeeze %dma_start3A_246 : memref<1x80xi32, #tpu.memory_space<vmem>> -> memref<80xi32, #tpu.memory_space<vmem>>
          %dma_start3A_248 = arith.constant 0 : i32
          %dma_start3A_249 = arith.constant 0 : i32
          %dma_start3A_250 = tpu.memref_slice %arg3[%dma_start3A_248, %dma_start3A_249] : memref<10000x128xf32, #tpu.memory_space<hbm>> -> memref<10000x128xf32, #tpu.memory_space<hbm>>
          %dma_start3A_251 = tpu.memref_slice %arg18[%dma_start3A_244] : memref<3x!tpu.dma_semaphore, #tpu.memory_space<semaphore_mem>> -> memref<1x!tpu.dma_semaphore, #tpu.memory_space<semaphore_mem>>
          %dma_start3A_252 = tpu.memref_squeeze %dma_start3A_251 : memref<1x!tpu.dma_semaphore, #tpu.memory_space<semaphore_mem>> -> memref<!tpu.dma_semaphore, #tpu.memory_space<semaphore_mem>>
          tpu.enqueue_indirect_dma source(%dma_start3A_250 : memref<10000x128xf32, #tpu.memory_space<hbm>>) target(%arg15 : memref<80x128xf32, #tpu.memory_space<vmem>>) offsets(%dma_start3A_247 : memref<80xi32, #tpu.memory_space<vmem>>) semaphore(%dma_start3A_252 : memref<!tpu.dma_semaphore, #tpu.memory_space<semaphore_mem>>)
        } else {
        }
        %mul3A_173 = arith.constant 3 : i32
        %mul3A_174 = arith.muli %scan3A_139, %mul3A_173 : i32
        %add3A_175 = arith.constant 1 : i32
        %add3A_176 = arith.addi %mul3A_174, %add3A_175 : i32
        %dma_wait3A_177 = arith.constant 1 : i32
        %dma_wait3A_178 = arith.constant 0 : i32
        %dma_wait3A_179 = tpu.memref_slice %arg11[%add3A_176, %dma_wait3A_178] : memref<63x80xi32, #tpu.memory_space<vmem>> -> memref<1x80xi32, #tpu.memory_space<vmem>>
        %dma_wait3A_180 = tpu.memref_squeeze %dma_wait3A_179 : memref<1x80xi32, #tpu.memory_space<vmem>> -> memref<80xi32, #tpu.memory_space<vmem>>
        %dma_wait3A_181 = arith.constant 0 : i32
        %dma_wait3A_182 = arith.constant 0 : i32
        %dma_wait3A_183 = tpu.memref_slice %arg3[%dma_wait3A_181, %dma_wait3A_182] : memref<10000x128xf32, #tpu.memory_space<hbm>> -> memref<10000x128xf32, #tpu.memory_space<hbm>>
        %dma_wait3A_184 = tpu.memref_slice %arg18[%dma_wait3A_177] : memref<3x!tpu.dma_semaphore, #tpu.memory_space<semaphore_mem>> -> memref<1x!tpu.dma_semaphore, #tpu.memory_space<semaphore_mem>>
        %dma_wait3A_185 = tpu.memref_squeeze %dma_wait3A_184 : memref<1x!tpu.dma_semaphore, #tpu.memory_space<semaphore_mem>> -> memref<!tpu.dma_semaphore, #tpu.memory_space<semaphore_mem>>
        tpu.wait_indirect_dma semaphore(%dma_wait3A_185 : memref<!tpu.dma_semaphore, #tpu.memory_space<semaphore_mem>>) src(%dma_wait3A_183 : memref<10000x128xf32, #tpu.memory_space<hbm>>) dst(%arg14 : memref<80x128xf32, #tpu.memory_space<vmem>>)
        %dma_start3A_186 = arith.constant 1 : i32
        %dma_start3A_187 = arith.constant 0 : i32
        %dma_start3A_188 = tpu.memref_slice %arg12[%add3A_176, %dma_start3A_187] : memref<63x80xi32, #tpu.memory_space<vmem>> -> memref<1x80xi32, #tpu.memory_space<vmem>>
        %dma_start3A_189 = tpu.memref_squeeze %dma_start3A_188 : memref<1x80xi32, #tpu.memory_space<vmem>> -> memref<80xi32, #tpu.memory_space<vmem>>
        %dma_start3A_190 = arith.constant 0 : i32
        %dma_start3A_191 = arith.constant 0 : i32
        %dma_start3A_192 = tpu.memref_slice %arg9[%dma_start3A_190, %dma_start3A_191] : memref<10240x128xf32, #tpu.memory_space<vmem_shared>> -> memref<10240x128xf32, #tpu.memory_space<vmem_shared>>
        %dma_start3A_193 = tpu.memref_slice %arg19[%dma_start3A_186] : memref<3x!tpu.dma_semaphore, #tpu.memory_space<semaphore_mem>> -> memref<1x!tpu.dma_semaphore, #tpu.memory_space<semaphore_mem>>
        %dma_start3A_194 = tpu.memref_squeeze %dma_start3A_193 : memref<1x!tpu.dma_semaphore, #tpu.memory_space<semaphore_mem>> -> memref<!tpu.dma_semaphore, #tpu.memory_space<semaphore_mem>>
        tpu.enqueue_indirect_dma source(%arg14 : memref<80x128xf32, #tpu.memory_space<vmem>>) target(%dma_start3A_192 : memref<10240x128xf32, #tpu.memory_space<vmem_shared>>) offsets(%dma_start3A_189 : memref<80xi32, #tpu.memory_space<vmem>>) semaphore(%dma_start3A_194 : memref<!tpu.dma_semaphore, #tpu.memory_space<semaphore_mem>>) {add = true}
        %ge3A_195 = arith.constant 1 : i32
        %ge3A_196 = arith.cmpi sge, %add3A_176, %ge3A_195 : i32
        %convert_element_type3A_197 = arith.extui %ge3A_196 : i1 to i32
        %cond3A_198 = arith.constant 0 : i32
        %cond3A_199 = arith.cmpi ne, %convert_element_type3A_197, %cond3A_198 : i32
        scf.if %cond3A_199 {
          %sub3A = arith.constant 1 : i32
          %sub3A_242 = arith.subi %add3A_176, %sub3A : i32
          %dma_wait3A_243 = arith.constant 0 : i32
          %dma_wait3A_244 = arith.constant 0 : i32
          %dma_wait3A_245 = tpu.memref_slice %arg12[%sub3A_242, %dma_wait3A_244] : memref<63x80xi32, #tpu.memory_space<vmem>> -> memref<1x80xi32, #tpu.memory_space<vmem>>
          %dma_wait3A_246 = tpu.memref_squeeze %dma_wait3A_245 : memref<1x80xi32, #tpu.memory_space<vmem>> -> memref<80xi32, #tpu.memory_space<vmem>>
          %dma_wait3A_247 = arith.constant 0 : i32
          %dma_wait3A_248 = arith.constant 0 : i32
          %dma_wait3A_249 = tpu.memref_slice %arg9[%dma_wait3A_247, %dma_wait3A_248] : memref<10240x128xf32, #tpu.memory_space<vmem_shared>> -> memref<10240x128xf32, #tpu.memory_space<vmem_shared>>
          %dma_wait3A_250 = tpu.memref_slice %arg19[%dma_wait3A_243] : memref<3x!tpu.dma_semaphore, #tpu.memory_space<semaphore_mem>> -> memref<1x!tpu.dma_semaphore, #tpu.memory_space<semaphore_mem>>
          %dma_wait3A_251 = tpu.memref_squeeze %dma_wait3A_250 : memref<1x!tpu.dma_semaphore, #tpu.memory_space<semaphore_mem>> -> memref<!tpu.dma_semaphore, #tpu.memory_space<semaphore_mem>>
          tpu.wait_indirect_dma semaphore(%dma_wait3A_251 : memref<!tpu.dma_semaphore, #tpu.memory_space<semaphore_mem>>) src(%arg13 : memref<80x128xf32, #tpu.memory_space<vmem>>) dst(%dma_wait3A_249 : memref<10240x128xf32, #tpu.memory_space<vmem_shared>>)
        } else {
        }
        %add3A_200 = arith.constant 2 : i32
        %add3A_201 = arith.addi %add3A_176, %add3A_200 : i32
        %lt3A_202 = arith.constant 63 : i32
        %lt3A_203 = arith.cmpi slt, %add3A_201, %lt3A_202 : i32
        %convert_element_type3A_204 = arith.extui %lt3A_203 : i1 to i32
        %cond3A_205 = arith.constant 0 : i32
        %cond3A_206 = arith.cmpi ne, %convert_element_type3A_204, %cond3A_205 : i32
        scf.if %cond3A_206 {
          %add3A_242 = arith.constant 2 : i32
          %add3A_243 = arith.addi %add3A_176, %add3A_242 : i32
          %dma_start3A_244 = arith.constant 0 : i32
          %dma_start3A_245 = arith.constant 0 : i32
          %dma_start3A_246 = tpu.memref_slice %arg11[%add3A_243, %dma_start3A_245] : memref<63x80xi32, #tpu.memory_space<vmem>> -> memref<1x80xi32, #tpu.memory_space<vmem>>
          %dma_start3A_247 = tpu.memref_squeeze %dma_start3A_246 : memref<1x80xi32, #tpu.memory_space<vmem>> -> memref<80xi32, #tpu.memory_space<vmem>>
          %dma_start3A_248 = arith.constant 0 : i32
          %dma_start3A_249 = arith.constant 0 : i32
          %dma_start3A_250 = tpu.memref_slice %arg3[%dma_start3A_248, %dma_start3A_249] : memref<10000x128xf32, #tpu.memory_space<hbm>> -> memref<10000x128xf32, #tpu.memory_space<hbm>>
          %dma_start3A_251 = tpu.memref_slice %arg18[%dma_start3A_244] : memref<3x!tpu.dma_semaphore, #tpu.memory_space<semaphore_mem>> -> memref<1x!tpu.dma_semaphore, #tpu.memory_space<semaphore_mem>>
          %dma_start3A_252 = tpu.memref_squeeze %dma_start3A_251 : memref<1x!tpu.dma_semaphore, #tpu.memory_space<semaphore_mem>> -> memref<!tpu.dma_semaphore, #tpu.memory_space<semaphore_mem>>
          tpu.enqueue_indirect_dma source(%dma_start3A_250 : memref<10000x128xf32, #tpu.memory_space<hbm>>) target(%arg13 : memref<80x128xf32, #tpu.memory_space<vmem>>) offsets(%dma_start3A_247 : memref<80xi32, #tpu.memory_space<vmem>>) semaphore(%dma_start3A_252 : memref<!tpu.dma_semaphore, #tpu.memory_space<semaphore_mem>>)
        } else {
        }
        %mul3A_207 = arith.constant 3 : i32
        %mul3A_208 = arith.muli %scan3A_139, %mul3A_207 : i32
        %add3A_209 = arith.constant 2 : i32
        %add3A_210 = arith.addi %mul3A_208, %add3A_209 : i32
        %dma_wait3A_211 = arith.constant 2 : i32
        %dma_wait3A_212 = arith.constant 0 : i32
        %dma_wait3A_213 = tpu.memref_slice %arg11[%add3A_210, %dma_wait3A_212] : memref<63x80xi32, #tpu.memory_space<vmem>> -> memref<1x80xi32, #tpu.memory_space<vmem>>
        %dma_wait3A_214 = tpu.memref_squeeze %dma_wait3A_213 : memref<1x80xi32, #tpu.memory_space<vmem>> -> memref<80xi32, #tpu.memory_space<vmem>>
        %dma_wait3A_215 = arith.constant 0 : i32
        %dma_wait3A_216 = arith.constant 0 : i32
        %dma_wait3A_217 = tpu.memref_slice %arg3[%dma_wait3A_215, %dma_wait3A_216] : memref<10000x128xf32, #tpu.memory_space<hbm>> -> memref<10000x128xf32, #tpu.memory_space<hbm>>
        %dma_wait3A_218 = tpu.memref_slice %arg18[%dma_wait3A_211] : memref<3x!tpu.dma_semaphore, #tpu.memory_space<semaphore_mem>> -> memref<1x!tpu.dma_semaphore, #tpu.memory_space<semaphore_mem>>
        %dma_wait3A_219 = tpu.memref_squeeze %dma_wait3A_218 : memref<1x!tpu.dma_semaphore, #tpu.memory_space<semaphore_mem>> -> memref<!tpu.dma_semaphore, #tpu.memory_space<semaphore_mem>>
        tpu.wait_indirect_dma semaphore(%dma_wait3A_219 : memref<!tpu.dma_semaphore, #tpu.memory_space<semaphore_mem>>) src(%dma_wait3A_217 : memref<10000x128xf32, #tpu.memory_space<hbm>>) dst(%arg15 : memref<80x128xf32, #tpu.memory_space<vmem>>)
        %dma_start3A_220 = arith.constant 2 : i32
        %dma_start3A_221 = arith.constant 0 : i32
        %dma_start3A_222 = tpu.memref_slice %arg12[%add3A_210, %dma_start3A_221] : memref<63x80xi32, #tpu.memory_space<vmem>> -> memref<1x80xi32, #tpu.memory_space<vmem>>
        %dma_start3A_223 = tpu.memref_squeeze %dma_start3A_222 : memref<1x80xi32, #tpu.memory_space<vmem>> -> memref<80xi32, #tpu.memory_space<vmem>>
        %dma_start3A_224 = arith.constant 0 : i32
        %dma_start3A_225 = arith.constant 0 : i32
        %dma_start3A_226 = tpu.memref_slice %arg9[%dma_start3A_224, %dma_start3A_225] : memref<10240x128xf32, #tpu.memory_space<vmem_shared>> -> memref<10240x128xf32, #tpu.memory_space<vmem_shared>>
        %dma_start3A_227 = tpu.memref_slice %arg19[%dma_start3A_220] : memref<3x!tpu.dma_semaphore, #tpu.memory_space<semaphore_mem>> -> memref<1x!tpu.dma_semaphore, #tpu.memory_space<semaphore_mem>>
        %dma_start3A_228 = tpu.memref_squeeze %dma_start3A_227 : memref<1x!tpu.dma_semaphore, #tpu.memory_space<semaphore_mem>> -> memref<!tpu.dma_semaphore, #tpu.memory_space<semaphore_mem>>
        tpu.enqueue_indirect_dma source(%arg15 : memref<80x128xf32, #tpu.memory_space<vmem>>) target(%dma_start3A_226 : memref<10240x128xf32, #tpu.memory_space<vmem_shared>>) offsets(%dma_start3A_223 : memref<80xi32, #tpu.memory_space<vmem>>) semaphore(%dma_start3A_228 : memref<!tpu.dma_semaphore, #tpu.memory_space<semaphore_mem>>) {add = true}
        %ge3A_229 = arith.constant 1 : i32
        %ge3A_230 = arith.cmpi sge, %add3A_210, %ge3A_229 : i32
        %convert_element_type3A_231 = arith.extui %ge3A_230 : i1 to i32
        %cond3A_232 = arith.constant 0 : i32
        %cond3A_233 = arith.cmpi ne, %convert_element_type3A_231, %cond3A_232 : i32
        scf.if %cond3A_233 {
          %sub3A = arith.constant 1 : i32
          %sub3A_242 = arith.subi %add3A_210, %sub3A : i32
          %dma_wait3A_243 = arith.constant 1 : i32
          %dma_wait3A_244 = arith.constant 0 : i32
          %dma_wait3A_245 = tpu.memref_slice %arg12[%sub3A_242, %dma_wait3A_244] : memref<63x80xi32, #tpu.memory_space<vmem>> -> memref<1x80xi32, #tpu.memory_space<vmem>>
          %dma_wait3A_246 = tpu.memref_squeeze %dma_wait3A_245 : memref<1x80xi32, #tpu.memory_space<vmem>> -> memref<80xi32, #tpu.memory_space<vmem>>
          %dma_wait3A_247 = arith.constant 0 : i32
          %dma_wait3A_248 = arith.constant 0 : i32
          %dma_wait3A_249 = tpu.memref_slice %arg9[%dma_wait3A_247, %dma_wait3A_248] : memref<10240x128xf32, #tpu.memory_space<vmem_shared>> -> memref<10240x128xf32, #tpu.memory_space<vmem_shared>>
          %dma_wait3A_250 = tpu.memref_slice %arg19[%dma_wait3A_243] : memref<3x!tpu.dma_semaphore, #tpu.memory_space<semaphore_mem>> -> memref<1x!tpu.dma_semaphore, #tpu.memory_space<semaphore_mem>>
          %dma_wait3A_251 = tpu.memref_squeeze %dma_wait3A_250 : memref<1x!tpu.dma_semaphore, #tpu.memory_space<semaphore_mem>> -> memref<!tpu.dma_semaphore, #tpu.memory_space<semaphore_mem>>
          tpu.wait_indirect_dma semaphore(%dma_wait3A_251 : memref<!tpu.dma_semaphore, #tpu.memory_space<semaphore_mem>>) src(%arg14 : memref<80x128xf32, #tpu.memory_space<vmem>>) dst(%dma_wait3A_249 : memref<10240x128xf32, #tpu.memory_space<vmem_shared>>)
        } else {
        }
        %add3A_234 = arith.constant 2 : i32
        %add3A_235 = arith.addi %add3A_210, %add3A_234 : i32
        %lt3A_236 = arith.constant 63 : i32
        %lt3A_237 = arith.cmpi slt, %add3A_235, %lt3A_236 : i32
        %convert_element_type3A_238 = arith.extui %lt3A_237 : i1 to i32
        %cond3A_239 = arith.constant 0 : i32
        %cond3A_240 = arith.cmpi ne, %convert_element_type3A_238, %cond3A_239 : i32
        scf.if %cond3A_240 {
          %add3A_242 = arith.constant 2 : i32
          %add3A_243 = arith.addi %add3A_210, %add3A_242 : i32
          %dma_start3A_244 = arith.constant 1 : i32
          %dma_start3A_245 = arith.constant 0 : i32
          %dma_start3A_246 = tpu.memref_slice %arg11[%add3A_243, %dma_start3A_245] : memref<63x80xi32, #tpu.memory_space<vmem>> -> memref<1x80xi32, #tpu.memory_space<vmem>>
          %dma_start3A_247 = tpu.memref_squeeze %dma_start3A_246 : memref<1x80xi32, #tpu.memory_space<vmem>> -> memref<80xi32, #tpu.memory_space<vmem>>
          %dma_start3A_248 = arith.constant 0 : i32
          %dma_start3A_249 = arith.constant 0 : i32
          %dma_start3A_250 = tpu.memref_slice %arg3[%dma_start3A_248, %dma_start3A_249] : memref<10000x128xf32, #tpu.memory_space<hbm>> -> memref<10000x128xf32, #tpu.memory_space<hbm>>
          %dma_start3A_251 = tpu.memref_slice %arg18[%dma_start3A_244] : memref<3x!tpu.dma_semaphore, #tpu.memory_space<semaphore_mem>> -> memref<1x!tpu.dma_semaphore, #tpu.memory_space<semaphore_mem>>
          %dma_start3A_252 = tpu.memref_squeeze %dma_start3A_251 : memref<1x!tpu.dma_semaphore, #tpu.memory_space<semaphore_mem>> -> memref<!tpu.dma_semaphore, #tpu.memory_space<semaphore_mem>>
          tpu.enqueue_indirect_dma source(%dma_start3A_250 : memref<10000x128xf32, #tpu.memory_space<hbm>>) target(%arg14 : memref<80x128xf32, #tpu.memory_space<vmem>>) offsets(%dma_start3A_247 : memref<80xi32, #tpu.memory_space<vmem>>) semaphore(%dma_start3A_252 : memref<!tpu.dma_semaphore, #tpu.memory_space<semaphore_mem>>)
        } else {
        }
        %scan3A_241 = arith.constant 0 : i32
        scf.yield %scan3A_241 : i32
      }
      %scan3A_128 = arith.constant 21 : i32
      %dma_wait3A_129 = arith.constant 62 : i32
      %dma_wait3A_130 = arith.constant 2 : i32
      %dma_wait3A_131 = arith.constant 0 : i32
      %dma_wait3A_132 = tpu.memref_slice %arg12[%dma_wait3A_129, %dma_wait3A_131] : memref<63x80xi32, #tpu.memory_space<vmem>> -> memref<1x80xi32, #tpu.memory_space<vmem>>
      %dma_wait3A_133 = tpu.memref_squeeze %dma_wait3A_132 : memref<1x80xi32, #tpu.memory_space<vmem>> -> memref<80xi32, #tpu.memory_space<vmem>>
      %dma_wait3A_134 = arith.constant 0 : i32
      %dma_wait3A_135 = arith.constant 0 : i32
      %dma_wait3A_136 = tpu.memref_slice %arg9[%dma_wait3A_134, %dma_wait3A_135] : memref<10240x128xf32, #tpu.memory_space<vmem_shared>> -> memref<10240x128xf32, #tpu.memory_space<vmem_shared>>
      %dma_wait3A_137 = tpu.memref_slice %arg19[%dma_wait3A_130] : memref<3x!tpu.dma_semaphore, #tpu.memory_space<semaphore_mem>> -> memref<1x!tpu.dma_semaphore, #tpu.memory_space<semaphore_mem>>
      %dma_wait3A_138 = tpu.memref_squeeze %dma_wait3A_137 : memref<1x!tpu.dma_semaphore, #tpu.memory_space<semaphore_mem>> -> memref<!tpu.dma_semaphore, #tpu.memory_space<semaphore_mem>>
      tpu.wait_indirect_dma semaphore(%dma_wait3A_138 : memref<!tpu.dma_semaphore, #tpu.memory_space<semaphore_mem>>) src(%arg15 : memref<80x128xf32, #tpu.memory_space<vmem>>) dst(%dma_wait3A_136 : memref<10240x128xf32, #tpu.memory_space<vmem_shared>>)
    } else {
    }
    %barrier3A_43 = arith.constant 0 : index
    tpu.barrier barrier_id(%barrier3A_43)
    %eq3A_44 = arith.constant 0 : i32
    %eq3A_45 = arith.cmpi eq, %arg0, %eq3A_44 : i32
    %convert_element_type3A_46 = arith.extui %eq3A_45 : i1 to i32
    %cond3A_47 = arith.constant 0 : i32
    %cond3A_48 = arith.cmpi ne, %convert_element_type3A_46, %cond3A_47 : i32
    scf.if %cond3A_48 {
      "tpu.region"() ({
        %run_scoped3A = tpu.sem_alloc : memref<!tpu.dma_semaphore, #tpu.memory_space<semaphore_mem>>
        %dma_start3A = arith.constant 0 : i32
        %dma_start3A_59 = tpu.memref_slice %arg6[%mul3A_20, %dma_start3A] : memref<10240x128xf32, #tpu.memory_space<hbm>> -> memref<640x128xf32, #tpu.memory_space<hbm>>
        %dma_start3A_60 = arith.constant 0 : i32
        %dma_start3A_61 = tpu.memref_slice %arg9[%mul3A_20, %dma_start3A_60] : memref<10240x128xf32, #tpu.memory_space<vmem_shared>> -> memref<640x128xf32, #tpu.memory_space<vmem_shared>>
        tpu.enqueue_dma source(%dma_start3A_61 : memref<640x128xf32, #tpu.memory_space<vmem_shared>>) target(%dma_start3A_59 : memref<640x128xf32, #tpu.memory_space<hbm>>) target_semaphore(%run_scoped3A : memref<!tpu.dma_semaphore, #tpu.memory_space<semaphore_mem>>)
        %dma_wait3A = arith.constant 0 : i32
        %dma_wait3A_62 = tpu.memref_slice %arg6[%mul3A_20, %dma_wait3A] : memref<10240x128xf32, #tpu.memory_space<hbm>> -> memref<640x128xf32, #tpu.memory_space<hbm>>
        %dma_wait3A_63 = arith.constant 0 : i32
        %dma_wait3A_64 = tpu.memref_slice %arg9[%mul3A_20, %dma_wait3A_63] : memref<10240x128xf32, #tpu.memory_space<vmem_shared>> -> memref<640x128xf32, #tpu.memory_space<vmem_shared>>
        tpu.wait_dma2 semaphore(%run_scoped3A : memref<!tpu.dma_semaphore, #tpu.memory_space<semaphore_mem>>) src(%dma_wait3A_64 : memref<640x128xf32, #tpu.memory_space<vmem_shared>>) dst(%dma_wait3A_62 : memref<640x128xf32, #tpu.memory_space<hbm>>)
        tpu.yield
      }) : () -> ()
    } else {
    }
    %eq3A_49 = arith.constant 1 : i32
    %eq3A_50 = arith.cmpi eq, %arg0, %eq3A_49 : i32
    %convert_element_type3A_51 = arith.extui %eq3A_50 : i1 to i32
    %cond3A_52 = arith.constant 0 : i32
    %cond3A_53 = arith.cmpi ne, %convert_element_type3A_51, %cond3A_52 : i32
    scf.if %cond3A_53 {
      "tpu.region"() ({
        %run_scoped3A = tpu.sem_alloc : memref<!tpu.dma_semaphore, #tpu.memory_space<semaphore_mem>>
        %dma_start3A = arith.constant 0 : i32
        %dma_start3A_59 = tpu.memref_slice %arg7[%mul3A_20, %dma_start3A] : memref<10240x128xf32, #tpu.memory_space<hbm>> -> memref<640x128xf32, #tpu.memory_space<hbm>>
        %dma_start3A_60 = arith.constant 0 : i32
        %dma_start3A_61 = tpu.memref_slice %arg9[%mul3A_20, %dma_start3A_60] : memref<10240x128xf32, #tpu.memory_space<vmem_shared>> -> memref<640x128xf32, #tpu.memory_space<vmem_shared>>
        tpu.enqueue_dma source(%dma_start3A_61 : memref<640x128xf32, #tpu.memory_space<vmem_shared>>) target(%dma_start3A_59 : memref<640x128xf32, #tpu.memory_space<hbm>>) target_semaphore(%run_scoped3A : memref<!tpu.dma_semaphore, #tpu.memory_space<semaphore_mem>>)
        %dma_wait3A = arith.constant 0 : i32
        %dma_wait3A_62 = tpu.memref_slice %arg7[%mul3A_20, %dma_wait3A] : memref<10240x128xf32, #tpu.memory_space<hbm>> -> memref<640x128xf32, #tpu.memory_space<hbm>>
        %dma_wait3A_63 = arith.constant 0 : i32
        %dma_wait3A_64 = tpu.memref_slice %arg9[%mul3A_20, %dma_wait3A_63] : memref<10240x128xf32, #tpu.memory_space<vmem_shared>> -> memref<640x128xf32, #tpu.memory_space<vmem_shared>>
        tpu.wait_dma2 semaphore(%run_scoped3A : memref<!tpu.dma_semaphore, #tpu.memory_space<semaphore_mem>>) src(%dma_wait3A_64 : memref<640x128xf32, #tpu.memory_space<vmem_shared>>) dst(%dma_wait3A_62 : memref<640x128xf32, #tpu.memory_space<hbm>>)
        tpu.yield
      }) : () -> ()
    } else {
    }
    %eq3A_54 = arith.constant 0 : i32
    %eq3A_55 = arith.cmpi eq, %arg0, %eq3A_54 : i32
    %convert_element_type3A_56 = arith.extui %eq3A_55 : i1 to i32
    %cond3A_57 = arith.constant 0 : i32
    %cond3A_58 = arith.cmpi ne, %convert_element_type3A_56, %cond3A_57 : i32
    scf.if %cond3A_58 {
      "tpu.region"() ({
        %run_scoped3A = tpu.sem_alloc : memref<!tpu.dma_semaphore, #tpu.memory_space<semaphore_mem>>
        %dma_start3A = tpu.memref_slice %arg8[%mul3A_20] : memref<10240xf32, #tpu.memory_space<hbm>> -> memref<640xf32, #tpu.memory_space<hbm>>
        %dma_start3A_59 = tpu.memref_slice %arg10[%mul3A_20] : memref<10240xf32, #tpu.memory_space<vmem_shared>> -> memref<640xf32, #tpu.memory_space<vmem_shared>>
        tpu.enqueue_dma source(%dma_start3A_59 : memref<640xf32, #tpu.memory_space<vmem_shared>>) target(%dma_start3A : memref<640xf32, #tpu.memory_space<hbm>>) target_semaphore(%run_scoped3A : memref<!tpu.dma_semaphore, #tpu.memory_space<semaphore_mem>>)
        %dma_wait3A = tpu.memref_slice %arg8[%mul3A_20] : memref<10240xf32, #tpu.memory_space<hbm>> -> memref<640xf32, #tpu.memory_space<hbm>>
        %dma_wait3A_60 = tpu.memref_slice %arg10[%mul3A_20] : memref<10240xf32, #tpu.memory_space<vmem_shared>> -> memref<640xf32, #tpu.memory_space<vmem_shared>>
        tpu.wait_dma2 semaphore(%run_scoped3A : memref<!tpu.dma_semaphore, #tpu.memory_space<semaphore_mem>>) src(%dma_wait3A_60 : memref<640xf32, #tpu.memory_space<vmem_shared>>) dst(%dma_wait3A : memref<640xf32, #tpu.memory_space<hbm>>)
        tpu.yield
      }) : () -> ()
    } else {
    }
    return
  }
}

#map = affine_map<(d0, d1) -> (0)>
#map1 = affine_map<(d0, d1) -> (0, 0, 0)>
module attributes {stable_mosaic.version = 14 : i64} {
  func.func @body(%arg0: i32, %arg1: i32, %arg2: memref<10240xf32, #tpu.memory_space<hbm>>, %arg3: memref<16x81x128xi32, #tpu.memory_space<hbm>>, %arg4: memref<16x81x128xi32, #tpu.memory_space<hbm>>, %arg5: memref<10240xf32, #tpu.memory_space<hbm>>, %arg6: memref<10240xf32, #tpu.memory_space<hbm>>, %arg7: memref<10240xf32, #tpu.memory_space<hbm>>, %arg8: memref<10240xf32, #tpu.memory_space<vmem_shared>>, %arg9: memref<10240xf32, #tpu.memory_space<vmem_shared>>, %arg10: memref<81x128xi32, #tpu.memory_space<vmem>>, %arg11: memref<81x128xi32, #tpu.memory_space<vmem>>, %arg12: memref<128xf32, #tpu.memory_space<vmem>>, %arg13: memref<128xf32, #tpu.memory_space<vmem>>, %arg14: memref<128xf32, #tpu.memory_space<vmem>>, %arg15: memref<640xf32, #tpu.memory_space<vmem>>, %arg16: memref<640xf32, #tpu.memory_space<vmem>>, %arg17: memref<640xf32, #tpu.memory_space<vmem>>, %arg18: memref<640xf32, #tpu.memory_space<vmem>>, %arg19: memref<3x!tpu.dma_semaphore, #tpu.memory_space<semaphore_mem>>, %arg20: memref<3x!tpu.dma_semaphore, #tpu.memory_space<semaphore_mem>>) attributes {dimension_semantics = [#tpu.dimension_semantics<core_parallel>, #tpu.dimension_semantics<subcore_parallel>], iteration_bounds = array<i64: 2, 16>, scalar_prefetch = 0 : i64, scratch_operands = 13 : i64, tpu.core_type = #tpu.core_type<sc_vector_subcore>, window_params = [{transform_indices = #map}, {transform_indices = #map1}, {transform_indices = #map1}, {transform_indices = #map}, {transform_indices = #map}, {transform_indices = #map}]} {
    %mul3A = arith.constant 640 : i32
    %mul3A_0 = arith.muli %arg1, %mul3A : i32
    %eq3A = arith.constant 0 : i32
    %eq3A_1 = arith.cmpi eq, %arg0, %eq3A : i32
    %convert_element_type3A = arith.extui %eq3A_1 : i1 to i32
    %cond3A = arith.constant 0 : i32
    %cond3A_2 = arith.cmpi ne, %convert_element_type3A, %cond3A : i32
    scf.if %cond3A_2 {
      %scan3A = arith.constant 0 : i32
      %scan3A_3 = arith.constant 0 : i32
      %scan3A_4 = arith.constant 40 : i32
      %scan3A_5 = arith.addi %scan3A_3, %scan3A_4 : i32
      %scan3A_6 = arith.constant 1 : i32
      %scan3A_7 = scf.for %scan3A_54 = %scan3A_3 to %scan3A_5 step %scan3A_6 iter_args(%scan3A_55 = %scan3A) -> (i32)  : i32 {
        %broadcast_in_dim3A = arith.constant 0.000000e+00 : f32
        %broadcast_in_dim3A_56 = vector.broadcast %broadcast_in_dim3A : f32 to vector<16xf32>
        %mul3A_57 = arith.constant 16 : i32
        %mul3A_58 = arith.muli %scan3A_54, %mul3A_57 : i32
        %swap3A = arith.index_cast %mul3A_58 : i32 to index
        %swap3A_59 = tpu.vector_load %arg15[%swap3A] {strides = array<i32>} : memref<640xf32, #tpu.memory_space<vmem>>, vector<16xf32>,
        %swap3A_60 = vector.shape_cast %swap3A_59 : vector<16xf32> to vector<16xf32>
        %swap3A_61 = vector.shape_cast %broadcast_in_dim3A_56 : vector<16xf32> to vector<16xf32>
        tpu.vector_store %arg15[%swap3A], %swap3A_61 {strides = array<i32>} : memref<640xf32, #tpu.memory_space<vmem>>, vector<16xf32>,
        %scan3A_62 = arith.constant 0 : i32
        scf.yield %scan3A_62 : i32
      }
      %scan3A_8 = arith.constant 40 : i32
      "tpu.region"() ({
        %run_scoped3A = tpu.sem_alloc : memref<!tpu.dma_semaphore, #tpu.memory_space<semaphore_mem>>
        %dma_start3A_54 = tpu.memref_slice %arg8[%mul3A_0] : memref<10240xf32, #tpu.memory_space<vmem_shared>> -> memref<640xf32, #tpu.memory_space<vmem_shared>>
        %dma_start3A_55 = tpu.memref_slice %arg8[%mul3A_0] : memref<10240xf32, #tpu.memory_space<vmem_shared>> -> memref<640xf32, #tpu.memory_space<vmem_shared>>
        tpu.enqueue_dma source(%arg15 : memref<640xf32, #tpu.memory_space<vmem>>) target(%dma_start3A_55 : memref<640xf32, #tpu.memory_space<vmem_shared>>) target_semaphore(%run_scoped3A : memref<!tpu.dma_semaphore, #tpu.memory_space<semaphore_mem>>)
        %dma_wait3A_56 = tpu.memref_slice %arg8[%mul3A_0] : memref<10240xf32, #tpu.memory_space<vmem_shared>> -> memref<640xf32, #tpu.memory_space<vmem_shared>>
        %dma_wait3A_57 = tpu.memref_slice %arg8[%mul3A_0] : memref<10240xf32, #tpu.memory_space<vmem_shared>> -> memref<640xf32, #tpu.memory_space<vmem_shared>>
        tpu.wait_dma2 semaphore(%run_scoped3A : memref<!tpu.dma_semaphore, #tpu.memory_space<semaphore_mem>>) src(%arg15 : memref<640xf32, #tpu.memory_space<vmem>>) dst(%dma_wait3A_57 : memref<640xf32, #tpu.memory_space<vmem_shared>>)
        tpu.yield
      }) : () -> ()
      %eq3A_9 = arith.constant 0 : i32
      %eq3A_10 = arith.cmpi eq, %arg1, %eq3A_9 : i32
      %convert_element_type3A_11 = arith.extui %eq3A_10 : i1 to i32
      %cond3A_12 = arith.constant 0 : i32
      %cond3A_13 = arith.cmpi ne, %convert_element_type3A_11, %cond3A_12 : i32
      scf.if %cond3A_13 {
        "tpu.region"() ({
          %run_scoped3A = tpu.sem_alloc : memref<!tpu.dma_semaphore, #tpu.memory_space<semaphore_mem>>
          tpu.enqueue_dma source(%arg2 : memref<10240xf32, #tpu.memory_space<hbm>>) target(%arg9 : memref<10240xf32, #tpu.memory_space<vmem_shared>>) target_semaphore(%run_scoped3A : memref<!tpu.dma_semaphore, #tpu.memory_space<semaphore_mem>>)
          tpu.wait_dma2 semaphore(%run_scoped3A : memref<!tpu.dma_semaphore, #tpu.memory_space<semaphore_mem>>) src(%arg2 : memref<10240xf32, #tpu.memory_space<hbm>>) dst(%arg9 : memref<10240xf32, #tpu.memory_space<vmem_shared>>)
          tpu.yield
        }) : () -> ()
      } else {
      }
      %barrier3A = arith.constant 0 : index
      tpu.barrier barrier_id(%barrier3A)
      "tpu.region"() ({
        %run_scoped3A = tpu.sem_alloc : memref<!tpu.dma_semaphore, #tpu.memory_space<semaphore_mem>>
        %dma_start3A_54 = arith.constant 0 : i32
        %dma_start3A_55 = arith.constant 0 : i32
        %dma_start3A_56 = tpu.memref_slice %arg3[%arg1, %dma_start3A_54, %dma_start3A_55] : memref<16x81x128xi32, #tpu.memory_space<hbm>> -> memref<1x81x128xi32, #tpu.memory_space<hbm>>
        %dma_start3A_57 = tpu.memref_squeeze %dma_start3A_56 : memref<1x81x128xi32, #tpu.memory_space<hbm>> -> memref<81x128xi32, #tpu.memory_space<hbm>>
        %dma_start3A_58 = arith.constant 0 : i32
        %dma_start3A_59 = arith.constant 0 : i32
        %dma_start3A_60 = tpu.memref_slice %arg3[%arg1, %dma_start3A_58, %dma_start3A_59] : memref<16x81x128xi32, #tpu.memory_space<hbm>> -> memref<1x81x128xi32, #tpu.memory_space<hbm>>
        %dma_start3A_61 = tpu.memref_squeeze %dma_start3A_60 : memref<1x81x128xi32, #tpu.memory_space<hbm>> -> memref<81x128xi32, #tpu.memory_space<hbm>>
        tpu.enqueue_dma source(%dma_start3A_61 : memref<81x128xi32, #tpu.memory_space<hbm>>) target(%arg10 : memref<81x128xi32, #tpu.memory_space<vmem>>) target_semaphore(%run_scoped3A : memref<!tpu.dma_semaphore, #tpu.memory_space<semaphore_mem>>)
        %dma_wait3A_62 = arith.constant 0 : i32
        %dma_wait3A_63 = arith.constant 0 : i32
        %dma_wait3A_64 = tpu.memref_slice %arg3[%arg1, %dma_wait3A_62, %dma_wait3A_63] : memref<16x81x128xi32, #tpu.memory_space<hbm>> -> memref<1x81x128xi32, #tpu.memory_space<hbm>>
        %dma_wait3A_65 = tpu.memref_squeeze %dma_wait3A_64 : memref<1x81x128xi32, #tpu.memory_space<hbm>> -> memref<81x128xi32, #tpu.memory_space<hbm>>
        %dma_wait3A_66 = arith.constant 0 : i32
        %dma_wait3A_67 = arith.constant 0 : i32
        %dma_wait3A_68 = tpu.memref_slice %arg3[%arg1, %dma_wait3A_66, %dma_wait3A_67] : memref<16x81x128xi32, #tpu.memory_space<hbm>> -> memref<1x81x128xi32, #tpu.memory_space<hbm>>
        %dma_wait3A_69 = tpu.memref_squeeze %dma_wait3A_68 : memref<1x81x128xi32, #tpu.memory_space<hbm>> -> memref<81x128xi32, #tpu.memory_space<hbm>>
        tpu.wait_dma2 semaphore(%run_scoped3A : memref<!tpu.dma_semaphore, #tpu.memory_space<semaphore_mem>>) src(%dma_wait3A_69 : memref<81x128xi32, #tpu.memory_space<hbm>>) dst(%arg10 : memref<81x128xi32, #tpu.memory_space<vmem>>)
        tpu.yield
      }) : () -> ()
      "tpu.region"() ({
        %run_scoped3A = tpu.sem_alloc : memref<!tpu.dma_semaphore, #tpu.memory_space<semaphore_mem>>
        %dma_start3A_54 = arith.constant 0 : i32
        %dma_start3A_55 = arith.constant 0 : i32
        %dma_start3A_56 = tpu.memref_slice %arg4[%arg1, %dma_start3A_54, %dma_start3A_55] : memref<16x81x128xi32, #tpu.memory_space<hbm>> -> memref<1x81x128xi32, #tpu.memory_space<hbm>>
        %dma_start3A_57 = tpu.memref_squeeze %dma_start3A_56 : memref<1x81x128xi32, #tpu.memory_space<hbm>> -> memref<81x128xi32, #tpu.memory_space<hbm>>
        %dma_start3A_58 = arith.constant 0 : i32
        %dma_start3A_59 = arith.constant 0 : i32
        %dma_start3A_60 = tpu.memref_slice %arg4[%arg1, %dma_start3A_58, %dma_start3A_59] : memref<16x81x128xi32, #tpu.memory_space<hbm>> -> memref<1x81x128xi32, #tpu.memory_space<hbm>>
        %dma_start3A_61 = tpu.memref_squeeze %dma_start3A_60 : memref<1x81x128xi32, #tpu.memory_space<hbm>> -> memref<81x128xi32, #tpu.memory_space<hbm>>
        tpu.enqueue_dma source(%dma_start3A_61 : memref<81x128xi32, #tpu.memory_space<hbm>>) target(%arg11 : memref<81x128xi32, #tpu.memory_space<vmem>>) target_semaphore(%run_scoped3A : memref<!tpu.dma_semaphore, #tpu.memory_space<semaphore_mem>>)
        %dma_wait3A_62 = arith.constant 0 : i32
        %dma_wait3A_63 = arith.constant 0 : i32
        %dma_wait3A_64 = tpu.memref_slice %arg4[%arg1, %dma_wait3A_62, %dma_wait3A_63] : memref<16x81x128xi32, #tpu.memory_space<hbm>> -> memref<1x81x128xi32, #tpu.memory_space<hbm>>
        %dma_wait3A_65 = tpu.memref_squeeze %dma_wait3A_64 : memref<1x81x128xi32, #tpu.memory_space<hbm>> -> memref<81x128xi32, #tpu.memory_space<hbm>>
        %dma_wait3A_66 = arith.constant 0 : i32
        %dma_wait3A_67 = arith.constant 0 : i32
        %dma_wait3A_68 = tpu.memref_slice %arg4[%arg1, %dma_wait3A_66, %dma_wait3A_67] : memref<16x81x128xi32, #tpu.memory_space<hbm>> -> memref<1x81x128xi32, #tpu.memory_space<hbm>>
        %dma_wait3A_69 = tpu.memref_squeeze %dma_wait3A_68 : memref<1x81x128xi32, #tpu.memory_space<hbm>> -> memref<81x128xi32, #tpu.memory_space<hbm>>
        tpu.wait_dma2 semaphore(%run_scoped3A : memref<!tpu.dma_semaphore, #tpu.memory_space<semaphore_mem>>) src(%dma_wait3A_69 : memref<81x128xi32, #tpu.memory_space<hbm>>) dst(%arg11 : memref<81x128xi32, #tpu.memory_space<vmem>>)
        tpu.yield
      }) : () -> ()
      %dma_start3A = arith.constant 0 : i32
      %dma_start3A_14 = arith.constant 0 : i32
      %dma_start3A_15 = arith.constant 0 : i32
      %dma_start3A_16 = tpu.memref_slice %arg10[%dma_start3A, %dma_start3A_15] : memref<81x128xi32, #tpu.memory_space<vmem>> -> memref<1x128xi32, #tpu.memory_space<vmem>>
      %dma_start3A_17 = tpu.memref_squeeze %dma_start3A_16 : memref<1x128xi32, #tpu.memory_space<vmem>> -> memref<128xi32, #tpu.memory_space<vmem>>
      %dma_start3A_18 = arith.constant 0 : i32
      %dma_start3A_19 = tpu.memref_slice %arg9[%dma_start3A_18] : memref<10240xf32, #tpu.memory_space<vmem_shared>> -> memref<10240xf32, #tpu.memory_space<vmem_shared>>
      %dma_start3A_20 = tpu.memref_slice %arg19[%dma_start3A_14] : memref<3x!tpu.dma_semaphore, #tpu.memory_space<semaphore_mem>> -> memref<1x!tpu.dma_semaphore, #tpu.memory_space<semaphore_mem>>
      %dma_start3A_21 = tpu.memref_squeeze %dma_start3A_20 : memref<1x!tpu.dma_semaphore, #tpu.memory_space<semaphore_mem>> -> memref<!tpu.dma_semaphore, #tpu.memory_space<semaphore_mem>>
      tpu.enqueue_indirect_dma source(%dma_start3A_19 : memref<10240xf32, #tpu.memory_space<vmem_shared>>) target(%arg12 : memref<128xf32, #tpu.memory_space<vmem>>) offsets(%dma_start3A_17 : memref<128xi32, #tpu.memory_space<vmem>>) semaphore(%dma_start3A_21 : memref<!tpu.dma_semaphore, #tpu.memory_space<semaphore_mem>>)
      %dma_start3A_22 = arith.constant 1 : i32
      %dma_start3A_23 = arith.constant 1 : i32
      %dma_start3A_24 = arith.constant 0 : i32
      %dma_start3A_25 = tpu.memref_slice %arg10[%dma_start3A_22, %dma_start3A_24] : memref<81x128xi32, #tpu.memory_space<vmem>> -> memref<1x128xi32, #tpu.memory_space<vmem>>
      %dma_start3A_26 = tpu.memref_squeeze %dma_start3A_25 : memref<1x128xi32, #tpu.memory_space<vmem>> -> memref<128xi32, #tpu.memory_space<vmem>>
      %dma_start3A_27 = arith.constant 0 : i32
      %dma_start3A_28 = tpu.memref_slice %arg9[%dma_start3A_27] : memref<10240xf32, #tpu.memory_space<vmem_shared>> -> memref<10240xf32, #tpu.memory_space<vmem_shared>>
      %dma_start3A_29 = tpu.memref_slice %arg19[%dma_start3A_23] : memref<3x!tpu.dma_semaphore, #tpu.memory_space<semaphore_mem>> -> memref<1x!tpu.dma_semaphore, #tpu.memory_space<semaphore_mem>>
      %dma_start3A_30 = tpu.memref_squeeze %dma_start3A_29 : memref<1x!tpu.dma_semaphore, #tpu.memory_space<semaphore_mem>> -> memref<!tpu.dma_semaphore, #tpu.memory_space<semaphore_mem>>
      tpu.enqueue_indirect_dma source(%dma_start3A_28 : memref<10240xf32, #tpu.memory_space<vmem_shared>>) target(%arg13 : memref<128xf32, #tpu.memory_space<vmem>>) offsets(%dma_start3A_26 : memref<128xi32, #tpu.memory_space<vmem>>) semaphore(%dma_start3A_30 : memref<!tpu.dma_semaphore, #tpu.memory_space<semaphore_mem>>)
      %scan3A_31 = arith.constant 0 : i32
      %scan3A_32 = arith.constant 0 : i32
      %scan3A_33 = arith.constant 27 : i32
      %scan3A_34 = arith.addi %scan3A_32, %scan3A_33 : i32
      %scan3A_35 = arith.constant 1 : i32
      %scan3A_36 = scf.for %scan3A_54 = %scan3A_32 to %scan3A_34 step %scan3A_35 iter_args(%scan3A_55 = %scan3A_31) -> (i32)  : i32 {
        %mul3A_56 = arith.constant 3 : i32
        %mul3A_57 = arith.muli %scan3A_54, %mul3A_56 : i32
        %add3A = arith.constant 0 : i32
        %add3A_58 = arith.addi %mul3A_57, %add3A : i32
        %dma_wait3A_59 = arith.constant 0 : i32
        %dma_wait3A_60 = arith.constant 0 : i32
        %dma_wait3A_61 = tpu.memref_slice %arg10[%add3A_58, %dma_wait3A_60] : memref<81x128xi32, #tpu.memory_space<vmem>> -> memref<1x128xi32, #tpu.memory_space<vmem>>
        %dma_wait3A_62 = tpu.memref_squeeze %dma_wait3A_61 : memref<1x128xi32, #tpu.memory_space<vmem>> -> memref<128xi32, #tpu.memory_space<vmem>>
        %dma_wait3A_63 = arith.constant 0 : i32
        %dma_wait3A_64 = tpu.memref_slice %arg9[%dma_wait3A_63] : memref<10240xf32, #tpu.memory_space<vmem_shared>> -> memref<10240xf32, #tpu.memory_space<vmem_shared>>
        %dma_wait3A_65 = tpu.memref_slice %arg19[%dma_wait3A_59] : memref<3x!tpu.dma_semaphore, #tpu.memory_space<semaphore_mem>> -> memref<1x!tpu.dma_semaphore, #tpu.memory_space<semaphore_mem>>
        %dma_wait3A_66 = tpu.memref_squeeze %dma_wait3A_65 : memref<1x!tpu.dma_semaphore, #tpu.memory_space<semaphore_mem>> -> memref<!tpu.dma_semaphore, #tpu.memory_space<semaphore_mem>>
        tpu.wait_indirect_dma semaphore(%dma_wait3A_66 : memref<!tpu.dma_semaphore, #tpu.memory_space<semaphore_mem>>) src(%dma_wait3A_64 : memref<10240xf32, #tpu.memory_space<vmem_shared>>) dst(%arg12 : memref<128xf32, #tpu.memory_space<vmem>>)
        %dma_start3A_67 = arith.constant 0 : i32
        %dma_start3A_68 = arith.constant 0 : i32
        %dma_start3A_69 = tpu.memref_slice %arg11[%add3A_58, %dma_start3A_68] : memref<81x128xi32, #tpu.memory_space<vmem>> -> memref<1x128xi32, #tpu.memory_space<vmem>>
        %dma_start3A_70 = tpu.memref_squeeze %dma_start3A_69 : memref<1x128xi32, #tpu.memory_space<vmem>> -> memref<128xi32, #tpu.memory_space<vmem>>
        %dma_start3A_71 = arith.constant 0 : i32
        %dma_start3A_72 = tpu.memref_slice %arg8[%dma_start3A_71] : memref<10240xf32, #tpu.memory_space<vmem_shared>> -> memref<10240xf32, #tpu.memory_space<vmem_shared>>
        %dma_start3A_73 = tpu.memref_slice %arg20[%dma_start3A_67] : memref<3x!tpu.dma_semaphore, #tpu.memory_space<semaphore_mem>> -> memref<1x!tpu.dma_semaphore, #tpu.memory_space<semaphore_mem>>
        %dma_start3A_74 = tpu.memref_squeeze %dma_start3A_73 : memref<1x!tpu.dma_semaphore, #tpu.memory_space<semaphore_mem>> -> memref<!tpu.dma_semaphore, #tpu.memory_space<semaphore_mem>>
        tpu.enqueue_indirect_dma source(%arg12 : memref<128xf32, #tpu.memory_space<vmem>>) target(%dma_start3A_72 : memref<10240xf32, #tpu.memory_space<vmem_shared>>) offsets(%dma_start3A_70 : memref<128xi32, #tpu.memory_space<vmem>>) semaphore(%dma_start3A_74 : memref<!tpu.dma_semaphore, #tpu.memory_space<semaphore_mem>>) {add = true}
        %ge3A = arith.constant 1 : i32
        %ge3A_75 = arith.cmpi sge, %add3A_58, %ge3A : i32
        %convert_element_type3A_76 = arith.extui %ge3A_75 : i1 to i32
        %cond3A_77 = arith.constant 0 : i32
        %cond3A_78 = arith.cmpi ne, %convert_element_type3A_76, %cond3A_77 : i32
        scf.if %cond3A_78 {
          %sub3A = arith.constant 1 : i32
          %sub3A_150 = arith.subi %add3A_58, %sub3A : i32
          %dma_wait3A_151 = arith.constant 2 : i32
          %dma_wait3A_152 = arith.constant 0 : i32
          %dma_wait3A_153 = tpu.memref_slice %arg11[%sub3A_150, %dma_wait3A_152] : memref<81x128xi32, #tpu.memory_space<vmem>> -> memref<1x128xi32, #tpu.memory_space<vmem>>
          %dma_wait3A_154 = tpu.memref_squeeze %dma_wait3A_153 : memref<1x128xi32, #tpu.memory_space<vmem>> -> memref<128xi32, #tpu.memory_space<vmem>>
          %dma_wait3A_155 = arith.constant 0 : i32
          %dma_wait3A_156 = tpu.memref_slice %arg8[%dma_wait3A_155] : memref<10240xf32, #tpu.memory_space<vmem_shared>> -> memref<10240xf32, #tpu.memory_space<vmem_shared>>
          %dma_wait3A_157 = tpu.memref_slice %arg20[%dma_wait3A_151] : memref<3x!tpu.dma_semaphore, #tpu.memory_space<semaphore_mem>> -> memref<1x!tpu.dma_semaphore, #tpu.memory_space<semaphore_mem>>
          %dma_wait3A_158 = tpu.memref_squeeze %dma_wait3A_157 : memref<1x!tpu.dma_semaphore, #tpu.memory_space<semaphore_mem>> -> memref<!tpu.dma_semaphore, #tpu.memory_space<semaphore_mem>>
          tpu.wait_indirect_dma semaphore(%dma_wait3A_158 : memref<!tpu.dma_semaphore, #tpu.memory_space<semaphore_mem>>) src(%arg14 : memref<128xf32, #tpu.memory_space<vmem>>) dst(%dma_wait3A_156 : memref<10240xf32, #tpu.memory_space<vmem_shared>>)
        } else {
        }
        %add3A_79 = arith.constant 2 : i32
        %add3A_80 = arith.addi %add3A_58, %add3A_79 : i32
        %lt3A = arith.constant 81 : i32
        %lt3A_81 = arith.cmpi slt, %add3A_80, %lt3A : i32
        %convert_element_type3A_82 = arith.extui %lt3A_81 : i1 to i32
        %cond3A_83 = arith.constant 0 : i32
        %cond3A_84 = arith.cmpi ne, %convert_element_type3A_82, %cond3A_83 : i32
        scf.if %cond3A_84 {
          %add3A_150 = arith.constant 2 : i32
          %add3A_151 = arith.addi %add3A_58, %add3A_150 : i32
          %dma_start3A_152 = arith.constant 2 : i32
          %dma_start3A_153 = arith.constant 0 : i32
          %dma_start3A_154 = tpu.memref_slice %arg10[%add3A_151, %dma_start3A_153] : memref<81x128xi32, #tpu.memory_space<vmem>> -> memref<1x128xi32, #tpu.memory_space<vmem>>
          %dma_start3A_155 = tpu.memref_squeeze %dma_start3A_154 : memref<1x128xi32, #tpu.memory_space<vmem>> -> memref<128xi32, #tpu.memory_space<vmem>>
          %dma_start3A_156 = arith.constant 0 : i32
          %dma_start3A_157 = tpu.memref_slice %arg9[%dma_start3A_156] : memref<10240xf32, #tpu.memory_space<vmem_shared>> -> memref<10240xf32, #tpu.memory_space<vmem_shared>>
          %dma_start3A_158 = tpu.memref_slice %arg19[%dma_start3A_152] : memref<3x!tpu.dma_semaphore, #tpu.memory_space<semaphore_mem>> -> memref<1x!tpu.dma_semaphore, #tpu.memory_space<semaphore_mem>>
          %dma_start3A_159 = tpu.memref_squeeze %dma_start3A_158 : memref<1x!tpu.dma_semaphore, #tpu.memory_space<semaphore_mem>> -> memref<!tpu.dma_semaphore, #tpu.memory_space<semaphore_mem>>
          tpu.enqueue_indirect_dma source(%dma_start3A_157 : memref<10240xf32, #tpu.memory_space<vmem_shared>>) target(%arg14 : memref<128xf32, #tpu.memory_space<vmem>>) offsets(%dma_start3A_155 : memref<128xi32, #tpu.memory_space<vmem>>) semaphore(%dma_start3A_159 : memref<!tpu.dma_semaphore, #tpu.memory_space<semaphore_mem>>)
        } else {
        }
        %mul3A_85 = arith.constant 3 : i32
        %mul3A_86 = arith.muli %scan3A_54, %mul3A_85 : i32
        %add3A_87 = arith.constant 1 : i32
        %add3A_88 = arith.addi %mul3A_86, %add3A_87 : i32
        %dma_wait3A_89 = arith.constant 1 : i32
        %dma_wait3A_90 = arith.constant 0 : i32
        %dma_wait3A_91 = tpu.memref_slice %arg10[%add3A_88, %dma_wait3A_90] : memref<81x128xi32, #tpu.memory_space<vmem>> -> memref<1x128xi32, #tpu.memory_space<vmem>>
        %dma_wait3A_92 = tpu.memref_squeeze %dma_wait3A_91 : memref<1x128xi32, #tpu.memory_space<vmem>> -> memref<128xi32, #tpu.memory_space<vmem>>
        %dma_wait3A_93 = arith.constant 0 : i32
        %dma_wait3A_94 = tpu.memref_slice %arg9[%dma_wait3A_93] : memref<10240xf32, #tpu.memory_space<vmem_shared>> -> memref<10240xf32, #tpu.memory_space<vmem_shared>>
        %dma_wait3A_95 = tpu.memref_slice %arg19[%dma_wait3A_89] : memref<3x!tpu.dma_semaphore, #tpu.memory_space<semaphore_mem>> -> memref<1x!tpu.dma_semaphore, #tpu.memory_space<semaphore_mem>>
        %dma_wait3A_96 = tpu.memref_squeeze %dma_wait3A_95 : memref<1x!tpu.dma_semaphore, #tpu.memory_space<semaphore_mem>> -> memref<!tpu.dma_semaphore, #tpu.memory_space<semaphore_mem>>
        tpu.wait_indirect_dma semaphore(%dma_wait3A_96 : memref<!tpu.dma_semaphore, #tpu.memory_space<semaphore_mem>>) src(%dma_wait3A_94 : memref<10240xf32, #tpu.memory_space<vmem_shared>>) dst(%arg13 : memref<128xf32, #tpu.memory_space<vmem>>)
        %dma_start3A_97 = arith.constant 1 : i32
        %dma_start3A_98 = arith.constant 0 : i32
        %dma_start3A_99 = tpu.memref_slice %arg11[%add3A_88, %dma_start3A_98] : memref<81x128xi32, #tpu.memory_space<vmem>> -> memref<1x128xi32, #tpu.memory_space<vmem>>
        %dma_start3A_100 = tpu.memref_squeeze %dma_start3A_99 : memref<1x128xi32, #tpu.memory_space<vmem>> -> memref<128xi32, #tpu.memory_space<vmem>>
        %dma_start3A_101 = arith.constant 0 : i32
        %dma_start3A_102 = tpu.memref_slice %arg8[%dma_start3A_101] : memref<10240xf32, #tpu.memory_space<vmem_shared>> -> memref<10240xf32, #tpu.memory_space<vmem_shared>>
        %dma_start3A_103 = tpu.memref_slice %arg20[%dma_start3A_97] : memref<3x!tpu.dma_semaphore, #tpu.memory_space<semaphore_mem>> -> memref<1x!tpu.dma_semaphore, #tpu.memory_space<semaphore_mem>>
        %dma_start3A_104 = tpu.memref_squeeze %dma_start3A_103 : memref<1x!tpu.dma_semaphore, #tpu.memory_space<semaphore_mem>> -> memref<!tpu.dma_semaphore, #tpu.memory_space<semaphore_mem>>
        tpu.enqueue_indirect_dma source(%arg13 : memref<128xf32, #tpu.memory_space<vmem>>) target(%dma_start3A_102 : memref<10240xf32, #tpu.memory_space<vmem_shared>>) offsets(%dma_start3A_100 : memref<128xi32, #tpu.memory_space<vmem>>) semaphore(%dma_start3A_104 : memref<!tpu.dma_semaphore, #tpu.memory_space<semaphore_mem>>) {add = true}
        %ge3A_105 = arith.constant 1 : i32
        %ge3A_106 = arith.cmpi sge, %add3A_88, %ge3A_105 : i32
        %convert_element_type3A_107 = arith.extui %ge3A_106 : i1 to i32
        %cond3A_108 = arith.constant 0 : i32
        %cond3A_109 = arith.cmpi ne, %convert_element_type3A_107, %cond3A_108 : i32
        scf.if %cond3A_109 {
          %sub3A = arith.constant 1 : i32
          %sub3A_150 = arith.subi %add3A_88, %sub3A : i32
          %dma_wait3A_151 = arith.constant 0 : i32
          %dma_wait3A_152 = arith.constant 0 : i32
          %dma_wait3A_153 = tpu.memref_slice %arg11[%sub3A_150, %dma_wait3A_152] : memref<81x128xi32, #tpu.memory_space<vmem>> -> memref<1x128xi32, #tpu.memory_space<vmem>>
          %dma_wait3A_154 = tpu.memref_squeeze %dma_wait3A_153 : memref<1x128xi32, #tpu.memory_space<vmem>> -> memref<128xi32, #tpu.memory_space<vmem>>
          %dma_wait3A_155 = arith.constant 0 : i32
          %dma_wait3A_156 = tpu.memref_slice %arg8[%dma_wait3A_155] : memref<10240xf32, #tpu.memory_space<vmem_shared>> -> memref<10240xf32, #tpu.memory_space<vmem_shared>>
          %dma_wait3A_157 = tpu.memref_slice %arg20[%dma_wait3A_151] : memref<3x!tpu.dma_semaphore, #tpu.memory_space<semaphore_mem>> -> memref<1x!tpu.dma_semaphore, #tpu.memory_space<semaphore_mem>>
          %dma_wait3A_158 = tpu.memref_squeeze %dma_wait3A_157 : memref<1x!tpu.dma_semaphore, #tpu.memory_space<semaphore_mem>> -> memref<!tpu.dma_semaphore, #tpu.memory_space<semaphore_mem>>
          tpu.wait_indirect_dma semaphore(%dma_wait3A_158 : memref<!tpu.dma_semaphore, #tpu.memory_space<semaphore_mem>>) src(%arg12 : memref<128xf32, #tpu.memory_space<vmem>>) dst(%dma_wait3A_156 : memref<10240xf32, #tpu.memory_space<vmem_shared>>)
        } else {
        }
        %add3A_110 = arith.constant 2 : i32
        %add3A_111 = arith.addi %add3A_88, %add3A_110 : i32
        %lt3A_112 = arith.constant 81 : i32
        %lt3A_113 = arith.cmpi slt, %add3A_111, %lt3A_112 : i32
        %convert_element_type3A_114 = arith.extui %lt3A_113 : i1 to i32
        %cond3A_115 = arith.constant 0 : i32
        %cond3A_116 = arith.cmpi ne, %convert_element_type3A_114, %cond3A_115 : i32
        scf.if %cond3A_116 {
          %add3A_150 = arith.constant 2 : i32
          %add3A_151 = arith.addi %add3A_88, %add3A_150 : i32
          %dma_start3A_152 = arith.constant 0 : i32
          %dma_start3A_153 = arith.constant 0 : i32
          %dma_start3A_154 = tpu.memref_slice %arg10[%add3A_151, %dma_start3A_153] : memref<81x128xi32, #tpu.memory_space<vmem>> -> memref<1x128xi32, #tpu.memory_space<vmem>>
          %dma_start3A_155 = tpu.memref_squeeze %dma_start3A_154 : memref<1x128xi32, #tpu.memory_space<vmem>> -> memref<128xi32, #tpu.memory_space<vmem>>
          %dma_start3A_156 = arith.constant 0 : i32
          %dma_start3A_157 = tpu.memref_slice %arg9[%dma_start3A_156] : memref<10240xf32, #tpu.memory_space<vmem_shared>> -> memref<10240xf32, #tpu.memory_space<vmem_shared>>
          %dma_start3A_158 = tpu.memref_slice %arg19[%dma_start3A_152] : memref<3x!tpu.dma_semaphore, #tpu.memory_space<semaphore_mem>> -> memref<1x!tpu.dma_semaphore, #tpu.memory_space<semaphore_mem>>
          %dma_start3A_159 = tpu.memref_squeeze %dma_start3A_158 : memref<1x!tpu.dma_semaphore, #tpu.memory_space<semaphore_mem>> -> memref<!tpu.dma_semaphore, #tpu.memory_space<semaphore_mem>>
          tpu.enqueue_indirect_dma source(%dma_start3A_157 : memref<10240xf32, #tpu.memory_space<vmem_shared>>) target(%arg12 : memref<128xf32, #tpu.memory_space<vmem>>) offsets(%dma_start3A_155 : memref<128xi32, #tpu.memory_space<vmem>>) semaphore(%dma_start3A_159 : memref<!tpu.dma_semaphore, #tpu.memory_space<semaphore_mem>>)
        } else {
        }
        %mul3A_117 = arith.constant 3 : i32
        %mul3A_118 = arith.muli %scan3A_54, %mul3A_117 : i32
        %add3A_119 = arith.constant 2 : i32
        %add3A_120 = arith.addi %mul3A_118, %add3A_119 : i32
        %dma_wait3A_121 = arith.constant 2 : i32
        %dma_wait3A_122 = arith.constant 0 : i32
        %dma_wait3A_123 = tpu.memref_slice %arg10[%add3A_120, %dma_wait3A_122] : memref<81x128xi32, #tpu.memory_space<vmem>> -> memref<1x128xi32, #tpu.memory_space<vmem>>
        %dma_wait3A_124 = tpu.memref_squeeze %dma_wait3A_123 : memref<1x128xi32, #tpu.memory_space<vmem>> -> memref<128xi32, #tpu.memory_space<vmem>>
        %dma_wait3A_125 = arith.constant 0 : i32
        %dma_wait3A_126 = tpu.memref_slice %arg9[%dma_wait3A_125] : memref<10240xf32, #tpu.memory_space<vmem_shared>> -> memref<10240xf32, #tpu.memory_space<vmem_shared>>
        %dma_wait3A_127 = tpu.memref_slice %arg19[%dma_wait3A_121] : memref<3x!tpu.dma_semaphore, #tpu.memory_space<semaphore_mem>> -> memref<1x!tpu.dma_semaphore, #tpu.memory_space<semaphore_mem>>
        %dma_wait3A_128 = tpu.memref_squeeze %dma_wait3A_127 : memref<1x!tpu.dma_semaphore, #tpu.memory_space<semaphore_mem>> -> memref<!tpu.dma_semaphore, #tpu.memory_space<semaphore_mem>>
        tpu.wait_indirect_dma semaphore(%dma_wait3A_128 : memref<!tpu.dma_semaphore, #tpu.memory_space<semaphore_mem>>) src(%dma_wait3A_126 : memref<10240xf32, #tpu.memory_space<vmem_shared>>) dst(%arg14 : memref<128xf32, #tpu.memory_space<vmem>>)
        %dma_start3A_129 = arith.constant 2 : i32
        %dma_start3A_130 = arith.constant 0 : i32
        %dma_start3A_131 = tpu.memref_slice %arg11[%add3A_120, %dma_start3A_130] : memref<81x128xi32, #tpu.memory_space<vmem>> -> memref<1x128xi32, #tpu.memory_space<vmem>>
        %dma_start3A_132 = tpu.memref_squeeze %dma_start3A_131 : memref<1x128xi32, #tpu.memory_space<vmem>> -> memref<128xi32, #tpu.memory_space<vmem>>
        %dma_start3A_133 = arith.constant 0 : i32
        %dma_start3A_134 = tpu.memref_slice %arg8[%dma_start3A_133] : memref<10240xf32, #tpu.memory_space<vmem_shared>> -> memref<10240xf32, #tpu.memory_space<vmem_shared>>
        %dma_start3A_135 = tpu.memref_slice %arg20[%dma_start3A_129] : memref<3x!tpu.dma_semaphore, #tpu.memory_space<semaphore_mem>> -> memref<1x!tpu.dma_semaphore, #tpu.memory_space<semaphore_mem>>
        %dma_start3A_136 = tpu.memref_squeeze %dma_start3A_135 : memref<1x!tpu.dma_semaphore, #tpu.memory_space<semaphore_mem>> -> memref<!tpu.dma_semaphore, #tpu.memory_space<semaphore_mem>>
        tpu.enqueue_indirect_dma source(%arg14 : memref<128xf32, #tpu.memory_space<vmem>>) target(%dma_start3A_134 : memref<10240xf32, #tpu.memory_space<vmem_shared>>) offsets(%dma_start3A_132 : memref<128xi32, #tpu.memory_space<vmem>>) semaphore(%dma_start3A_136 : memref<!tpu.dma_semaphore, #tpu.memory_space<semaphore_mem>>) {add = true}
        %ge3A_137 = arith.constant 1 : i32
        %ge3A_138 = arith.cmpi sge, %add3A_120, %ge3A_137 : i32
        %convert_element_type3A_139 = arith.extui %ge3A_138 : i1 to i32
        %cond3A_140 = arith.constant 0 : i32
        %cond3A_141 = arith.cmpi ne, %convert_element_type3A_139, %cond3A_140 : i32
        scf.if %cond3A_141 {
          %sub3A = arith.constant 1 : i32
          %sub3A_150 = arith.subi %add3A_120, %sub3A : i32
          %dma_wait3A_151 = arith.constant 1 : i32
          %dma_wait3A_152 = arith.constant 0 : i32
          %dma_wait3A_153 = tpu.memref_slice %arg11[%sub3A_150, %dma_wait3A_152] : memref<81x128xi32, #tpu.memory_space<vmem>> -> memref<1x128xi32, #tpu.memory_space<vmem>>
          %dma_wait3A_154 = tpu.memref_squeeze %dma_wait3A_153 : memref<1x128xi32, #tpu.memory_space<vmem>> -> memref<128xi32, #tpu.memory_space<vmem>>
          %dma_wait3A_155 = arith.constant 0 : i32
          %dma_wait3A_156 = tpu.memref_slice %arg8[%dma_wait3A_155] : memref<10240xf32, #tpu.memory_space<vmem_shared>> -> memref<10240xf32, #tpu.memory_space<vmem_shared>>
          %dma_wait3A_157 = tpu.memref_slice %arg20[%dma_wait3A_151] : memref<3x!tpu.dma_semaphore, #tpu.memory_space<semaphore_mem>> -> memref<1x!tpu.dma_semaphore, #tpu.memory_space<semaphore_mem>>
          %dma_wait3A_158 = tpu.memref_squeeze %dma_wait3A_157 : memref<1x!tpu.dma_semaphore, #tpu.memory_space<semaphore_mem>> -> memref<!tpu.dma_semaphore, #tpu.memory_space<semaphore_mem>>
          tpu.wait_indirect_dma semaphore(%dma_wait3A_158 : memref<!tpu.dma_semaphore, #tpu.memory_space<semaphore_mem>>) src(%arg13 : memref<128xf32, #tpu.memory_space<vmem>>) dst(%dma_wait3A_156 : memref<10240xf32, #tpu.memory_space<vmem_shared>>)
        } else {
        }
        %add3A_142 = arith.constant 2 : i32
        %add3A_143 = arith.addi %add3A_120, %add3A_142 : i32
        %lt3A_144 = arith.constant 81 : i32
        %lt3A_145 = arith.cmpi slt, %add3A_143, %lt3A_144 : i32
        %convert_element_type3A_146 = arith.extui %lt3A_145 : i1 to i32
        %cond3A_147 = arith.constant 0 : i32
        %cond3A_148 = arith.cmpi ne, %convert_element_type3A_146, %cond3A_147 : i32
        scf.if %cond3A_148 {
          %add3A_150 = arith.constant 2 : i32
          %add3A_151 = arith.addi %add3A_120, %add3A_150 : i32
          %dma_start3A_152 = arith.constant 1 : i32
          %dma_start3A_153 = arith.constant 0 : i32
          %dma_start3A_154 = tpu.memref_slice %arg10[%add3A_151, %dma_start3A_153] : memref<81x128xi32, #tpu.memory_space<vmem>> -> memref<1x128xi32, #tpu.memory_space<vmem>>
          %dma_start3A_155 = tpu.memref_squeeze %dma_start3A_154 : memref<1x128xi32, #tpu.memory_space<vmem>> -> memref<128xi32, #tpu.memory_space<vmem>>
          %dma_start3A_156 = arith.constant 0 : i32
          %dma_start3A_157 = tpu.memref_slice %arg9[%dma_start3A_156] : memref<10240xf32, #tpu.memory_space<vmem_shared>> -> memref<10240xf32, #tpu.memory_space<vmem_shared>>
          %dma_start3A_158 = tpu.memref_slice %arg19[%dma_start3A_152] : memref<3x!tpu.dma_semaphore, #tpu.memory_space<semaphore_mem>> -> memref<1x!tpu.dma_semaphore, #tpu.memory_space<semaphore_mem>>
          %dma_start3A_159 = tpu.memref_squeeze %dma_start3A_158 : memref<1x!tpu.dma_semaphore, #tpu.memory_space<semaphore_mem>> -> memref<!tpu.dma_semaphore, #tpu.memory_space<semaphore_mem>>
          tpu.enqueue_indirect_dma source(%dma_start3A_157 : memref<10240xf32, #tpu.memory_space<vmem_shared>>) target(%arg13 : memref<128xf32, #tpu.memory_space<vmem>>) offsets(%dma_start3A_155 : memref<128xi32, #tpu.memory_space<vmem>>) semaphore(%dma_start3A_159 : memref<!tpu.dma_semaphore, #tpu.memory_space<semaphore_mem>>)
        } else {
        }
        %scan3A_149 = arith.constant 0 : i32
        scf.yield %scan3A_149 : i32
      }
      %scan3A_37 = arith.constant 27 : i32
      %dma_wait3A = arith.constant 80 : i32
      %dma_wait3A_38 = arith.constant 2 : i32
      %dma_wait3A_39 = arith.constant 0 : i32
      %dma_wait3A_40 = tpu.memref_slice %arg11[%dma_wait3A, %dma_wait3A_39] : memref<81x128xi32, #tpu.memory_space<vmem>> -> memref<1x128xi32, #tpu.memory_space<vmem>>
      %dma_wait3A_41 = tpu.memref_squeeze %dma_wait3A_40 : memref<1x128xi32, #tpu.memory_space<vmem>> -> memref<128xi32, #tpu.memory_space<vmem>>
      %dma_wait3A_42 = arith.constant 0 : i32
      %dma_wait3A_43 = tpu.memref_slice %arg8[%dma_wait3A_42] : memref<10240xf32, #tpu.memory_space<vmem_shared>> -> memref<10240xf32, #tpu.memory_space<vmem_shared>>
      %dma_wait3A_44 = tpu.memref_slice %arg20[%dma_wait3A_38] : memref<3x!tpu.dma_semaphore, #tpu.memory_space<semaphore_mem>> -> memref<1x!tpu.dma_semaphore, #tpu.memory_space<semaphore_mem>>
      %dma_wait3A_45 = tpu.memref_squeeze %dma_wait3A_44 : memref<1x!tpu.dma_semaphore, #tpu.memory_space<semaphore_mem>> -> memref<!tpu.dma_semaphore, #tpu.memory_space<semaphore_mem>>
      tpu.wait_indirect_dma semaphore(%dma_wait3A_45 : memref<!tpu.dma_semaphore, #tpu.memory_space<semaphore_mem>>) src(%arg14 : memref<128xf32, #tpu.memory_space<vmem>>) dst(%dma_wait3A_43 : memref<10240xf32, #tpu.memory_space<vmem_shared>>)
      %barrier3A_46 = arith.constant 0 : index
      tpu.barrier barrier_id(%barrier3A_46)
      "tpu.region"() ({
        %run_scoped3A = tpu.sem_alloc : memref<!tpu.dma_semaphore, #tpu.memory_space<semaphore_mem>>
        %dma_start3A_54 = tpu.memref_slice %arg8[%mul3A_0] : memref<10240xf32, #tpu.memory_space<vmem_shared>> -> memref<640xf32, #tpu.memory_space<vmem_shared>>
        %dma_start3A_55 = tpu.memref_slice %arg8[%mul3A_0] : memref<10240xf32, #tpu.memory_space<vmem_shared>> -> memref<640xf32, #tpu.memory_space<vmem_shared>>
        tpu.enqueue_dma source(%dma_start3A_55 : memref<640xf32, #tpu.memory_space<vmem_shared>>) target(%arg16 : memref<640xf32, #tpu.memory_space<vmem>>) target_semaphore(%run_scoped3A : memref<!tpu.dma_semaphore, #tpu.memory_space<semaphore_mem>>)
        %dma_wait3A_56 = tpu.memref_slice %arg8[%mul3A_0] : memref<10240xf32, #tpu.memory_space<vmem_shared>> -> memref<640xf32, #tpu.memory_space<vmem_shared>>
        %dma_wait3A_57 = tpu.memref_slice %arg8[%mul3A_0] : memref<10240xf32, #tpu.memory_space<vmem_shared>> -> memref<640xf32, #tpu.memory_space<vmem_shared>>
        tpu.wait_dma2 semaphore(%run_scoped3A : memref<!tpu.dma_semaphore, #tpu.memory_space<semaphore_mem>>) src(%dma_wait3A_57 : memref<640xf32, #tpu.memory_space<vmem_shared>>) dst(%arg16 : memref<640xf32, #tpu.memory_space<vmem>>)
        tpu.yield
      }) : () -> ()
      "tpu.region"() ({
        %run_scoped3A = tpu.sem_alloc : memref<!tpu.dma_semaphore, #tpu.memory_space<semaphore_mem>>
        %dma_start3A_54 = tpu.memref_slice %arg5[%mul3A_0] : memref<10240xf32, #tpu.memory_space<hbm>> -> memref<640xf32, #tpu.memory_space<hbm>>
        %dma_start3A_55 = tpu.memref_slice %arg5[%mul3A_0] : memref<10240xf32, #tpu.memory_space<hbm>> -> memref<640xf32, #tpu.memory_space<hbm>>
        tpu.enqueue_dma source(%dma_start3A_55 : memref<640xf32, #tpu.memory_space<hbm>>) target(%arg17 : memref<640xf32, #tpu.memory_space<vmem>>) target_semaphore(%run_scoped3A : memref<!tpu.dma_semaphore, #tpu.memory_space<semaphore_mem>>)
        %dma_wait3A_56 = tpu.memref_slice %arg5[%mul3A_0] : memref<10240xf32, #tpu.memory_space<hbm>> -> memref<640xf32, #tpu.memory_space<hbm>>
        %dma_wait3A_57 = tpu.memref_slice %arg5[%mul3A_0] : memref<10240xf32, #tpu.memory_space<hbm>> -> memref<640xf32, #tpu.memory_space<hbm>>
        tpu.wait_dma2 semaphore(%run_scoped3A : memref<!tpu.dma_semaphore, #tpu.memory_space<semaphore_mem>>) src(%dma_wait3A_57 : memref<640xf32, #tpu.memory_space<hbm>>) dst(%arg17 : memref<640xf32, #tpu.memory_space<vmem>>)
        tpu.yield
      }) : () -> ()
      "tpu.region"() ({
        %run_scoped3A = tpu.sem_alloc : memref<!tpu.dma_semaphore, #tpu.memory_space<semaphore_mem>>
        %dma_start3A_54 = tpu.memref_slice %arg6[%mul3A_0] : memref<10240xf32, #tpu.memory_space<hbm>> -> memref<640xf32, #tpu.memory_space<hbm>>
        %dma_start3A_55 = tpu.memref_slice %arg6[%mul3A_0] : memref<10240xf32, #tpu.memory_space<hbm>> -> memref<640xf32, #tpu.memory_space<hbm>>
        tpu.enqueue_dma source(%dma_start3A_55 : memref<640xf32, #tpu.memory_space<hbm>>) target(%arg18 : memref<640xf32, #tpu.memory_space<vmem>>) target_semaphore(%run_scoped3A : memref<!tpu.dma_semaphore, #tpu.memory_space<semaphore_mem>>)
        %dma_wait3A_56 = tpu.memref_slice %arg6[%mul3A_0] : memref<10240xf32, #tpu.memory_space<hbm>> -> memref<640xf32, #tpu.memory_space<hbm>>
        %dma_wait3A_57 = tpu.memref_slice %arg6[%mul3A_0] : memref<10240xf32, #tpu.memory_space<hbm>> -> memref<640xf32, #tpu.memory_space<hbm>>
        tpu.wait_dma2 semaphore(%run_scoped3A : memref<!tpu.dma_semaphore, #tpu.memory_space<semaphore_mem>>) src(%dma_wait3A_57 : memref<640xf32, #tpu.memory_space<hbm>>) dst(%arg18 : memref<640xf32, #tpu.memory_space<vmem>>)
        tpu.yield
      }) : () -> ()
      %scan3A_47 = arith.constant 0 : i32
      %scan3A_48 = arith.constant 0 : i32
      %scan3A_49 = arith.constant 40 : i32
      %scan3A_50 = arith.addi %scan3A_48, %scan3A_49 : i32
      %scan3A_51 = arith.constant 1 : i32
      %scan3A_52 = scf.for %scan3A_54 = %scan3A_48 to %scan3A_50 step %scan3A_51 iter_args(%scan3A_55 = %scan3A_47) -> (i32)  : i32 {
        %mul3A_56 = arith.constant 16 : i32
        %mul3A_57 = arith.muli %scan3A_54, %mul3A_56 : i32
        %get3A = arith.index_cast %mul3A_57 : i32 to index
        %get3A_58 = tpu.vector_load %arg17[%get3A] {strides = array<i32>} : memref<640xf32, #tpu.memory_space<vmem>>, vector<16xf32>,
        %get3A_59 = vector.shape_cast %get3A_58 : vector<16xf32> to vector<16xf32>
        %get3A_60 = arith.index_cast %mul3A_57 : i32 to index
        %get3A_61 = tpu.vector_load %arg16[%get3A_60] {strides = array<i32>} : memref<640xf32, #tpu.memory_space<vmem>>, vector<16xf32>,
        %get3A_62 = vector.shape_cast %get3A_61 : vector<16xf32> to vector<16xf32>
        %get3A_63 = arith.index_cast %mul3A_57 : i32 to index
        %get3A_64 = tpu.vector_load %arg18[%get3A_63] {strides = array<i32>} : memref<640xf32, #tpu.memory_space<vmem>>, vector<16xf32>,
        %get3A_65 = vector.shape_cast %get3A_64 : vector<16xf32> to vector<16xf32>
        %mul3A_66 = arith.mulf %get3A_62, %get3A_65 : vector<16xf32>
        %add3A = arith.addf %get3A_59, %mul3A_66 : vector<16xf32>
        %neg3A = arith.constant 0.000000e+00 : f32
        %neg3A_67 = vector.broadcast %neg3A : f32 to vector<16xf32>
        %neg3A_68 = arith.subf %neg3A_67, %add3A : vector<16xf32>
        %exp3A = math.exp %neg3A_68 : vector<16xf32>
        %add3A_69 = arith.constant 1.000000e+00 : f32
        %add3A_70 = vector.broadcast %add3A_69 : f32 to vector<16xf32>
        %add3A_71 = arith.addf %add3A_70, %exp3A : vector<16xf32>
        %div3A = arith.constant 1.000000e+00 : f32
        %div3A_72 = vector.broadcast %div3A : f32 to vector<16xf32>
        %div3A_73 = arith.divf %div3A_72, %add3A_71 : vector<16xf32>
        %swap3A = arith.index_cast %mul3A_57 : i32 to index
        %swap3A_74 = tpu.vector_load %arg16[%swap3A] {strides = array<i32>} : memref<640xf32, #tpu.memory_space<vmem>>, vector<16xf32>,
        %swap3A_75 = vector.shape_cast %swap3A_74 : vector<16xf32> to vector<16xf32>
        %swap3A_76 = vector.shape_cast %div3A_73 : vector<16xf32> to vector<16xf32>
        tpu.vector_store %arg16[%swap3A], %swap3A_76 {strides = array<i32>} : memref<640xf32, #tpu.memory_space<vmem>>, vector<16xf32>,
        %scan3A_77 = arith.constant 0 : i32
        scf.yield %scan3A_77 : i32
      }
      %scan3A_53 = arith.constant 40 : i32
      "tpu.region"() ({
        %run_scoped3A = tpu.sem_alloc : memref<!tpu.dma_semaphore, #tpu.memory_space<semaphore_mem>>
        %dma_start3A_54 = tpu.memref_slice %arg7[%mul3A_0] : memref<10240xf32, #tpu.memory_space<hbm>> -> memref<640xf32, #tpu.memory_space<hbm>>
        %dma_start3A_55 = tpu.memref_slice %arg7[%mul3A_0] : memref<10240xf32, #tpu.memory_space<hbm>> -> memref<640xf32, #tpu.memory_space<hbm>>
        tpu.enqueue_dma source(%arg16 : memref<640xf32, #tpu.memory_space<vmem>>) target(%dma_start3A_55 : memref<640xf32, #tpu.memory_space<hbm>>) target_semaphore(%run_scoped3A : memref<!tpu.dma_semaphore, #tpu.memory_space<semaphore_mem>>)
        %dma_wait3A_56 = tpu.memref_slice %arg7[%mul3A_0] : memref<10240xf32, #tpu.memory_space<hbm>> -> memref<640xf32, #tpu.memory_space<hbm>>
        %dma_wait3A_57 = tpu.memref_slice %arg7[%mul3A_0] : memref<10240xf32, #tpu.memory_space<hbm>> -> memref<640xf32, #tpu.memory_space<hbm>>
        tpu.wait_dma2 semaphore(%run_scoped3A : memref<!tpu.dma_semaphore, #tpu.memory_space<semaphore_mem>>) src(%arg16 : memref<640xf32, #tpu.memory_space<vmem>>) dst(%dma_wait3A_57 : memref<640xf32, #tpu.memory_space<hbm>>)
        tpu.yield
      }) : () -> ()
    } else {
    }
    return
  }
}

module attributes {stable_mosaic.version = 14 : i64} {
  func.func @_tc_node_pass(%arg0: i32, %arg1: memref<400x128xf32, #tpu.memory_space<vmem>>, %arg2: memref<400x128xf32, #tpu.memory_space<vmem>>, %arg3: memref<400x128xf32, #tpu.memory_space<vmem>>, %arg4: memref<400x128xf32, #tpu.memory_space<vmem>>, %arg5: memref<400x1xf32, #tpu.memory_space<vmem>>, %arg6: memref<1x768xf32, #tpu.memory_space<vmem>>, %arg7: memref<400x1xf32, #tpu.memory_space<vmem>>, %arg8: memref<400x1xf32, #tpu.memory_space<vmem>>, %arg9: memref<400x1xf32, #tpu.memory_space<vmem>>) attributes {dimension_semantics = [#tpu.dimension_semantics<arbitrary>], iteration_bounds = array<i64: 25>, scalar_prefetch = 0 : i64, scratch_operands = 0 : i64, tpu.core_type = #tpu.core_type<tc>, window_params = [{transform_indices = @transform_0, window_bounds = array<i64: 400, 128>}, {transform_indices = @transform_1, window_bounds = array<i64: 400, 128>}, {transform_indices = @transform_2, window_bounds = array<i64: 400, 128>}, {transform_indices = @transform_3, window_bounds = array<i64: 400, 128>}, {transform_indices = @transform_4, window_bounds = array<i64: 400, 1>}, {pipeline_mode = #tpu.pipeline_mode<synchronous>, transform_indices = @transform_5, window_bounds = array<i64: 1, 768>}, {transform_indices = @transform_6, window_bounds = array<i64: 400, 1>}, {transform_indices = @transform_7, window_bounds = array<i64: 400, 1>}, {transform_indices = @transform_8, window_bounds = array<i64: 400, 1>}]} {
    %get3A = arith.constant 0 : index
    %get3A_0 = arith.constant 0 : index
    %get3A_1 = vector.load %arg5[%get3A, %get3A_0] : memref<400x1xf32, #tpu.memory_space<vmem>>, vector<400x1xf32>
    %max3A = arith.constant 1.000000e+00 : f32
    %max3A_2 = vector.broadcast %max3A : f32 to vector<400x1xf32>
    %max3A_3 = arith.maximumf %get3A_1, %max3A_2 : vector<400x1xf32>
    %div3A = arith.constant 1.000000e+00 : f32
    %div3A_4 = vector.broadcast %div3A : f32 to vector<400x1xf32>
    %div3A_5 = arith.divf %div3A_4, %max3A_3 : vector<400x1xf32>
    %get3A_6 = arith.constant 0 : index
    %get3A_7 = arith.constant 0 : index
    %get3A_8 = vector.load %arg6[%get3A_6, %get3A_7] : memref<1x768xf32, #tpu.memory_space<vmem>>, vector<1x128xf32>
    %get3A_9 = arith.constant 0 : index
    %get3A_10 = arith.constant 128 : index
    %get3A_11 = vector.load %arg6[%get3A_9, %get3A_10] : memref<1x768xf32, #tpu.memory_space<vmem>>, vector<1x128xf32>
    %get3A_12 = arith.constant 0 : index
    %get3A_13 = arith.constant 256 : index
    %get3A_14 = vector.load %arg6[%get3A_12, %get3A_13] : memref<1x768xf32, #tpu.memory_space<vmem>>, vector<1x128xf32>
    %get3A_15 = arith.constant 0 : index
    %get3A_16 = arith.constant 384 : index
    %get3A_17 = vector.load %arg6[%get3A_15, %get3A_16] : memref<1x768xf32, #tpu.memory_space<vmem>>, vector<1x128xf32>
    %get3A_18 = arith.constant 0 : index
    %get3A_19 = arith.constant 512 : index
    %get3A_20 = vector.load %arg6[%get3A_18, %get3A_19] : memref<1x768xf32, #tpu.memory_space<vmem>>, vector<1x128xf32>
    %get3A_21 = arith.constant 0 : index
    %get3A_22 = arith.constant 640 : index
    %get3A_23 = vector.load %arg6[%get3A_21, %get3A_22] : memref<1x768xf32, #tpu.memory_space<vmem>>, vector<1x128xf32>
    %get3A_24 = arith.constant 0 : index
    %get3A_25 = arith.constant 0 : index
    %get3A_26 = vector.load %arg1[%get3A_24, %get3A_25] : memref<400x128xf32, #tpu.memory_space<vmem>>, vector<400x128xf32>
    %get3A_27 = arith.constant 0 : index
    %get3A_28 = arith.constant 0 : index
    %get3A_29 = vector.load %arg2[%get3A_27, %get3A_28] : memref<400x128xf32, #tpu.memory_space<vmem>>, vector<400x128xf32>
    %get3A_30 = arith.constant 0 : index
    %get3A_31 = arith.constant 0 : index
    %get3A_32 = vector.load %arg3[%get3A_30, %get3A_31] : memref<400x128xf32, #tpu.memory_space<vmem>>, vector<400x128xf32>
    %mul3A = vector.broadcast %div3A_5 : vector<400x1xf32> to vector<400x128xf32>
    %mul3A_33 = arith.mulf %get3A_32, %mul3A : vector<400x128xf32>
    %get3A_34 = arith.constant 0 : index
    %get3A_35 = arith.constant 0 : index
    %get3A_36 = vector.load %arg4[%get3A_34, %get3A_35] : memref<400x128xf32, #tpu.memory_space<vmem>>, vector<400x128xf32>
    %mul3A_37 = vector.broadcast %div3A_5 : vector<400x1xf32> to vector<400x128xf32>
    %mul3A_38 = arith.mulf %get3A_36, %mul3A_37 : vector<400x128xf32>
    %sub3A = arith.subf %get3A_26, %mul3A_33 : vector<400x128xf32>
    %sub3A_39 = arith.subf %get3A_29, %mul3A_38 : vector<400x128xf32>
    %mul3A_40 = vector.broadcast %get3A_14 : vector<1x128xf32> to vector<400x128xf32>
    %mul3A_41 = arith.mulf %mul3A_40, %sub3A : vector<400x128xf32>
    %mul3A_42 = arith.mulf %mul3A_41, %sub3A : vector<400x128xf32>
    %reduce_sum3A = arith.constant dense<0.000000e+00> : vector<400xf32>
    %reduce_sum3A_43 = vector.multi_reduction <add>, %mul3A_42, %reduce_sum3A [1] : vector<400x128xf32> to vector<400xf32>
    %broadcast_in_dim3A = vector.shape_cast %reduce_sum3A_43 : vector<400xf32> to vector<400x1xf32>
    %mul3A_44 = vector.broadcast %get3A_17 : vector<1x128xf32> to vector<400x128xf32>
    %mul3A_45 = arith.mulf %mul3A_44, %sub3A_39 : vector<400x128xf32>
    %mul3A_46 = arith.mulf %mul3A_45, %sub3A_39 : vector<400x128xf32>
    %reduce_sum3A_47 = arith.constant dense<0.000000e+00> : vector<400xf32>
    %reduce_sum3A_48 = vector.multi_reduction <add>, %mul3A_46, %reduce_sum3A_47 [1] : vector<400x128xf32> to vector<400xf32>
    %broadcast_in_dim3A_49 = vector.shape_cast %reduce_sum3A_48 : vector<400xf32> to vector<400x1xf32>
    %add3A = arith.addf %broadcast_in_dim3A, %broadcast_in_dim3A_49 : vector<400x1xf32>
    %mul3A_50 = vector.broadcast %get3A_8 : vector<1x128xf32> to vector<400x128xf32>
    %mul3A_51 = arith.mulf %mul3A_50, %mul3A_33 : vector<400x128xf32>
    %mul3A_52 = vector.broadcast %get3A_20 : vector<1x128xf32> to vector<400x128xf32>
    %mul3A_53 = arith.mulf %mul3A_52, %get3A_26 : vector<400x128xf32>
    %add3A_54 = arith.addf %mul3A_51, %mul3A_53 : vector<400x128xf32>
    %reduce_sum3A_55 = arith.constant dense<0.000000e+00> : vector<400xf32>
    %reduce_sum3A_56 = vector.multi_reduction <add>, %add3A_54, %reduce_sum3A_55 [1] : vector<400x128xf32> to vector<400xf32>
    %broadcast_in_dim3A_57 = vector.shape_cast %reduce_sum3A_56 : vector<400xf32> to vector<400x1xf32>
    %mul3A_58 = vector.broadcast %get3A_11 : vector<1x128xf32> to vector<400x128xf32>
    %mul3A_59 = arith.mulf %mul3A_58, %mul3A_38 : vector<400x128xf32>
    %mul3A_60 = vector.broadcast %get3A_23 : vector<1x128xf32> to vector<400x128xf32>
    %mul3A_61 = arith.mulf %mul3A_60, %get3A_29 : vector<400x128xf32>
    %add3A_62 = arith.addf %mul3A_59, %mul3A_61 : vector<400x128xf32>
    %reduce_sum3A_63 = arith.constant dense<0.000000e+00> : vector<400xf32>
    %reduce_sum3A_64 = vector.multi_reduction <add>, %add3A_62, %reduce_sum3A_63 [1] : vector<400x128xf32> to vector<400xf32>
    %broadcast_in_dim3A_65 = vector.shape_cast %reduce_sum3A_64 : vector<400xf32> to vector<400x1xf32>
    %add3A_66 = arith.addf %broadcast_in_dim3A_57, %broadcast_in_dim3A_65 : vector<400x1xf32>
    %swap3A = arith.constant 0 : index
    %swap3A_67 = arith.constant 0 : index
    %swap3A_68 = vector.load %arg7[%swap3A, %swap3A_67] : memref<400x1xf32, #tpu.memory_space<vmem>>, vector<400x1xf32>
    tpu.vector_store %arg7[%swap3A, %swap3A_67], %add3A {strides = array<i32>} : memref<400x1xf32, #tpu.memory_space<vmem>>, vector<400x1xf32>,
    %swap3A_69 = arith.constant 0 : index
    %swap3A_70 = arith.constant 0 : index
    %swap3A_71 = vector.load %arg8[%swap3A_69, %swap3A_70] : memref<400x1xf32, #tpu.memory_space<vmem>>, vector<400x1xf32>
    tpu.vector_store %arg8[%swap3A_69, %swap3A_70], %add3A_66 {strides = array<i32>} : memref<400x1xf32, #tpu.memory_space<vmem>>, vector<400x1xf32>,
    %swap3A_72 = arith.constant 0 : index
    %swap3A_73 = arith.constant 0 : index
    %swap3A_74 = vector.load %arg9[%swap3A_72, %swap3A_73] : memref<400x1xf32, #tpu.memory_space<vmem>>, vector<400x1xf32>
    tpu.vector_store %arg9[%swap3A_72, %swap3A_73], %div3A_5 {strides = array<i32>} : memref<400x1xf32, #tpu.memory_space<vmem>>, vector<400x1xf32>,
    return
  }
  func.func @transform_0(%arg0: i32) -> (i32, i32) {
    %c0_i32 = arith.constant 0 : i32
    %c0_i32_0 = arith.constant 0 : i32
    return %arg0, %c0_i32 : i32, i32
  }
  func.func @transform_1(%arg0: i32) -> (i32, i32) {
    %c0_i32 = arith.constant 0 : i32
    %c0_i32_0 = arith.constant 0 : i32
    return %arg0, %c0_i32 : i32, i32
  }
  func.func @transform_2(%arg0: i32) -> (i32, i32) {
    %c0_i32 = arith.constant 0 : i32
    %c0_i32_0 = arith.constant 0 : i32
    return %arg0, %c0_i32 : i32, i32
  }
  func.func @transform_3(%arg0: i32) -> (i32, i32) {
    %c0_i32 = arith.constant 0 : i32
    %c0_i32_0 = arith.constant 0 : i32
    return %arg0, %c0_i32 : i32, i32
  }
  func.func @transform_4(%arg0: i32) -> (i32, i32) {
    %c0_i32 = arith.constant 0 : i32
    %c0_i32_0 = arith.constant 0 : i32
    return %arg0, %c0_i32 : i32, i32
  }
  func.func @transform_5(%arg0: i32) -> (i32, i32) {
    %c0_i32 = arith.constant 0 : i32
    %c0_i32_0 = arith.constant 0 : i32
    %c0_i32_1 = arith.constant 0 : i32
    return %c0_i32, %c0_i32_0 : i32, i32
  }
  func.func @transform_6(%arg0: i32) -> (i32, i32) {
    %c0_i32 = arith.constant 0 : i32
    %c0_i32_0 = arith.constant 0 : i32
    return %arg0, %c0_i32 : i32, i32
  }
  func.func @transform_7(%arg0: i32) -> (i32, i32) {
    %c0_i32 = arith.constant 0 : i32
    %c0_i32_0 = arith.constant 0 : i32
    return %arg0, %c0_i32 : i32, i32
  }
  func.func @transform_8(%arg0: i32) -> (i32, i32) {
    %c0_i32 = arith.constant 0 : i32
    %c0_i32_0 = arith.constant 0 : i32
    return %arg0, %c0_i32 : i32, i32
  }
}

</mosaic_0001>

<sc_bundles>
// kernel: kernel.5.cloned.1.call-start
scs
__scs_entry_jumppad:
0x0: {  	(pc) =	sbr.rel $0x88, $3  }
0x1: {  	(tag) =	ssettag $0x0;
	lr =	simm.s32 $0x1  }
0x2: {  	[smem:$0x3F9E] =	sst lr;
	_ =	strace $0xD0000000  }
0x3: {  	_ = 	snop  }
0x4: {  	_ = 	snop  }
0x5: {  	_ = 	snop  }
0x6: {  	_ = 	snop  }
0x7: {  	_ = 	snop  }
__scs_overlays_trampoline_lowered:
0x8: {  	[smem:$0x3FAD] =	sst s0  }
0x9: {  	[smem:$0x3FAE] =	sst s1  }
0xa: {  	[smem:$0x3FAF] =	sst s2  }
0xb: {  	[smem:$0x3FB0] =	sst s3  }
0xc: {  	[smem:$0x3FB1] =	sst s4  }
0xd: {  	[smem:$0x3FB2] =	sst s5  }
0xe: {  	[smem:$0x3FB3] =	sst s6  }
0xf: {  	[smem:$0x3FB4] =	sst s7  }
0x10: {  	[smem:$0x3FB5] =	sst s8  }
0x11: {  	[smem:$0x3FB6] =	sst s9;
	s0 =	simm.s32 @!p0 $0x0  }
0x12: {  	s1 =	sld [smem:$0x3F9C];
	s0 =	simm.s32 @p0 $0x1  }
0x13: {  	[smem:$0x3FB7] =	sst s0;
	s0 =	simm.s32 @!p1 $0x0  }
0x14: {  	s2 =	sld [smem:$0x3F9B];
	s0 =	simm.s32 @p1 $0x1  }
0x15: {  	[smem:$0x3FB8] =	sst s0;
	s0 =	simm.s32 @!p2 $0x0  }
0x16: {  	s3 =	sld [smem:$0x3FDB];
	s0 =	simm.s32 @p2 $0x1  }
0x17: {  	s4 =	simm.s32 $0x1BF5;
	[smem:$0x3FBA] =	sst s0  }
0x18: {  	s0 =	sld [smem:$0x3F9D];
	_ =	swait.ge [sflag:s4], $0x0  }
0x19: {  	s7 =	sld [smem:$0x3F9E]  }
0x1a: {  	s8 =	sadd.s32 $0xFFFFE003, lr  }
0x1b: {  	s9 =	sadd.s32 $0xFFFFFEF7, lr;
	s5 =	simm.s32 $0xFFFFFFFF;
	p2 =	slt.u32 s8, $0xFFFFF086  }
0x1c: {  	p1 =	slt.u32 s9, $0xF7A;
	s5 =	simm.s32 @!p2 $0x0  }
0x1d: {  	s5 =	simm.s32 @p1 $0x1;
	p0 =	seq.s32 s7, s2  }
0x1e: {  	s7 =	smul.u32 @!p0 $0xF7A, s2;
	p2 =	seq.s32 @!p0 s5, $0x0  }
0x1f: {  	s9 =	smul.u32 $0xF7A, s1;
	s8 =	simm.s32 @!p0 $0x1BF5;
	p2 =	por !p2, p0  }
0x20: {  	[sflag:s8] =	ssyncset.s32 @!p0 $0xFFFFF086;
	s6 =	sadd.s32 @!p0 s3, s7;
	s7 =	simm.s32 @!p0 $0x108  }
0x21: {  	s3 =	sadd.s32 s3, s9;
	s6 =	sadd.s32 @!p0 $0x88, s6;
	s7 =	simm.s32 @p2 $0x1082  }
0x22: {  	[simem:s7], [sflag:s8] =	dma.local @!p0 [hbm:s6], $0xF7A  }
0x23: {  	s9 =	sor.u32 $0xD0000000, s2;
	s6 =	simm.s32 $0x108;
	_ =	swait.ge @!p0 [sflag:s8], $0x0  }
0x24: {  	s3 =	sadd.s32 $0x88, s3;
	s6 =	simm.s32 @!p1 $0x1082;
	[sflag:s4] =	ssyncset.s32 $0xFFFFF086  }
0x25: {  	[simem:s6], [sflag:s4] =	dma.local [hbm:s3], $0xF7A  }
0x26: {  	[smem:$0x3F9E] =	sst s1;
	(tag) =	ssettag s2;
	_ =	strace s9  }
0x27: {  	s1 =	sld [smem:$0x3FAE]  }
0x28: {  	s2 =	sld [smem:$0x3FAF]  }
0x29: {  	s4 =	sld [smem:$0x3FB1]  }
0x2a: {  	p0 =	seq.s32 s5, $0x0;
	s5 =	sld [smem:$0x3FB2]  }
0x2b: {  	s6 =	sld [smem:$0x3FB3]  }
0x2c: {  	s7 =	sld [smem:$0x3FB4]  }
0x2d: {  	s3 =	simm.s32 $0x108;
	s8 =	sld [smem:$0x3FB5]  }
0x2e: {  	s3 =	simm.s32 @!p0 $0x1082;
	s9 =	sld [smem:$0x3FB6]  }
0x2f: {  	lr =	sadd.s32 s0, s3;
	s0 =	sld [smem:$0x3FAD]  }
0x30: {  	s3 =	sld [smem:$0x3FB0]  }
0x31: {  	[smem:$0x3FB9] =	sst s10  }
0x32: {  	s10 =	sld [smem:$0x3FB7];
	_ =	sdelay $0x3  }
0x33: {  	p0 =	seq.s32 s10, $0x1;
	s10 =	sld [smem:$0x3FB9];
	_ =	sdelay $0x3  }
0x34: {  	[smem:$0x3FB9] =	sst s10  }
0x35: {  	s10 =	sld [smem:$0x3FB8];
	_ =	sdelay $0x3  }
0x36: {  	p1 =	seq.s32 s10, $0x1;
	s10 =	sld [smem:$0x3FB9];
	_ =	sdelay $0x3  }
0x37: {  	[smem:$0x3FB9] =	sst s10  }
0x38: {  	s10 =	sld [smem:$0x3FBA]  }
0x39: {  	_ = 	snop;
	(pc) =	sbr.ind lr, $3  }
0x3a: {  	_ = 	snop  }
0x3b: {  	_ = 	snop  }
0x3c: {  	p2 =	seq.s32 s10, $0x1;
	s10 =	sld [smem:$0x3FB9]  }
0x3d: {  	_ =	shalt  }
0x3e: {  	_ =	shalt  }
0x3f: {  	_ =	shalt  }
0x40: {  	_ =	shalt  }
0x41: {  	_ =	shalt  }
0x42: {  	_ =	shalt  }
0x43: {  	_ =	shalt  }
0x44: {  	_ =	shalt  }
0x45: {  	_ =	shalt  }
0x46: {  	_ =	shalt  }
0x47: {  	_ =	shalt  }
0x48: {  	_ =	shalt  }
0x49: {  	_ =	shalt  }
0x4a: {  	_ =	shalt  }
0x4b: {  	_ =	shalt  }
0x4c: {  	_ =	shalt  }
0x4d: {  	_ =	shalt  }
0x4e: {  	_ =	shalt  }
0x4f: {  	_ =	shalt  }
0x50: {  	_ =	shalt  }
0x51: {  	_ =	shalt  }
0x52: {  	_ =	shalt  }
0x53: {  	_ =	shalt  }
0x54: {  	_ =	shalt  }
0x55: {  	_ =	shalt  }
0x56: {  	_ =	shalt  }
0x57: {  	_ =	shalt  }
0x58: {  	_ =	shalt  }
0x59: {  	_ =	shalt  }
0x5a: {  	_ =	shalt  }
0x5b: {  	_ =	shalt  }
0x5c: {  	_ =	shalt  }
0x5d: {  	_ =	shalt  }
0x5e: {  	_ =	shalt  }
0x5f: {  	_ =	shalt  }
0x60: {  	_ =	shalt  }
0x61: {  	_ =	shalt  }
0x62: {  	_ =	shalt  }
0x63: {  	_ =	shalt  }
0x64: {  	_ =	shalt  }
0x65: {  	_ =	shalt  }
0x66: {  	_ =	shalt  }
0x67: {  	_ =	shalt  }
0x68: {  	_ =	shalt  }
0x69: {  	_ =	shalt  }
0x6a: {  	_ =	shalt  }
0x6b: {  	_ =	shalt  }
0x6c: {  	_ =	shalt  }
0x6d: {  	_ =	shalt  }
0x6e: {  	_ =	shalt  }
0x6f: {  	_ =	shalt  }
0x70: {  	_ =	shalt  }
0x71: {  	_ =	shalt  }
0x72: {  	_ =	shalt  }
0x73: {  	_ =	shalt  }
0x74: {  	_ =	shalt  }
0x75: {  	_ =	shalt  }
0x76: {  	_ =	shalt  }
0x77: {  	_ =	shalt  }
0x78: {  	_ =	shalt  }
0x79: {  	_ =	shalt  }
0x7a: {  	_ =	shalt  }
0x7b: {  	_ =	shalt  }
0x7c: {  	_ =	shalt  }
0x7d: {  	_ =	shalt  }
0x7e: {  	_ =	shalt  }
0x7f: {  	_ =	shalt  }
0x80: {  	_ =	shalt  }
0x81: {  	_ =	shalt  }
0x82: {  	_ =	shalt  }
0x83: {  	_ =	shalt  }
0x84: {  	_ =	shalt  }
0x85: {  	_ =	shalt  }
0x86: {  	_ =	shalt  }
0x87: {  	_ =	shalt  }
.Lfunc_end0:
.L_simem_size_0:
called_computation_lowered:
.L_overlay_start_0:
0x88: {  	s2 =	sld [smem:$0x3FD9]  }
0x89: {  	s3 =	sld [smem:$0x3FFE];
	_ =	sdelay $0x1  }
0x8a: {  	s1 =	srdreg.scid  }
0x8b: {  	s0 =	sand.u32 $0x1, s1  }
0x8c: {  	s16 =	sshll.u32 s0, $0xA;
	s2 =	sadd.s32 s3, s2  }
0x8d: {  	s2 =	sadd.s32 s2, s16  }
0x8e: {  	[smem:$0x3FC5] =	sst s2  }
0x8f: {  	_ = 	snop  }
0x90: {  	(tm) =	ssettm $0x1  }
0x91: {  	s17 =	sld [smem:$0x3FFB];
	_ =	sdelay $0x3  }
0x92: {  	_ =	strace s17  }
0x93: {  	s2 =	sld [smem:$0x3FFC];
	_ =	sdelay $0x3  }
0x94: {  	_ =	strace s2  }
0x95: {  	s2 =	sld [smem:$0x3FFD];
	_ =	sdelay $0x3  }
0x96: {  	_ =	strace s2  }
0x97: {  	_ =	strace $0x8FFFFFFF  }
0x98: {  	s18 =	sld [smem:$0x3FDB];
	_ =	sdelay $0x1  }
0x99: {  	s19 =	simm.s32 $_scs_section_size  }
0x9a: {  	s4 =	simm.s32 $_size__tile_overlayer_lowered;
	s5 =	simm.s32 $_tile_overlayer_lowered  }
0x9b: {  	s22 =	simm.s32 $0x1BFF;
	s21 =	sshll.u32 s5, $0x1;
	s2 =	sadd.s32 s19, s18  }
0x9c: {  	s6 =	simm.s32 $0x0;
	s20 =	sshll.u32 s4, $0x1;
	s4 =	sadd.s32 s21, s2  }
0x9d: {  	[timem:s6], [sflag:s22] =	dma.local [hbm:s4], s20  }
0x9e: {  	_ =	swait.ge [sflag:s22], s20  }
0x9f: {  	s3 =	ssub.s32 $0x0, s20;
	[sflag:s22] =	ssyncset.done $0x0  }
0xa0: {  	[sflag:s22] =	ssyncadd.s32 s3;
	_ =	sdelay $0x1  }
0xa1: {  	s23 =	simm.s32 $0x1B8B  }
0xa2: {  	_ =	swait.ge [sflag:s23], $0x1  }
0xa3: {  	[sflag:s23] =	ssyncset.done $0x0  }
0xa4: {  	s25 =	simm.s32 $0x1B8E;
	s24 =	sld [smem:$0x3FFE];
	[sflag:s23] =	ssyncadd.s32 $0xFFFFFFFF  }
0xa5: {  	s26 =	simm.s32 $execute0_lowered;
	[smem:$0x3FD2] =	sst s25  }
0xa6: {  	s4 =	sshll.u32 s26, $0x1;
	_ =	strace $0x80000046;
	[dreg:$0x1] =	wrdreg $0xFFFFFFFF  }
0xa7: {  	s28 =	simm.s32 $_size_execute0_lowered;
	s2 =	sadd.s32 s2, s4;
	[dreg:$0x0] =	wrdreg $0x0  }
0xa8: {  	s4 =	sshll.u32 s28, $0x1;
	[dreg:$0x2] =	wrdreg s2  }
0xa9: {  	[dreg:$0x3] =	wrdreg s4  }
0xaa: {  	[dreg:$0x4] =	wrdreg $0xC0  }
0xab: {  	_ =	task [dreg:s6], $0x5FFFF  }
0xac: {  	[dreg:$0x1] =	wrdreg $0xFFFFFFFF  }
0xad: {  	[dreg:$0x0] =	wrdreg $0x60  }
0xae: {  	[dreg:$0x2] =	wrdreg s24  }
0xaf: {  	[dreg:$0x3] =	wrdreg $0x0  }
0xb0: {  	[dreg:$0x4] =	wrdreg $0x140000  }
0xb1: {  	[dreg:$0x5] =	wrdreg $0x9  }
0xb2: {  	_ =	task.clear_ibuf [dreg:s6], $0x6FFFF;
	_ =	strace $0x90000046  }
0xb3: {  	s29 =	simm.s32 $0x9;
	_ =	strace $0x80000048  }
0xb4: {  	_ =	swait.ge [sflag:s29], $0x1  }
0xb5: {  	[sflag:s29] =	ssyncadd.s32 $0xFFFFFFFF  }
0xb6: {  	_ =	strace $0x90000048  }
0xb7: {  	_ =	sfence  }
0xb8: {  	s30 =	sld [smem:$0x0];
	_ =	sdelay $0x2  }
0xb9: {  	s31 =	sshll.u32 s1, $0xD;
	s1 =	sshrl.u32 s1, $0x2  }
0xba: {  	s3 =	sand.u32 $0x4000, s31;
	s1 =	sadd.s32 s1, s30  }
0xbb: {  	s0 =	sor.u32 s3, s0;
	s1 =	sshll.u32 s1, $0x11  }
0xbc: {  	s0 =	sor.u32 s1, s0  }
0xbd: {  	s0 =	sadd.s32 $0x8F2B, s0  }
0xbe: {  	[sflag:s0] =	ssyncadd.remote.s32 $0x1  }
0xbf: {  	_ =	sfence.sel $0xFFFF  }
0xc0: {  	[dreg:$0x0] =	wrdreg $0xFFFFFFFF;
	(pc) =	sbr.abs _section_cstart, $3  }
0xc1: {  	[dreg:$0x1] =	wrdreg $0xFFFFFFFF  }
0xc2: {  	_ =	task.clear_ibuf [dreg:s6], $0x2FFFF;
	_ =	strace $0x9FFFFFFF  }
0xc3: {  	(tm) =	ssettm $0x7FFFFFFF  }
tec
execute0_lowered:
.L_overlay_start_1:
0x0: {  	(tag) =	ssettag $0x1  }
0x1: {  	s0 =	rddreg [dreg:$0x0]  }
0x2: {  	s1 =	rddreg [dreg:$0x1]  }
0x3: {  	s3 =	rddreg [dreg:$0x2];
	s2 =	simm.s32 $0x0  }
0x4: {  	s14 =	stileid.u32;
	s7 =	srdreg.scid;
	s28 =	simm.s32 $0x14280  }
0x5: {  	s29 =	simm.s32 $0x16280;
	s30 =	simm.s32 $0x50;
	s26 =	smul.u32 $0x2800, s14  }
0x6: {  	[smem:$0x7FF] =	sst s2;
	s5 =	sadd.s32 $0x200, s0;
	s4 =	smul.u32 $0x280, s14  }
0x7: {  	s6 =	sadd.s32 $0x27400, s0;
	s8 =	sadd.s32 $0x56600, s0;
	s9 =	smul.u32 $0x50000, s14  }
0x8: {  	s10 =	sadd.s32 $0x4E600, s0;
	s11 =	sand.u32 $0x1, s7;
	s23 =	sshll.u32 s14, $0xB  }
0x9: {  	s14 =	simm.s32 $0x8;
	_ =	strace $0x80000047;
	s12 =	ssub.s32 $0x2, s11  }
0xa: {  	s24 =	sadd.s32 s8, s23;
	s25 =	sor.u32 $0x400, s23;
	p0 =	sne.s32 s11, $0x0  }
0xb: {  	s11 =	simm.s32 $0x3;
	s2 =	sadd.s32 s26, s0;
	s31 =	sshrl.u32 s4, $0x3  }
0xc: {  	s13 =	sshrl.u32 s12, $0x1;
	[dreg:$0xb] =	wrdreg s24;
	s8 =	sadd.s32 s8, s25  }
0xd: {  	s15 =	sadd.s32 s4, s3;
	s4 =	sadd.s32 s10, s25;
	[dreg:$0xd] =	wrdreg s8  }
0xe: {  	s13 =	ssub.s32 s12, s13;
	s12 =	sadd.s32 s10, s23;
	[dreg:$0xe] =	wrdreg s4  }
0xf: {  	s9 =	sshrl.u32 s9, $0x2;
	s26 =	sadd.s32 $0x86C00, s2;
	[dreg:$0xc] =	wrdreg s12  }
0x10: {  	s7 =	sadd.s32 s9, s1;
	s2 =	sadd.s32 $0x5EC00, s2;
	[dreg:$0xf] =	wrdreg s26  }
0x11: {  	s24 =	simm.s32 $0x18280;
	s16 =	sadd.s32 $0x2800, s7;
	[dreg:$0x10] =	wrdreg s2  }
0x12: {  	s25 =	simm.s32 $0xA;
	s17 =	sadd.s32 $0x5000, s7;
	[dreg:$0x4] =	wrdreg s16  }
0x13: {  	s0 =	sadd.s32 s31, s0;
	s18 =	sadd.s32 $0x7800, s7;
	[dreg:$0x5] =	wrdreg s17  }
0x14: {  	s4 =	simm.s32 $0x16300;
	s19 =	sadd.s32 $0xA000, s7;
	[dreg:$0x6] =	wrdreg s18  }
0x15: {  	s8 =	simm.s32 $0x4;
	s20 =	sadd.s32 $0xC800, s7;
	[dreg:$0x7] =	wrdreg s19  }
0x16: {  	s9 =	simm.s32 $0x7;
	s21 =	sadd.s32 $0xF000, s7;
	[dreg:$0x8] =	wrdreg s20  }
0x17: {  	s22 =	sadd.s32 $0x11800, s7;
	s0 =	sadd.s32 $0x5E600, s0;
	[dreg:$0x9] =	wrdreg s21  }
.Ltmp0:
0x18: {  	s31 =	smax.u32 s13, $0x1;
	[dreg:$0xa] =	wrdreg s22;
	(pc) =	sbr.rel .LBB2_1-.Ltmp0, $4  }
0x19: {  	s26 =	simm.s32 $0x1;
	s2 =	simm.s32 $0x2;
	[dreg:$0x11] =	wrdreg s0  }
0x1a: {  	s12 =	simm.s32 $0x16380;
	s13 =	simm.s32 $0x5;
	[dreg:$0x12] =	wrdreg s31  }
0x1b: {  	s0 =	simm.s32 $0x1AA80;
	s20 =	simm.s32 $0x1FA80;
	s22 =	simm.s32 $0x1D280  }
0x1c: {  	v0 =	vimm.f32 $0.0e+00;
	v1 =	vimm.f32 $1.000000000e+00;
	s17 =	simm.s32 $0x6;
	s18 =	simm.s32 $0x9;
	s19 =	simm.s32 $0x0  }
.LBB2_17:
0x1d: {  	_ =	swait.ge [sflag:s11], $0x2800  }
0x1e: {  	[sflag:s11] =	ssyncset.done $0x0  }
0x1f: {  	[sflag:s11] =	ssyncadd.s32 $0xFFFFD800  }
0x20: {  	[spmem:s1] =	stream.indirect.scatter.add.f32 [tilespmem:s22], [sflag:$0x6], $0x80, s21, s30, $0xb8;
	[tilespmem:$0x1FD80] =	vst v63  }
0x21: {  	_ =	swait.ge [sflag:s13], $0x2800  }
0x22: {  	[sflag:s13] =	ssyncset.done $0x0  }
0x23: {  	[sflag:s13] =	ssyncadd.s32 $0xFFFFD800  }
0x24: {  	_ =	swait.ge [sflag:s17], $0x2800  }
0x25: {  	[sflag:s17] =	ssyncset.done $0x0  }
0x26: {  	s10 =	stileid.u32;
	[sflag:s17] =	ssyncadd.s32 $0xFFFFD800  }
0x27: {  	s10 =	sshll.u32 s10, $0x6;
	[bflag:$0x0] =	sbarrier.arrive $0xFFFF  }
0x28: {  	s16 =	sshrl.u32 s7, $0x3;
	s10 =	sor.u32 $0x1C0A, s10;
	s31 =	rddreg [dreg:$0xf]  }
0x29: {  	[hbm:s31], [sflag:s10] =	dma.local [spmem:s16], $0x2800  }
0x2a: {  	_ =	swait.ge [sflag:s25], $0x2800  }
0x2b: {  	[sflag:s25] =	ssyncset.done $0x0  }
0x2c: {  	[sflag:s25] =	ssyncadd.s32 $0xFFFFD800  }
.LBB2_18:
0x2d: {  	s19 =	sadd.s32 $0x1, s19;
	s10 =	rddreg [dreg:$0x12]  }
0x2e: {  	p1 =	sne.s32 s19, s10  }
.Ltmp1:
0x2f: {  	_ = 	snop;
	(pc) =	sbr.rel @!p1 .LBB2_19-.Ltmp1, $1  }
0x30: {  	_ =	sdelay $0x3  }
.LBB2_1:
0x31: {  	s23 =	simm.s32 $0x70;
	s31 =	simm.s32 $0x3C0  }
.LBB2_2:
0x32: {  	p1 =	sne.s32 s31, $0x9FC0;
	[tilespmem:s23+$0x18280] =	vst v0  }
0x33: {  	[tilespmem:s23+$0x18210] =	vst v0  }
0x34: {  	[tilespmem:s23+$0x18220] =	vst v0  }
.Ltmp2:
0x35: {  	[tilespmem:s23+$0x18230] =	vst v0;
	(pc) =	sbr.rel @p1 .LBB2_2-.Ltmp2, $4  }
0x36: {  	[tilespmem:s23+$0x18240] =	vst v0  }
0x37: {  	[tilespmem:s23+$0x18250] =	vst v0  }
0x38: {  	[tilespmem:s23+$0x18260] =	vst v0  }
0x39: {  	[tilespmem:s23+$0x18270] =	vst v0;
	s23 =	sshra.s32 s31, $0x2;
	s31 =	sadd.s32 $0x200, s31  }
0x3a: {  	[tilespmem:s23+$0x18280] =	vst v0  }
0x3b: {  	[tilespmem:s23+$0x18210] =	vst v0  }
0x3c: {  	[tilespmem:s23+$0x18220] =	vst v0  }
0x3d: {  	[tilespmem:s23+$0x18230] =	vst v0  }
0x3e: {  	[tilespmem:s23+$0x18240] =	vst v0  }
0x3f: {  	[tilespmem:s23+$0x18250] =	vst v0  }
0x40: {  	[tilespmem:s23+$0x18260] =	vst v0  }
0x41: {  	[tilespmem:s23+$0x18270] =	vst v0  }
0x42: {  	[tilespmem:$0x1FB00] =	vst v0  }
0x43: {  	[tilespmem:$0x1FB10] =	vst v0  }
0x44: {  	[tilespmem:$0x1FB20] =	vst v0  }
0x45: {  	[tilespmem:$0x1FB30] =	vst v0  }
0x46: {  	[tilespmem:$0x1FB40] =	vst v0  }
0x47: {  	[tilespmem:$0x1FB50] =	vst v0  }
0x48: {  	[tilespmem:$0x1FB60] =	vst v0  }
0x49: {  	[tilespmem:$0x1FB70] =	vst v0  }
0x4a: {  	[tilespmem:$0x1FB80] =	vst v0  }
0x4b: {  	[tilespmem:$0x1FB90] =	vst v0  }
0x4c: {  	[tilespmem:$0x1FBA0] =	vst v0  }
0x4d: {  	[tilespmem:$0x1FBB0] =	vst v0  }
0x4e: {  	[tilespmem:$0x1FBC0] =	vst v0  }
0x4f: {  	[tilespmem:$0x1FBD0] =	vst v0  }
0x50: {  	[tilespmem:$0x1FBE0] =	vst v0  }
0x51: {  	[tilespmem:$0x1FBF0] =	vst v0  }
0x52: {  	[tilespmem:$0x1FC00] =	vst v0  }
0x53: {  	[tilespmem:$0x1FC10] =	vst v0  }
0x54: {  	[tilespmem:$0x1FC20] =	vst v0  }
0x55: {  	[tilespmem:$0x1FC30] =	vst v0  }
0x56: {  	[tilespmem:$0x1FC40] =	vst v0  }
0x57: {  	[tilespmem:$0x1FC50] =	vst v0  }
0x58: {  	[tilespmem:$0x1FC60] =	vst v0  }
0x59: {  	[tilespmem:$0x1FC70] =	vst v0  }
0x5a: {  	[tilespmem:$0x1FC80] =	vst v0  }
0x5b: {  	[tilespmem:$0x1FC90] =	vst v0  }
0x5c: {  	[tilespmem:$0x1FCA0] =	vst v0  }
0x5d: {  	[tilespmem:$0x1FCB0] =	vst v0  }
0x5e: {  	[tilespmem:$0x1FCC0] =	vst v0  }
0x5f: {  	[tilespmem:$0x1FCD0] =	vst v0  }
0x60: {  	[tilespmem:$0x1FCE0] =	vst v0  }
0x61: {  	[tilespmem:$0x1FCF0] =	vst v0  }
0x62: {  	[tilespmem:$0x1FD00] =	vst v0  }
0x63: {  	[tilespmem:$0x1FD10] =	vst v0  }
0x64: {  	[tilespmem:$0x1FD20] =	vst v0  }
0x65: {  	[tilespmem:$0x1FD30] =	vst v0  }
0x66: {  	[tilespmem:$0x1FD40] =	vst v0  }
0x67: {  	[tilespmem:$0x1FD50] =	vst v0  }
0x68: {  	[tilespmem:$0x1FD60] =	vst v0  }
0x69: {  	[tilespmem:$0x1FD70] =	vst v0  }
0x6a: {  	[tilespmem:$0x1FA80] =	vst v1  }
0x6b: {  	[tilespmem:$0x1FA90] =	vst v1  }
0x6c: {  	[tilespmem:$0x1FAA0] =	vst v1  }
0x6d: {  	[tilespmem:$0x1FAB0] =	vst v1  }
0x6e: {  	[tilespmem:$0x1FAC0] =	vst v1  }
0x6f: {  	[spmem:s7] =	stream.linear.scatter [tilespmem:s24], [sflag:$0xA], $0x2800, $0x38;
	[tilespmem:$0x1FD80] =	vst v63  }
0x70: {  	_ =	swait.ge [sflag:s25], $0x2800  }
0x71: {  	[sflag:s25] =	ssyncset.done $0x0  }
0x72: {  	s10 =	rddreg [dreg:$0x4];
	[sflag:s25] =	ssyncadd.s32 $0xFFFFD800  }
0x73: {  	[spmem:s10] =	stream.linear.scatter [tilespmem:s24], [sflag:$0xA], $0x2800, $0x38;
	[tilespmem:$0x1FD80] =	vst v63  }
0x74: {  	_ =	swait.ge [sflag:s25], $0x2800  }
0x75: {  	[sflag:s25] =	ssyncset.done $0x0  }
0x76: {  	s31 =	rddreg [dreg:$0x5];
	[sflag:s25] =	ssyncadd.s32 $0xFFFFD800  }
0x77: {  	[spmem:s31] =	stream.linear.scatter [tilespmem:s24], [sflag:$0xA], $0x2800, $0x38;
	[tilespmem:$0x1FD80] =	vst v63  }
0x78: {  	_ =	swait.ge [sflag:s25], $0x2800  }
0x79: {  	[sflag:s25] =	ssyncset.done $0x0  }
0x7a: {  	s16 =	rddreg [dreg:$0x6];
	[sflag:s25] =	ssyncadd.s32 $0xFFFFD800  }
0x7b: {  	[spmem:s16] =	stream.linear.scatter [tilespmem:s24], [sflag:$0xA], $0x2800, $0x38;
	[tilespmem:$0x1FD80] =	vst v63  }
0x7c: {  	_ =	swait.ge [sflag:s25], $0x2800  }
0x7d: {  	[sflag:s25] =	ssyncset.done $0x0  }
0x7e: {  	s21 =	rddreg [dreg:$0x7];
	[sflag:s25] =	ssyncadd.s32 $0xFFFFD800  }
0x7f: {  	[spmem:s21] =	stream.linear.scatter [tilespmem:s24], [sflag:$0xA], $0x2800, $0x38;
	[tilespmem:$0x1FD80] =	vst v63  }
0x80: {  	_ =	swait.ge [sflag:s25], $0x2800  }
0x81: {  	[sflag:s25] =	ssyncset.done $0x0  }
0x82: {  	s23 =	rddreg [dreg:$0x8];
	[sflag:s25] =	ssyncadd.s32 $0xFFFFD800  }
0x83: {  	[spmem:s23] =	stream.linear.scatter [tilespmem:s24], [sflag:$0xA], $0x2800, $0x38;
	[tilespmem:$0x1FD80] =	vst v63  }
0x84: {  	_ =	swait.ge [sflag:s25], $0x2800  }
0x85: {  	[sflag:s25] =	ssyncset.done $0x0  }
0x86: {  	s31 =	rddreg [dreg:$0x9];
	[sflag:s25] =	ssyncadd.s32 $0xFFFFD800  }
0x87: {  	[spmem:s31] =	stream.linear.scatter [tilespmem:s24], [sflag:$0xA], $0x2800, $0x38;
	[tilespmem:$0x1FD80] =	vst v63  }
0x88: {  	_ =	swait.ge [sflag:s25], $0x2800  }
0x89: {  	[sflag:s25] =	ssyncset.done $0x0  }
0x8a: {  	s16 =	rddreg [dreg:$0xa];
	[sflag:s25] =	ssyncadd.s32 $0xFFFFD800  }
0x8b: {  	[spmem:s16] =	stream.linear.scatter [tilespmem:s24], [sflag:$0xA], $0x2800, $0x38;
	[tilespmem:$0x1FD80] =	vst v63  }
0x8c: {  	_ =	swait.ge [sflag:s25], $0x2800  }
0x8d: {  	[sflag:s25] =	ssyncset.done $0x0  }
0x8e: {  	s21 =	simm.s32 $0x1FB00;
	[sflag:s25] =	ssyncadd.s32 $0xFFFFD800  }
0x8f: {  	[spmem:s15] =	stream.linear.scatter [tilespmem:s21], [sflag:$0xA], $0x280, $0x38;
	[tilespmem:$0x1FD80] =	vst v63  }
0x90: {  	_ =	swait.ge [sflag:s25], $0x280  }
0x91: {  	[sflag:s25] =	ssyncset.done $0x0  }
0x92: {  	[sflag:s25] =	ssyncadd.s32 $0xFFFFFD80  }
0x93: {  	[bflag:$0x0] =	sbarrier.arrive $0xFFFF  }
0x94: {  	s23 =	simm.s32 $0x0;
	s16 =	rddreg [dreg:$0xb]  }
0x95: {  	[tilespmem:s28], [sflag:$0xA] =	stream.linear.gather [hbm4b:s16+s23], $0x1F80, $0x38;
	[tilespmem:$0x1FD80] =	vst v63  }
0x96: {  	_ =	swait.ge [sflag:s25], $0x1F80  }
0x97: {  	[sflag:s25] =	ssyncset.done $0x0  }
.Ltmp3:
0x98: {  	s31 =	rddreg [dreg:$0xc];
	[sflag:s25] =	ssyncadd.s32 $0xFFFFE080;
	(pc) =	sbr.rel @p0 .LBB2_11-.Ltmp3, $4  }
0x99: {  	[tilespmem:s29], [sflag:$0xA] =	stream.linear.gather [hbm4b:s31+s23], $0x1F80, $0x38;
	[tilespmem:$0x1FD80] =	vst v63  }
0x9a: {  	_ =	swait.ge [sflag:s25], $0x1F80  }
0x9b: {  	[sflag:s25] =	ssyncset.done $0x0  }
0x9c: {  	[sflag:s25] =	ssyncadd.s32 $0xFFFFE080  }
0x9d: {  	[tilespmem:s24], [sflag:$0x1] =	stream.indirect.gather [hbm4b:s5+s30], $0x80, s28, s30, $0xb8;
	[tilespmem:$0x1FD80] =	vst v63  }
0x9e: {  	s10 =	simm.s32 $0x14300  }
0x9f: {  	[tilespmem:s0], [sflag:$0x2] =	stream.indirect.gather [hbm4b:s5+s30], $0x80, s10, s30, $0xb8;
	[tilespmem:$0x1FD80] =	vst v63  }
0xa0: {  	_ =	swait.ge [sflag:s26], $0x2800  }
0xa1: {  	[sflag:s26] =	ssyncset.done $0x0  }
0xa2: {  	[sflag:s26] =	ssyncadd.s32 $0xFFFFD800  }
0xa3: {  	[spmem:s1] =	stream.indirect.scatter.add.f32 [tilespmem:s24], [sflag:$0x4], $0x80, s29, s30, $0xb8;
	[tilespmem:$0x1FD80] =	vst v63  }
0xa4: {  	_ = 	snop  }
0xa5: {  	[spmem:s3] =	stream.indirect.scatter.add.f32 [tilespmem:s20], [sflag:$0x7], $0x1, s29, s30, $0xb8;
	[tilespmem:$0x1FD80] =	vst v63  }
0xa6: {  	s16 =	simm.s32 $0x14380  }
0xa7: {  	[tilespmem:s22], [sflag:$0x3] =	stream.indirect.gather [hbm4b:s5+s30], $0x80, s16, s30, $0xb8;
	[tilespmem:$0x1FD80] =	vst v63  }
0xa8: {  	_ =	swait.ge [sflag:s2], $0x2800  }
0xa9: {  	[sflag:s2] =	ssyncset.done $0x0  }
0xaa: {  	[sflag:s2] =	ssyncadd.s32 $0xFFFFD800  }
0xab: {  	[spmem:s1] =	stream.indirect.scatter.add.f32 [tilespmem:s0], [sflag:$0x5], $0x80, s4, s30, $0xb8;
	[tilespmem:$0x1FD80] =	vst v63  }
0xac: {  	_ = 	snop  }
0xad: {  	[spmem:s3] =	stream.indirect.scatter.add.f32 [tilespmem:s20], [sflag:$0x8], $0x1, s4, s30, $0xb8;
	[tilespmem:$0x1FD80] =	vst v63  }
0xae: {  	_ =	swait.ge [sflag:s8], $0x2800  }
0xaf: {  	[sflag:s8] =	ssyncset.done $0x0  }
0xb0: {  	[sflag:s8] =	ssyncadd.s32 $0xFFFFD800  }
0xb1: {  	_ =	swait.ge [sflag:s9], $0x50  }
0xb2: {  	[sflag:s9] =	ssyncset.done $0x0  }
0xb3: {  	s21 =	simm.s32 $0x14400;
	[sflag:s9] =	ssyncadd.s32 $0xFFFFFFB0  }
0xb4: {  	[tilespmem:s24], [sflag:$0x1] =	stream.indirect.gather [hbm4b:s5+s30], $0x80, s21, s30, $0xb8;
	[tilespmem:$0x1FD80] =	vst v63  }
0xb5: {  	_ =	swait.ge [sflag:s11], $0x2800  }
0xb6: {  	[sflag:s11] =	ssyncset.done $0x0  }
0xb7: {  	[sflag:s11] =	ssyncadd.s32 $0xFFFFD800  }
0xb8: {  	[spmem:s1] =	stream.indirect.scatter.add.f32 [tilespmem:s22], [sflag:$0x6], $0x80, s12, s30, $0xb8;
	[tilespmem:$0x1FD80] =	vst v63  }
0xb9: {  	_ = 	snop  }
0xba: {  	[spmem:s3] =	stream.indirect.scatter.add.f32 [tilespmem:s20], [sflag:$0x9], $0x1, s12, s30, $0xb8;
	[tilespmem:$0x1FD80] =	vst v63  }
0xbb: {  	_ =	swait.ge [sflag:s13], $0x2800  }
0xbc: {  	[sflag:s13] =	ssyncset.done $0x0  }
0xbd: {  	[sflag:s13] =	ssyncadd.s32 $0xFFFFD800  }
0xbe: {  	_ =	swait.ge [sflag:s14], $0x50  }
0xbf: {  	[sflag:s14] =	ssyncset.done $0x0  }
0xc0: {  	s23 =	simm.s32 $0x14480;
	s31 =	simm.s32 $0x0;
	[sflag:s14] =	ssyncadd.s32 $0xFFFFFFB0  }
0xc1: {  	[tilespmem:s0], [sflag:$0x2] =	stream.indirect.gather [hbm4b:s5+s30], $0x80, s23, s30, $0xb8;
	[tilespmem:$0x1FD80] =	vst v63  }
.LBB2_5:
0xc2: {  	_ =	swait.ge [sflag:s26], $0x2800  }
0xc3: {  	s23 =	sshra.s32 s31, $0x2;
	[sflag:s26] =	ssyncset.done $0x0  }
0xc4: {  	s21 =	sadd.s32 $0x16400, s23;
	[sflag:s26] =	ssyncadd.s32 $0xFFFFD800  }
0xc5: {  	[spmem:s1] =	stream.indirect.scatter.add.f32 [tilespmem:s24], [sflag:$0x4], $0x80, s21, s30, $0xb8;
	[tilespmem:$0x1FD80] =	vst v63  }
0xc6: {  	_ = 	snop  }
0xc7: {  	[spmem:s3] =	stream.indirect.scatter.add.f32 [tilespmem:s20], [sflag:$0x7], $0x1, s21, s30, $0xb8;
	[tilespmem:$0x1FD80] =	vst v63  }
0xc8: {  	_ =	swait.ge [sflag:s17], $0x2800  }
0xc9: {  	[sflag:s17] =	ssyncset.done $0x0  }
0xca: {  	[sflag:s17] =	ssyncadd.s32 $0xFFFFD800  }
0xcb: {  	_ =	swait.ge [sflag:s18], $0x50  }
0xcc: {  	[sflag:s18] =	ssyncset.done $0x0  }
0xcd: {  	s10 =	sadd.s32 $0x14500, s23;
	[sflag:s18] =	ssyncadd.s32 $0xFFFFFFB0  }
0xce: {  	[tilespmem:s22], [sflag:$0x3] =	stream.indirect.gather [hbm4b:s5+s30], $0x80, s10, s30, $0xb8;
	[tilespmem:$0x1FD80] =	vst v63  }
0xcf: {  	_ =	swait.ge [sflag:s2], $0x2800  }
0xd0: {  	[sflag:s2] =	ssyncset.done $0x0  }
0xd1: {  	s16 =	sadd.s32 $0x16480, s23;
	[sflag:s2] =	ssyncadd.s32 $0xFFFFD800  }
0xd2: {  	[spmem:s1] =	stream.indirect.scatter.add.f32 [tilespmem:s0], [sflag:$0x5], $0x80, s16, s30, $0xb8;
	[tilespmem:$0x1FD80] =	vst v63  }
0xd3: {  	_ = 	snop  }
0xd4: {  	[spmem:s3] =	stream.indirect.scatter.add.f32 [tilespmem:s20], [sflag:$0x8], $0x1, s16, s30, $0xb8;
	[tilespmem:$0x1FD80] =	vst v63  }
0xd5: {  	_ =	swait.ge [sflag:s8], $0x2800  }
0xd6: {  	[sflag:s8] =	ssyncset.done $0x0  }
0xd7: {  	p1 =	seq.s32 s31, $0x7200;
	[sflag:s8] =	ssyncadd.s32 $0xFFFFD800  }
0xd8: {  	s21 =	sshra.s32 @!p1 s31, $0x2;
	_ =	swait.ge [sflag:s9], $0x50  }
0xd9: {  	s21 =	sadd.s32 @!p1 $0x14580, s21;
	[sflag:s9] =	ssyncset.done $0x0  }
0xda: {  	s10 =	simm.s32 @!p1 $0x50;
	s16 =	simm.s32 @!p1 $0x18280;
	[sflag:s9] =	ssyncadd.s32 $0xFFFFFFB0  }
0xdb: {  	[tilespmem:s16], [sflag:$0x1] =	stream.indirect.gather @!p1 [hbm4b:s5+s10], $0x80, s21, s10, $0xb8;
	[tilespmem:$0x1FD80] =	vst v63  }
0xdc: {  	_ =	swait.ge [sflag:s11], $0x2800  }
0xdd: {  	[sflag:s11] =	ssyncset.done $0x0  }
0xde: {  	s21 =	sadd.s32 $0x16500, s23;
	[sflag:s11] =	ssyncadd.s32 $0xFFFFD800  }
0xdf: {  	[spmem:s1] =	stream.indirect.scatter.add.f32 [tilespmem:s22], [sflag:$0x6], $0x80, s21, s30, $0xb8;
	[tilespmem:$0x1FD80] =	vst v63  }
0xe0: {  	_ = 	snop  }
0xe1: {  	[spmem:s3] =	stream.indirect.scatter.add.f32 [tilespmem:s20], [sflag:$0x9], $0x1, s21, s30, $0xb8;
	[tilespmem:$0x1FD80] =	vst v63  }
0xe2: {  	_ =	swait.ge [sflag:s13], $0x2800  }
.Ltmp4:
0xe3: {  	[sflag:s13] =	ssyncset.done $0x0;
	(pc) =	sbr.rel @p1 .LBB2_7-.Ltmp4, $4  }
0xe4: {  	[sflag:s13] =	ssyncadd.s32 $0xFFFFD800  }
0xe5: {  	_ =	swait.ge [sflag:s14], $0x50  }
0xe6: {  	[sflag:s14] =	ssyncset.done $0x0  }
0xe7: {  	[sflag:s14] =	ssyncadd.s32 $0xFFFFFFB0  }
.Ltmp5:
0xe8: {  	(pc) =	sbr.rel .LBB2_5-.Ltmp5, $3  }
0xe9: {  	_ =	sdelay $0x1  }
0xea: {  	s10 =	sadd.s32 $0x14600, s23;
	s31 =	sadd.s32 $0x600, s31  }
0xeb: {  	[tilespmem:s0], [sflag:$0x2] =	stream.indirect.gather [hbm4b:s5+s30], $0x80, s10, s30, $0xb8;
	[tilespmem:$0x1FD80] =	vst v63  }
.LBB2_11:
0xec: {  	[tilespmem:s24], [sflag:$0x1] =	stream.indirect.gather [hbm4b:s6+s30], $0x80, s28, s30, $0xb8;
	[tilespmem:$0x1FD80] =	vst v63  }
0xed: {  	s10 =	simm.s32 $0x14300  }
0xee: {  	[tilespmem:s0], [sflag:$0x2] =	stream.indirect.gather [hbm4b:s6+s30], $0x80, s10, s30, $0xb8;
	[tilespmem:$0x1FD80] =	vst v63  }
0xef: {  	_ =	swait.ge [sflag:s26], $0x2800  }
0xf0: {  	[sflag:s26] =	ssyncset.done $0x0  }
0xf1: {  	[sflag:s26] =	ssyncadd.s32 $0xFFFFD800  }
0xf2: {  	[spmem:s1] =	stream.indirect.scatter.add.f32 [tilespmem:s24], [sflag:$0x4], $0x80, s29, s30, $0xb8;
	[tilespmem:$0x1FD80] =	vst v63  }
0xf3: {  	s21 =	simm.s32 $0x14380  }
0xf4: {  	[tilespmem:s22], [sflag:$0x3] =	stream.indirect.gather [hbm4b:s6+s30], $0x80, s21, s30, $0xb8;
	[tilespmem:$0x1FD80] =	vst v63  }
0xf5: {  	_ =	swait.ge [sflag:s2], $0x2800  }
0xf6: {  	[sflag:s2] =	ssyncset.done $0x0  }
0xf7: {  	[sflag:s2] =	ssyncadd.s32 $0xFFFFD800  }
0xf8: {  	[spmem:s1] =	stream.indirect.scatter.add.f32 [tilespmem:s0], [sflag:$0x5], $0x80, s4, s30, $0xb8;
	[tilespmem:$0x1FD80] =	vst v63  }
0xf9: {  	_ =	swait.ge [sflag:s8], $0x2800  }
0xfa: {  	[sflag:s8] =	ssyncset.done $0x0  }
0xfb: {  	s23 =	simm.s32 $0x14400;
	[sflag:s8] =	ssyncadd.s32 $0xFFFFD800  }
0xfc: {  	[tilespmem:s24], [sflag:$0x1] =	stream.indirect.gather [hbm4b:s6+s30], $0x80, s23, s30, $0xb8;
	[tilespmem:$0x1FD80] =	vst v63  }
0xfd: {  	_ =	swait.ge [sflag:s11], $0x2800  }
0xfe: {  	[sflag:s11] =	ssyncset.done $0x0  }
0xff: {  	[sflag:s11] =	ssyncadd.s32 $0xFFFFD800  }
0x100: {  	[spmem:s1] =	stream.indirect.scatter.add.f32 [tilespmem:s22], [sflag:$0x6], $0x80, s12, s30, $0xb8;
	[tilespmem:$0x1FD80] =	vst v63  }
0x101: {  	_ =	swait.ge [sflag:s13], $0x2800  }
0x102: {  	[sflag:s13] =	ssyncset.done $0x0  }
0x103: {  	s31 =	simm.s32 $0x14480;
	s23 =	simm.s32 $0x0;
	[sflag:s13] =	ssyncadd.s32 $0xFFFFD800  }
0x104: {  	[tilespmem:s0], [sflag:$0x2] =	stream.indirect.gather [hbm4b:s6+s30], $0x80, s31, s30, $0xb8;
	[tilespmem:$0x1FD80] =	vst v63  }
.LBB2_12:
0x105: {  	_ =	swait.ge [sflag:s26], $0x2800  }
0x106: {  	s31 =	sshra.s32 s23, $0x2;
	[sflag:s26] =	ssyncset.done $0x0  }
0x107: {  	s10 =	sadd.s32 $0x16400, s31;
	[sflag:s26] =	ssyncadd.s32 $0xFFFFD800  }
0x108: {  	[spmem:s1] =	stream.indirect.scatter.add.f32 [tilespmem:s24], [sflag:$0x4], $0x80, s10, s30, $0xb8;
	[tilespmem:$0x1FD80] =	vst v63  }
0x109: {  	_ =	swait.ge [sflag:s17], $0x2800  }
0x10a: {  	[sflag:s17] =	ssyncset.done $0x0  }
0x10b: {  	s16 =	sadd.s32 $0x14500, s31;
	[sflag:s17] =	ssyncadd.s32 $0xFFFFD800  }
0x10c: {  	[tilespmem:s22], [sflag:$0x3] =	stream.indirect.gather [hbm4b:s6+s30], $0x80, s16, s30, $0xb8;
	[tilespmem:$0x1FD80] =	vst v63  }
0x10d: {  	_ =	swait.ge [sflag:s2], $0x2800  }
0x10e: {  	p1 =	seq.s32 s23, $0x7200;
	[sflag:s2] =	ssyncset.done $0x0  }
.Ltmp6:
0x10f: {  	s21 =	sadd.s32 $0x16480, s31;
	[sflag:s2] =	ssyncadd.s32 $0xFFFFD800;
	(pc) =	sbr.rel @p1 .LBB2_14-.Ltmp6, $4  }
0x110: {  	[spmem:s1] =	stream.indirect.scatter.add.f32 [tilespmem:s0], [sflag:$0x5], $0x80, s21, s30, $0xb8;
	[tilespmem:$0x1FD80] =	vst v63  }
0x111: {  	_ =	swait.ge [sflag:s8], $0x2800  }
0x112: {  	[sflag:s8] =	ssyncset.done $0x0  }
0x113: {  	s21 =	sadd.s32 $0x16500, s31;
	[sflag:s8] =	ssyncadd.s32 $0xFFFFD800  }
0x114: {  	s10 =	sadd.s32 $0x14580, s31  }
0x115: {  	[tilespmem:s24], [sflag:$0x1] =	stream.indirect.gather [hbm4b:s6+s30], $0x80, s10, s30, $0xb8;
	[tilespmem:$0x1FD80] =	vst v63  }
0x116: {  	_ =	swait.ge [sflag:s11], $0x2800  }
0x117: {  	[sflag:s11] =	ssyncset.done $0x0  }
0x118: {  	[sflag:s11] =	ssyncadd.s32 $0xFFFFD800  }
0x119: {  	[spmem:s1] =	stream.indirect.scatter.add.f32 [tilespmem:s22], [sflag:$0x6], $0x80, s21, s30, $0xb8;
	[tilespmem:$0x1FD80] =	vst v63  }
.Ltmp7:
0x11a: {  	_ = 	snop;
	(pc) =	sbr.rel .LBB2_12-.Ltmp7, $4  }
0x11b: {  	_ =	swait.ge [sflag:s13], $0x2800  }
0x11c: {  	[sflag:s13] =	ssyncset.done $0x0  }
0x11d: {  	s31 =	sadd.s32 $0x14600, s31;
	s23 =	sadd.s32 $0x600, s23;
	[sflag:s13] =	ssyncadd.s32 $0xFFFFD800  }
0x11e: {  	[tilespmem:s0], [sflag:$0x2] =	stream.indirect.gather [hbm4b:s6+s30], $0x80, s31, s30, $0xb8;
	[tilespmem:$0x1FD80] =	vst v63  }
.LBB2_7:
0x11f: {  	_ =	swait.ge [sflag:s17], $0x2800  }
0x120: {  	[sflag:s17] =	ssyncset.done $0x0  }
0x121: {  	[sflag:s17] =	ssyncadd.s32 $0xFFFFD800  }
0x122: {  	_ =	swait.ge [sflag:s18], $0x50  }
0x123: {  	[sflag:s18] =	ssyncset.done $0x0  }
0x124: {  	s31 =	simm.s32 $0x0;
	s10 =	rddreg [dreg:$0xd];
	[sflag:s18] =	ssyncadd.s32 $0xFFFFFFB0  }
0x125: {  	[tilespmem:s28], [sflag:$0xA] =	stream.linear.gather [hbm4b:s10+s31], $0x1F80, $0x38;
	[tilespmem:$0x1FD80] =	vst v63  }
0x126: {  	_ =	swait.ge [sflag:s25], $0x1F80  }
0x127: {  	[sflag:s25] =	ssyncset.done $0x0  }
0x128: {  	s21 =	rddreg [dreg:$0xe];
	[sflag:s25] =	ssyncadd.s32 $0xFFFFE080  }
0x129: {  	[tilespmem:s29], [sflag:$0xA] =	stream.linear.gather [hbm4b:s21+s31], $0x1F80, $0x38;
	[tilespmem:$0x1FD80] =	vst v63  }
0x12a: {  	_ =	swait.ge [sflag:s25], $0x1F80  }
0x12b: {  	[sflag:s25] =	ssyncset.done $0x0  }
0x12c: {  	[sflag:s25] =	ssyncadd.s32 $0xFFFFE080  }
0x12d: {  	[tilespmem:s24], [sflag:$0x1] =	stream.indirect.gather [hbm4b:s5+s30], $0x80, s28, s30, $0xb8;
	[tilespmem:$0x1FD80] =	vst v63  }
0x12e: {  	s23 =	simm.s32 $0x14300  }
0x12f: {  	[tilespmem:s0], [sflag:$0x2] =	stream.indirect.gather [hbm4b:s5+s30], $0x80, s23, s30, $0xb8;
	[tilespmem:$0x1FD80] =	vst v63  }
0x130: {  	_ =	swait.ge [sflag:s26], $0x2800  }
0x131: {  	[sflag:s26] =	ssyncset.done $0x0  }
0x132: {  	[sflag:s26] =	ssyncadd.s32 $0xFFFFD800  }
0x133: {  	[spmem:s1] =	stream.indirect.scatter.add.f32 [tilespmem:s24], [sflag:$0x4], $0x80, s29, s30, $0xb8;
	[tilespmem:$0x1FD80] =	vst v63  }
0x134: {  	_ = 	snop  }
0x135: {  	[spmem:s3] =	stream.indirect.scatter.add.f32 [tilespmem:s20], [sflag:$0x7], $0x1, s29, s30, $0xb8;
	[tilespmem:$0x1FD80] =	vst v63  }
0x136: {  	s16 =	simm.s32 $0x14380  }
0x137: {  	[tilespmem:s22], [sflag:$0x3] =	stream.indirect.gather [hbm4b:s5+s30], $0x80, s16, s30, $0xb8;
	[tilespmem:$0x1FD80] =	vst v63  }
0x138: {  	_ =	swait.ge [sflag:s2], $0x2800  }
0x139: {  	[sflag:s2] =	ssyncset.done $0x0  }
0x13a: {  	[sflag:s2] =	ssyncadd.s32 $0xFFFFD800  }
0x13b: {  	[spmem:s1] =	stream.indirect.scatter.add.f32 [tilespmem:s0], [sflag:$0x5], $0x80, s4, s30, $0xb8;
	[tilespmem:$0x1FD80] =	vst v63  }
0x13c: {  	_ = 	snop  }
0x13d: {  	[spmem:s3] =	stream.indirect.scatter.add.f32 [tilespmem:s20], [sflag:$0x8], $0x1, s4, s30, $0xb8;
	[tilespmem:$0x1FD80] =	vst v63  }
0x13e: {  	_ =	swait.ge [sflag:s8], $0x2800  }
0x13f: {  	[sflag:s8] =	ssyncset.done $0x0  }
0x140: {  	[sflag:s8] =	ssyncadd.s32 $0xFFFFD800  }
0x141: {  	_ =	swait.ge [sflag:s9], $0x50  }
0x142: {  	[sflag:s9] =	ssyncset.done $0x0  }
0x143: {  	s21 =	simm.s32 $0x14400;
	[sflag:s9] =	ssyncadd.s32 $0xFFFFFFB0  }
0x144: {  	[tilespmem:s24], [sflag:$0x1] =	stream.indirect.gather [hbm4b:s5+s30], $0x80, s21, s30, $0xb8;
	[tilespmem:$0x1FD80] =	vst v63  }
0x145: {  	_ =	swait.ge [sflag:s11], $0x2800  }
0x146: {  	[sflag:s11] =	ssyncset.done $0x0  }
0x147: {  	[sflag:s11] =	ssyncadd.s32 $0xFFFFD800  }
0x148: {  	[spmem:s1] =	stream.indirect.scatter.add.f32 [tilespmem:s22], [sflag:$0x6], $0x80, s12, s30, $0xb8;
	[tilespmem:$0x1FD80] =	vst v63  }
0x149: {  	_ = 	snop  }
0x14a: {  	[spmem:s3] =	stream.indirect.scatter.add.f32 [tilespmem:s20], [sflag:$0x9], $0x1, s12, s30, $0xb8;
	[tilespmem:$0x1FD80] =	vst v63  }
0x14b: {  	_ =	swait.ge [sflag:s13], $0x2800  }
0x14c: {  	[sflag:s13] =	ssyncset.done $0x0  }
0x14d: {  	[sflag:s13] =	ssyncadd.s32 $0xFFFFD800  }
0x14e: {  	_ =	swait.ge [sflag:s14], $0x50  }
0x14f: {  	[sflag:s14] =	ssyncset.done $0x0  }
0x150: {  	s23 =	simm.s32 $0x14480;
	[sflag:s14] =	ssyncadd.s32 $0xFFFFFFB0  }
0x151: {  	[tilespmem:s0], [sflag:$0x2] =	stream.indirect.gather [hbm4b:s5+s30], $0x80, s23, s30, $0xb8;
	[tilespmem:$0x1FD80] =	vst v63  }
.LBB2_8:
0x152: {  	_ =	swait.ge [sflag:s26], $0x2800  }
0x153: {  	s23 =	sshra.s32 s31, $0x2;
	[sflag:s26] =	ssyncset.done $0x0  }
0x154: {  	s10 =	sadd.s32 $0x16400, s23;
	[sflag:s26] =	ssyncadd.s32 $0xFFFFD800  }
0x155: {  	[spmem:s1] =	stream.indirect.scatter.add.f32 [tilespmem:s24], [sflag:$0x4], $0x80, s10, s30, $0xb8;
	[tilespmem:$0x1FD80] =	vst v63  }
0x156: {  	_ = 	snop  }
0x157: {  	[spmem:s3] =	stream.indirect.scatter.add.f32 [tilespmem:s20], [sflag:$0x7], $0x1, s10, s30, $0xb8;
	[tilespmem:$0x1FD80] =	vst v63  }
0x158: {  	_ =	swait.ge [sflag:s17], $0x2800  }
0x159: {  	[sflag:s17] =	ssyncset.done $0x0  }
0x15a: {  	[sflag:s17] =	ssyncadd.s32 $0xFFFFD800  }
0x15b: {  	_ =	swait.ge [sflag:s18], $0x50  }
0x15c: {  	[sflag:s18] =	ssyncset.done $0x0  }
0x15d: {  	s21 =	sadd.s32 $0x14500, s23;
	[sflag:s18] =	ssyncadd.s32 $0xFFFFFFB0  }
0x15e: {  	[tilespmem:s22], [sflag:$0x3] =	stream.indirect.gather [hbm4b:s5+s30], $0x80, s21, s30, $0xb8;
	[tilespmem:$0x1FD80] =	vst v63  }
0x15f: {  	_ =	swait.ge [sflag:s2], $0x2800  }
0x160: {  	[sflag:s2] =	ssyncset.done $0x0  }
0x161: {  	s16 =	sadd.s32 $0x16480, s23;
	[sflag:s2] =	ssyncadd.s32 $0xFFFFD800  }
0x162: {  	[spmem:s1] =	stream.indirect.scatter.add.f32 [tilespmem:s0], [sflag:$0x5], $0x80, s16, s30, $0xb8;
	[tilespmem:$0x1FD80] =	vst v63  }
0x163: {  	_ = 	snop  }
0x164: {  	[spmem:s3] =	stream.indirect.scatter.add.f32 [tilespmem:s20], [sflag:$0x8], $0x1, s16, s30, $0xb8;
	[tilespmem:$0x1FD80] =	vst v63  }
0x165: {  	_ =	swait.ge [sflag:s8], $0x2800  }
0x166: {  	[sflag:s8] =	ssyncset.done $0x0  }
0x167: {  	p1 =	seq.s32 s31, $0x7200;
	[sflag:s8] =	ssyncadd.s32 $0xFFFFD800  }
0x168: {  	s10 =	sshra.s32 @!p1 s31, $0x2;
	_ =	swait.ge [sflag:s9], $0x50  }
0x169: {  	s10 =	sadd.s32 @!p1 $0x14580, s10;
	[sflag:s9] =	ssyncset.done $0x0  }
0x16a: {  	s21 =	simm.s32 @!p1 $0x18280;
	s16 =	simm.s32 @!p1 $0x50;
	[sflag:s9] =	ssyncadd.s32 $0xFFFFFFB0  }
0x16b: {  	[tilespmem:s21], [sflag:$0x1] =	stream.indirect.gather @!p1 [hbm4b:s5+s16], $0x80, s10, s16, $0xb8;
	[tilespmem:$0x1FD80] =	vst v63  }
0x16c: {  	_ =	swait.ge [sflag:s11], $0x2800  }
0x16d: {  	[sflag:s11] =	ssyncset.done $0x0  }
0x16e: {  	s21 =	sadd.s32 $0x16500, s23;
	[sflag:s11] =	ssyncadd.s32 $0xFFFFD800  }
0x16f: {  	[spmem:s1] =	stream.indirect.scatter.add.f32 [tilespmem:s22], [sflag:$0x6], $0x80, s21, s30, $0xb8;
	[tilespmem:$0x1FD80] =	vst v63  }
0x170: {  	_ = 	snop  }
0x171: {  	[spmem:s3] =	stream.indirect.scatter.add.f32 [tilespmem:s20], [sflag:$0x9], $0x1, s21, s30, $0xb8;
	[tilespmem:$0x1FD80] =	vst v63  }
0x172: {  	_ =	swait.ge [sflag:s13], $0x2800  }
.Ltmp8:
0x173: {  	[sflag:s13] =	ssyncset.done $0x0;
	(pc) =	sbr.rel @p1 .LBB2_10-.Ltmp8, $4  }
0x174: {  	[sflag:s13] =	ssyncadd.s32 $0xFFFFD800  }
0x175: {  	_ =	swait.ge [sflag:s14], $0x50  }
0x176: {  	[sflag:s14] =	ssyncset.done $0x0  }
0x177: {  	[sflag:s14] =	ssyncadd.s32 $0xFFFFFFB0  }
.Ltmp9:
0x178: {  	(pc) =	sbr.rel .LBB2_8-.Ltmp9, $3  }
0x179: {  	_ =	sdelay $0x1  }
0x17a: {  	s10 =	sadd.s32 $0x14600, s23;
	s31 =	sadd.s32 $0x600, s31  }
0x17b: {  	[tilespmem:s0], [sflag:$0x2] =	stream.indirect.gather [hbm4b:s5+s30], $0x80, s10, s30, $0xb8;
	[tilespmem:$0x1FD80] =	vst v63  }
.LBB2_14:
0x17c: {  	_ =	swait.ge [sflag:s11], $0x2800  }
0x17d: {  	[sflag:s11] =	ssyncset.done $0x0  }
0x17e: {  	[sflag:s11] =	ssyncadd.s32 $0xFFFFD800  }
0x17f: {  	[spmem:s1] =	stream.indirect.scatter.add.f32 [tilespmem:s22], [sflag:$0x6], $0x80, s21, s30, $0xb8;
	[tilespmem:$0x1FD80] =	vst v63  }
0x180: {  	_ =	swait.ge [sflag:s13], $0x2800  }
0x181: {  	[sflag:s13] =	ssyncset.done $0x0  }
0x182: {  	[sflag:s13] =	ssyncadd.s32 $0xFFFFD800  }
0x183: {  	_ =	swait.ge [sflag:s17], $0x2800  }
0x184: {  	[sflag:s17] =	ssyncset.done $0x0  }
0x185: {  	s31 =	simm.s32 $0x0;
	s10 =	rddreg [dreg:$0xd];
	[sflag:s17] =	ssyncadd.s32 $0xFFFFD800  }
0x186: {  	[tilespmem:s28], [sflag:$0xA] =	stream.linear.gather [hbm4b:s10+s31], $0x1F80, $0x38;
	[tilespmem:$0x1FD80] =	vst v63  }
0x187: {  	_ =	swait.ge [sflag:s25], $0x1F80  }
0x188: {  	[sflag:s25] =	ssyncset.done $0x0  }
0x189: {  	s21 =	rddreg [dreg:$0xe];
	[sflag:s25] =	ssyncadd.s32 $0xFFFFE080  }
0x18a: {  	[tilespmem:s29], [sflag:$0xA] =	stream.linear.gather [hbm4b:s21+s31], $0x1F80, $0x38;
	[tilespmem:$0x1FD80] =	vst v63  }
0x18b: {  	_ =	swait.ge [sflag:s25], $0x1F80  }
0x18c: {  	[sflag:s25] =	ssyncset.done $0x0  }
0x18d: {  	[sflag:s25] =	ssyncadd.s32 $0xFFFFE080  }
0x18e: {  	[tilespmem:s24], [sflag:$0x1] =	stream.indirect.gather [hbm4b:s6+s30], $0x80, s28, s30, $0xb8;
	[tilespmem:$0x1FD80] =	vst v63  }
0x18f: {  	s23 =	simm.s32 $0x14300  }
0x190: {  	[tilespmem:s0], [sflag:$0x2] =	stream.indirect.gather [hbm4b:s6+s30], $0x80, s23, s30, $0xb8;
	[tilespmem:$0x1FD80] =	vst v63  }
0x191: {  	_ =	swait.ge [sflag:s26], $0x2800  }
0x192: {  	[sflag:s26] =	ssyncset.done $0x0  }
0x193: {  	[sflag:s26] =	ssyncadd.s32 $0xFFFFD800  }
0x194: {  	[spmem:s1] =	stream.indirect.scatter.add.f32 [tilespmem:s24], [sflag:$0x4], $0x80, s29, s30, $0xb8;
	[tilespmem:$0x1FD80] =	vst v63  }
0x195: {  	s16 =	simm.s32 $0x14380  }
0x196: {  	[tilespmem:s22], [sflag:$0x3] =	stream.indirect.gather [hbm4b:s6+s30], $0x80, s16, s30, $0xb8;
	[tilespmem:$0x1FD80] =	vst v63  }
0x197: {  	_ =	swait.ge [sflag:s2], $0x2800  }
0x198: {  	[sflag:s2] =	ssyncset.done $0x0  }
0x199: {  	[sflag:s2] =	ssyncadd.s32 $0xFFFFD800  }
0x19a: {  	[spmem:s1] =	stream.indirect.scatter.add.f32 [tilespmem:s0], [sflag:$0x5], $0x80, s4, s30, $0xb8;
	[tilespmem:$0x1FD80] =	vst v63  }
0x19b: {  	_ =	swait.ge [sflag:s8], $0x2800  }
0x19c: {  	[sflag:s8] =	ssyncset.done $0x0  }
0x19d: {  	s21 =	simm.s32 $0x14400;
	[sflag:s8] =	ssyncadd.s32 $0xFFFFD800  }
0x19e: {  	[tilespmem:s24], [sflag:$0x1] =	stream.indirect.gather [hbm4b:s6+s30], $0x80, s21, s30, $0xb8;
	[tilespmem:$0x1FD80] =	vst v63  }
0x19f: {  	_ =	swait.ge [sflag:s11], $0x2800  }
0x1a0: {  	[sflag:s11] =	ssyncset.done $0x0  }
0x1a1: {  	[sflag:s11] =	ssyncadd.s32 $0xFFFFD800  }
0x1a2: {  	[spmem:s1] =	stream.indirect.scatter.add.f32 [tilespmem:s22], [sflag:$0x6], $0x80, s12, s30, $0xb8;
	[tilespmem:$0x1FD80] =	vst v63  }
0x1a3: {  	_ =	swait.ge [sflag:s13], $0x2800  }
0x1a4: {  	[sflag:s13] =	ssyncset.done $0x0  }
0x1a5: {  	s23 =	simm.s32 $0x14480;
	[sflag:s13] =	ssyncadd.s32 $0xFFFFD800  }
0x1a6: {  	[tilespmem:s0], [sflag:$0x2] =	stream.indirect.gather [hbm4b:s6+s30], $0x80, s23, s30, $0xb8;
	[tilespmem:$0x1FD80] =	vst v63  }
.LBB2_15:
0x1a7: {  	_ =	swait.ge [sflag:s26], $0x2800  }
0x1a8: {  	s23 =	sshra.s32 s31, $0x2;
	[sflag:s26] =	ssyncset.done $0x0  }
0x1a9: {  	s10 =	sadd.s32 $0x16400, s23;
	[sflag:s26] =	ssyncadd.s32 $0xFFFFD800  }
0x1aa: {  	[spmem:s1] =	stream.indirect.scatter.add.f32 [tilespmem:s24], [sflag:$0x4], $0x80, s10, s30, $0xb8;
	[tilespmem:$0x1FD80] =	vst v63  }
0x1ab: {  	_ =	swait.ge [sflag:s17], $0x2800  }
0x1ac: {  	[sflag:s17] =	ssyncset.done $0x0  }
0x1ad: {  	s16 =	sadd.s32 $0x14500, s23;
	[sflag:s17] =	ssyncadd.s32 $0xFFFFD800  }
0x1ae: {  	[tilespmem:s22], [sflag:$0x3] =	stream.indirect.gather [hbm4b:s6+s30], $0x80, s16, s30, $0xb8;
	[tilespmem:$0x1FD80] =	vst v63  }
0x1af: {  	_ =	swait.ge [sflag:s2], $0x2800  }
0x1b0: {  	p1 =	seq.s32 s31, $0x7200;
	[sflag:s2] =	ssyncset.done $0x0  }
.Ltmp10:
0x1b1: {  	s21 =	sadd.s32 $0x16480, s23;
	[sflag:s2] =	ssyncadd.s32 $0xFFFFD800;
	(pc) =	sbr.rel @p1 .LBB2_17-.Ltmp10, $4  }
0x1b2: {  	[spmem:s1] =	stream.indirect.scatter.add.f32 [tilespmem:s0], [sflag:$0x5], $0x80, s21, s30, $0xb8;
	[tilespmem:$0x1FD80] =	vst v63  }
0x1b3: {  	_ =	swait.ge [sflag:s8], $0x2800  }
0x1b4: {  	[sflag:s8] =	ssyncset.done $0x0  }
0x1b5: {  	s21 =	sadd.s32 $0x16500, s23;
	[sflag:s8] =	ssyncadd.s32 $0xFFFFD800  }
0x1b6: {  	s10 =	sadd.s32 $0x14580, s23  }
0x1b7: {  	[tilespmem:s24], [sflag:$0x1] =	stream.indirect.gather [hbm4b:s6+s30], $0x80, s10, s30, $0xb8;
	[tilespmem:$0x1FD80] =	vst v63  }
0x1b8: {  	_ =	swait.ge [sflag:s11], $0x2800  }
0x1b9: {  	[sflag:s11] =	ssyncset.done $0x0  }
0x1ba: {  	[sflag:s11] =	ssyncadd.s32 $0xFFFFD800  }
0x1bb: {  	[spmem:s1] =	stream.indirect.scatter.add.f32 [tilespmem:s22], [sflag:$0x6], $0x80, s21, s30, $0xb8;
	[tilespmem:$0x1FD80] =	vst v63  }
.Ltmp11:
0x1bc: {  	_ = 	snop;
	(pc) =	sbr.rel .LBB2_15-.Ltmp11, $4  }
0x1bd: {  	_ =	swait.ge [sflag:s13], $0x2800  }
0x1be: {  	[sflag:s13] =	ssyncset.done $0x0  }
0x1bf: {  	s23 =	sadd.s32 $0x14600, s23;
	s31 =	sadd.s32 $0x600, s31;
	[sflag:s13] =	ssyncadd.s32 $0xFFFFD800  }
0x1c0: {  	[tilespmem:s0], [sflag:$0x2] =	stream.indirect.gather [hbm4b:s6+s30], $0x80, s23, s30, $0xb8;
	[tilespmem:$0x1FD80] =	vst v63  }
.LBB2_10:
0x1c1: {  	_ =	swait.ge [sflag:s17], $0x2800  }
0x1c2: {  	[sflag:s17] =	ssyncset.done $0x0  }
0x1c3: {  	[sflag:s17] =	ssyncadd.s32 $0xFFFFD800  }
0x1c4: {  	_ =	swait.ge [sflag:s18], $0x50  }
0x1c5: {  	[sflag:s18] =	ssyncset.done $0x0  }
0x1c6: {  	s10 =	stileid.u32;
	[sflag:s18] =	ssyncadd.s32 $0xFFFFFFB0  }
0x1c7: {  	s10 =	sshll.u32 s10, $0x6;
	[bflag:$0x0] =	sbarrier.arrive $0xFFFF  }
0x1c8: {  	s16 =	sshrl.u32 s7, $0x3;
	s10 =	sor.u32 $0x1C0A, s10;
	s21 =	rddreg [dreg:$0x10]  }
0x1c9: {  	[hbm:s21], [sflag:s10] =	dma.local [spmem:s16], $0x2800  }
0x1ca: {  	_ =	swait.ge [sflag:s25], $0x2800  }
0x1cb: {  	s23 =	sshrl.u32 s15, $0x3;
	[sflag:s25] =	ssyncset.done $0x0  }
.Ltmp12:
0x1cc: {  	s31 =	rddreg [dreg:$0x11];
	[sflag:s25] =	ssyncadd.s32 $0xFFFFD800;
	(pc) =	sbr.rel .LBB2_18-.Ltmp12, $4  }
0x1cd: {  	[hbm:s31], [sflag:s10] =	dma.local [spmem:s23], $0x50  }
0x1ce: {  	_ =	swait.ge [sflag:s25], $0x50  }
0x1cf: {  	[sflag:s25] =	ssyncset.done $0x0  }
0x1d0: {  	[sflag:s25] =	ssyncadd.s32 $0xFFFFFFB0  }
.LBB2_19:
0x1d1: {  	_ =	sfence.sel $0x180000  }
0x1d2: {  	[bflag:$0x0] =	sbarrier.arrive $0xFFFF  }
0x1d3: {  	_ =	strace $0x90000047  }
0x1d4: {  	s0 =	stileid.u32;
	[bflag:$0x2] =	sbarrier.arrive $0xFFFF  }
0x1d5: {  	p0 =	sne.s32 s0, $0x0;
	s0 =	rddreg [dreg:$0x3]  }
0x1d6: {  	s0 =	sadd.s32 @!p0 $0x100000, s0  }
0x1d7: {  	[sflag:s0] =	ssyncadd.tile.s32 @!p0 $0x1;
	_ =	shalt  }
.Lfunc_end2:
_tile_overlayer_lowered:
.L_overlay_start_2:
0x1d8: {  	(tag) =	ssettag $0x2  }
0x1d9: {  	s0 =	rddreg [dreg:$0x0];
	s2 =	stileid.u32  }
0x1da: {  	s1 =	rddreg [dreg:$0x1];
	p0 =	sne.s32 s2, $0x0  }
0x1db: {  	s3 =	rddreg [dreg:$0x2];
	[bflag:$0x3] =	sbarrier.arrive $0xFFFF;
	s2 =	simm.s32 @!p0 $0x1C0A  }
0x1dc: {  	[timem:s3], [sflag:s2] =	dma.local @!p0 [hbm:s0], s1  }
0x1dd: {  	s0 =	simm.s32 @!p0 $0xA  }
0x1de: {  	_ =	swait.ge @!p0 [sflag:s0], s1  }
0x1df: {  	s1 =	ssub.s32 @!p0 $0x0, s1;
	[sflag:s0] =	ssyncset.done @!p0 $0x0  }
0x1e0: {  	[sflag:s0] =	ssyncadd.s32 @!p0 s1  }
0x1e1: {  	[bflag:$0x3] =	sbarrier.arrive $0xFFFF  }
0x1e2: {  	_ =	shalt  }

// kernel: kernel.8.cloned.1.call-start
scs
__scs_entry_jumppad:
0x0: {  	(pc) =	sbr.rel $0x88, $3  }
0x1: {  	(tag) =	ssettag $0x0;
	lr =	simm.s32 $0x1  }
0x2: {  	[smem:$0x3F9E] =	sst lr;
	_ =	strace $0xD0000000  }
0x3: {  	_ = 	snop  }
0x4: {  	_ = 	snop  }
0x5: {  	_ = 	snop  }
0x6: {  	_ = 	snop  }
0x7: {  	_ = 	snop  }
__scs_overlays_trampoline_lowered:
0x8: {  	[smem:$0x3FAD] =	sst s0  }
0x9: {  	[smem:$0x3FAE] =	sst s1  }
0xa: {  	[smem:$0x3FAF] =	sst s2  }
0xb: {  	[smem:$0x3FB0] =	sst s3  }
0xc: {  	[smem:$0x3FB1] =	sst s4  }
0xd: {  	[smem:$0x3FB2] =	sst s5  }
0xe: {  	[smem:$0x3FB3] =	sst s6  }
0xf: {  	[smem:$0x3FB4] =	sst s7  }
0x10: {  	[smem:$0x3FB5] =	sst s8  }
0x11: {  	[smem:$0x3FB6] =	sst s9;
	s0 =	simm.s32 @!p0 $0x0  }
0x12: {  	s1 =	sld [smem:$0x3F9C];
	s0 =	simm.s32 @p0 $0x1  }
0x13: {  	[smem:$0x3FB7] =	sst s0;
	s0 =	simm.s32 @!p1 $0x0  }
0x14: {  	s2 =	sld [smem:$0x3F9B];
	s0 =	simm.s32 @p1 $0x1  }
0x15: {  	[smem:$0x3FB8] =	sst s0;
	s0 =	simm.s32 @!p2 $0x0  }
0x16: {  	s3 =	sld [smem:$0x3FDB];
	s0 =	simm.s32 @p2 $0x1  }
0x17: {  	s4 =	simm.s32 $0x1BF5;
	[smem:$0x3FBA] =	sst s0  }
0x18: {  	s0 =	sld [smem:$0x3F9D];
	_ =	swait.ge [sflag:s4], $0x0  }
0x19: {  	s7 =	sld [smem:$0x3F9E]  }
0x1a: {  	s8 =	sadd.s32 $0xFFFFE003, lr  }
0x1b: {  	s9 =	sadd.s32 $0xFFFFFEF7, lr;
	s5 =	simm.s32 $0xFFFFFFFF;
	p2 =	slt.u32 s8, $0xFFFFF086  }
0x1c: {  	p1 =	slt.u32 s9, $0xF7A;
	s5 =	simm.s32 @!p2 $0x0  }
0x1d: {  	s5 =	simm.s32 @p1 $0x1;
	p0 =	seq.s32 s7, s2  }
0x1e: {  	s7 =	smul.u32 @!p0 $0xF7A, s2;
	p2 =	seq.s32 @!p0 s5, $0x0  }
0x1f: {  	s9 =	smul.u32 $0xF7A, s1;
	s8 =	simm.s32 @!p0 $0x1BF5;
	p2 =	por !p2, p0  }
0x20: {  	[sflag:s8] =	ssyncset.s32 @!p0 $0xFFFFF086;
	s6 =	sadd.s32 @!p0 s3, s7;
	s7 =	simm.s32 @!p0 $0x108  }
0x21: {  	s3 =	sadd.s32 s3, s9;
	s6 =	sadd.s32 @!p0 $0x88, s6;
	s7 =	simm.s32 @p2 $0x1082  }
0x22: {  	[simem:s7], [sflag:s8] =	dma.local @!p0 [hbm:s6], $0xF7A  }
0x23: {  	s9 =	sor.u32 $0xD0000000, s2;
	s6 =	simm.s32 $0x108;
	_ =	swait.ge @!p0 [sflag:s8], $0x0  }
0x24: {  	s3 =	sadd.s32 $0x88, s3;
	s6 =	simm.s32 @!p1 $0x1082;
	[sflag:s4] =	ssyncset.s32 $0xFFFFF086  }
0x25: {  	[simem:s6], [sflag:s4] =	dma.local [hbm:s3], $0xF7A  }
0x26: {  	[smem:$0x3F9E] =	sst s1;
	(tag) =	ssettag s2;
	_ =	strace s9  }
0x27: {  	s1 =	sld [smem:$0x3FAE]  }
0x28: {  	s2 =	sld [smem:$0x3FAF]  }
0x29: {  	s4 =	sld [smem:$0x3FB1]  }
0x2a: {  	p0 =	seq.s32 s5, $0x0;
	s5 =	sld [smem:$0x3FB2]  }
0x2b: {  	s6 =	sld [smem:$0x3FB3]  }
0x2c: {  	s7 =	sld [smem:$0x3FB4]  }
0x2d: {  	s3 =	simm.s32 $0x108;
	s8 =	sld [smem:$0x3FB5]  }
0x2e: {  	s3 =	simm.s32 @!p0 $0x1082;
	s9 =	sld [smem:$0x3FB6]  }
0x2f: {  	lr =	sadd.s32 s0, s3;
	s0 =	sld [smem:$0x3FAD]  }
0x30: {  	s3 =	sld [smem:$0x3FB0]  }
0x31: {  	[smem:$0x3FB9] =	sst s10  }
0x32: {  	s10 =	sld [smem:$0x3FB7];
	_ =	sdelay $0x3  }
0x33: {  	p0 =	seq.s32 s10, $0x1;
	s10 =	sld [smem:$0x3FB9];
	_ =	sdelay $0x3  }
0x34: {  	[smem:$0x3FB9] =	sst s10  }
0x35: {  	s10 =	sld [smem:$0x3FB8];
	_ =	sdelay $0x3  }
0x36: {  	p1 =	seq.s32 s10, $0x1;
	s10 =	sld [smem:$0x3FB9];
	_ =	sdelay $0x3  }
0x37: {  	[smem:$0x3FB9] =	sst s10  }
0x38: {  	s10 =	sld [smem:$0x3FBA]  }
0x39: {  	_ = 	snop;
	(pc) =	sbr.ind lr, $3  }
0x3a: {  	_ = 	snop  }
0x3b: {  	_ = 	snop  }
0x3c: {  	p2 =	seq.s32 s10, $0x1;
	s10 =	sld [smem:$0x3FB9]  }
0x3d: {  	_ =	shalt  }
0x3e: {  	_ =	shalt  }
0x3f: {  	_ =	shalt  }
0x40: {  	_ =	shalt  }
0x41: {  	_ =	shalt  }
0x42: {  	_ =	shalt  }
0x43: {  	_ =	shalt  }
0x44: {  	_ =	shalt  }
0x45: {  	_ =	shalt  }
0x46: {  	_ =	shalt  }
0x47: {  	_ =	shalt  }
0x48: {  	_ =	shalt  }
0x49: {  	_ =	shalt  }
0x4a: {  	_ =	shalt  }
0x4b: {  	_ =	shalt  }
0x4c: {  	_ =	shalt  }
0x4d: {  	_ =	shalt  }
0x4e: {  	_ =	shalt  }
0x4f: {  	_ =	shalt  }
0x50: {  	_ =	shalt  }
0x51: {  	_ =	shalt  }
0x52: {  	_ =	shalt  }
0x53: {  	_ =	shalt  }
0x54: {  	_ =	shalt  }
0x55: {  	_ =	shalt  }
0x56: {  	_ =	shalt  }
0x57: {  	_ =	shalt  }
0x58: {  	_ =	shalt  }
0x59: {  	_ =	shalt  }
0x5a: {  	_ =	shalt  }
0x5b: {  	_ =	shalt  }
0x5c: {  	_ =	shalt  }
0x5d: {  	_ =	shalt  }
0x5e: {  	_ =	shalt  }
0x5f: {  	_ =	shalt  }
0x60: {  	_ =	shalt  }
0x61: {  	_ =	shalt  }
0x62: {  	_ =	shalt  }
0x63: {  	_ =	shalt  }
0x64: {  	_ =	shalt  }
0x65: {  	_ =	shalt  }
0x66: {  	_ =	shalt  }
0x67: {  	_ =	shalt  }
0x68: {  	_ =	shalt  }
0x69: {  	_ =	shalt  }
0x6a: {  	_ =	shalt  }
0x6b: {  	_ =	shalt  }
0x6c: {  	_ =	shalt  }
0x6d: {  	_ =	shalt  }
0x6e: {  	_ =	shalt  }
0x6f: {  	_ =	shalt  }
0x70: {  	_ =	shalt  }
0x71: {  	_ =	shalt  }
0x72: {  	_ =	shalt  }
0x73: {  	_ =	shalt  }
0x74: {  	_ =	shalt  }
0x75: {  	_ =	shalt  }
0x76: {  	_ =	shalt  }
0x77: {  	_ =	shalt  }
0x78: {  	_ =	shalt  }
0x79: {  	_ =	shalt  }
0x7a: {  	_ =	shalt  }
0x7b: {  	_ =	shalt  }
0x7c: {  	_ =	shalt  }
0x7d: {  	_ =	shalt  }
0x7e: {  	_ =	shalt  }
0x7f: {  	_ =	shalt  }
0x80: {  	_ =	shalt  }
0x81: {  	_ =	shalt  }
0x82: {  	_ =	shalt  }
0x83: {  	_ =	shalt  }
0x84: {  	_ =	shalt  }
0x85: {  	_ =	shalt  }
0x86: {  	_ =	shalt  }
0x87: {  	_ =	shalt  }
.Lfunc_end0:
.L_simem_size_0:
called_computation.1_lowered:
.L_overlay_start_0:
0x88: {  	s2 =	sld [smem:$0x3FD9]  }
0x89: {  	s3 =	sld [smem:$0x3FFE];
	_ =	sdelay $0x1  }
0x8a: {  	s1 =	srdreg.scid  }
0x8b: {  	s0 =	sand.u32 $0x1, s1  }
0x8c: {  	s16 =	sshll.u32 s0, $0xA;
	s2 =	sadd.s32 s3, s2  }
0x8d: {  	s2 =	sadd.s32 s2, s16  }
0x8e: {  	[smem:$0x3FC5] =	sst s2  }
0x8f: {  	_ = 	snop  }
0x90: {  	(tm) =	ssettm $0x1  }
0x91: {  	s17 =	sld [smem:$0x3FFB];
	_ =	sdelay $0x3  }
0x92: {  	_ =	strace s17  }
0x93: {  	s2 =	sld [smem:$0x3FFC];
	_ =	sdelay $0x3  }
0x94: {  	_ =	strace s2  }
0x95: {  	s2 =	sld [smem:$0x3FFD];
	_ =	sdelay $0x3  }
0x96: {  	_ =	strace s2  }
0x97: {  	_ =	strace $0x8FFFFFFF  }
0x98: {  	s18 =	sld [smem:$0x3FDB];
	_ =	sdelay $0x1  }
0x99: {  	s19 =	simm.s32 $_scs_section_size  }
0x9a: {  	s4 =	simm.s32 $_size__tile_overlayer_lowered;
	s5 =	simm.s32 $_tile_overlayer_lowered  }
0x9b: {  	s22 =	simm.s32 $0x1BFF;
	s21 =	sshll.u32 s5, $0x1;
	s2 =	sadd.s32 s19, s18  }
0x9c: {  	s6 =	simm.s32 $0x0;
	s20 =	sshll.u32 s4, $0x1;
	s4 =	sadd.s32 s21, s2  }
0x9d: {  	[timem:s6], [sflag:s22] =	dma.local [hbm:s4], s20  }
0x9e: {  	_ =	swait.ge [sflag:s22], s20  }
0x9f: {  	s3 =	ssub.s32 $0x0, s20;
	[sflag:s22] =	ssyncset.done $0x0  }
0xa0: {  	[sflag:s22] =	ssyncadd.s32 s3;
	_ =	sdelay $0x1  }
0xa1: {  	s23 =	simm.s32 $0x1B8B  }
0xa2: {  	_ =	swait.ge [sflag:s23], $0x1  }
0xa3: {  	[sflag:s23] =	ssyncset.done $0x0  }
0xa4: {  	s25 =	simm.s32 $0x1B8E;
	s24 =	sld [smem:$0x3FFE];
	[sflag:s23] =	ssyncadd.s32 $0xFFFFFFFF  }
0xa5: {  	s26 =	simm.s32 $execute0_lowered;
	[smem:$0x3FD2] =	sst s25  }
0xa6: {  	s4 =	sshll.u32 s26, $0x1;
	_ =	strace $0x80000049;
	[dreg:$0x1] =	wrdreg $0xFFFFFFFF  }
0xa7: {  	s28 =	simm.s32 $_size_execute0_lowered;
	s2 =	sadd.s32 s2, s4;
	[dreg:$0x0] =	wrdreg $0x0  }
0xa8: {  	s4 =	sshll.u32 s28, $0x1;
	[dreg:$0x2] =	wrdreg s2  }
0xa9: {  	[dreg:$0x3] =	wrdreg s4  }
0xaa: {  	[dreg:$0x4] =	wrdreg $0xC0  }
0xab: {  	_ =	task [dreg:s6], $0x5FFFF  }
0xac: {  	[dreg:$0x1] =	wrdreg $0xFFFFFFFF  }
0xad: {  	[dreg:$0x0] =	wrdreg $0x60  }
0xae: {  	[dreg:$0x2] =	wrdreg s24  }
0xaf: {  	[dreg:$0x3] =	wrdreg $0x0  }
0xb0: {  	[dreg:$0x4] =	wrdreg $0x2800  }
0xb1: {  	[dreg:$0x5] =	wrdreg $0x9  }
0xb2: {  	_ =	task.clear_ibuf [dreg:s6], $0x6FFFF;
	_ =	strace $0x90000049  }
0xb3: {  	s29 =	simm.s32 $0x9;
	_ =	strace $0x8000004B  }
0xb4: {  	_ =	swait.ge [sflag:s29], $0x1  }
0xb5: {  	[sflag:s29] =	ssyncadd.s32 $0xFFFFFFFF  }
0xb6: {  	_ =	strace $0x9000004B  }
0xb7: {  	_ =	sfence  }
0xb8: {  	s30 =	sld [smem:$0x0];
	_ =	sdelay $0x2  }
0xb9: {  	s31 =	sshll.u32 s1, $0xD;
	s1 =	sshrl.u32 s1, $0x2  }
0xba: {  	s3 =	sand.u32 $0x4000, s31;
	s1 =	sadd.s32 s1, s30  }
0xbb: {  	s0 =	sor.u32 s3, s0;
	s1 =	sshll.u32 s1, $0x11  }
0xbc: {  	s0 =	sor.u32 s1, s0  }
0xbd: {  	s0 =	sadd.s32 $0x8F2B, s0  }
0xbe: {  	[sflag:s0] =	ssyncadd.remote.s32 $0x1  }
0xbf: {  	_ =	sfence.sel $0xFFFF  }
0xc0: {  	[dreg:$0x0] =	wrdreg $0xFFFFFFFF;
	(pc) =	sbr.abs _section_cstart, $3  }
0xc1: {  	[dreg:$0x1] =	wrdreg $0xFFFFFFFF  }
0xc2: {  	_ =	task.clear_ibuf [dreg:s6], $0x2FFFF;
	_ =	strace $0x9FFFFFFF  }
0xc3: {  	(tm) =	ssettm $0x7FFFFFFF  }
tec
execute0_lowered:
.L_overlay_start_1:
0x0: {  	(tag) =	ssettag $0x1  }
0x1: {  	s5 =	srdreg.scid  }
0x2: {  	s5 =	sand.u32 $0x1, s5  }
0x3: {  	p1 =	seq.s32 s5, $0x1  }
.Ltmp0:
0x4: {  	s4 =	rddreg [dreg:$0x0];
	(pc) =	sbr.rel @p1 .LBB2_7-.Ltmp0, $4  }
0x5: {  	s1 =	rddreg [dreg:$0x1]  }
0x6: {  	s2 =	rddreg [dreg:$0x2];
	s3 =	simm.s32 $0x0  }
0x7: {  	s6 =	stileid.u32;
	[smem:$0x7FF] =	sst s3  }
0x8: {  	s0 =	rddreg [dreg:$0x3];
	p0 =	sne.s32 s6, $0x0;
	_ =	strace $0x8000004A  }
0x9: {  	v0 =	vimm.f32 $0.0e+00  }
0xa: {  	[tilespmem:$0x5E80] =	vst v0  }
0xb: {  	[tilespmem:$0x5E90] =	vst v0  }
0xc: {  	[tilespmem:$0x5EA0] =	vst v0  }
0xd: {  	[tilespmem:$0x5EB0] =	vst v0  }
0xe: {  	[tilespmem:$0x5EC0] =	vst v0  }
0xf: {  	[tilespmem:$0x5ED0] =	vst v0  }
0x10: {  	[tilespmem:$0x5EE0] =	vst v0  }
0x11: {  	[tilespmem:$0x5EF0] =	vst v0  }
0x12: {  	[tilespmem:$0x5F00] =	vst v0  }
0x13: {  	[tilespmem:$0x5F10] =	vst v0  }
0x14: {  	[tilespmem:$0x5F20] =	vst v0  }
0x15: {  	[tilespmem:$0x5F30] =	vst v0  }
0x16: {  	[tilespmem:$0x5F40] =	vst v0  }
0x17: {  	[tilespmem:$0x5F50] =	vst v0  }
0x18: {  	[tilespmem:$0x5F60] =	vst v0  }
0x19: {  	[tilespmem:$0x5F70] =	vst v0  }
0x1a: {  	[tilespmem:$0x5F80] =	vst v0  }
0x1b: {  	[tilespmem:$0x5F90] =	vst v0  }
0x1c: {  	[tilespmem:$0x5FA0] =	vst v0  }
0x1d: {  	[tilespmem:$0x5FB0] =	vst v0  }
0x1e: {  	[tilespmem:$0x5FC0] =	vst v0  }
0x1f: {  	[tilespmem:$0x5FD0] =	vst v0  }
0x20: {  	[tilespmem:$0x5FE0] =	vst v0  }
0x21: {  	[tilespmem:$0x5FF0] =	vst v0  }
0x22: {  	[tilespmem:$0x6000] =	vst v0  }
0x23: {  	[tilespmem:$0x6010] =	vst v0  }
0x24: {  	[tilespmem:$0x6020] =	vst v0  }
0x25: {  	[tilespmem:$0x6030] =	vst v0  }
0x26: {  	[tilespmem:$0x6040] =	vst v0  }
0x27: {  	[tilespmem:$0x6050] =	vst v0  }
0x28: {  	[tilespmem:$0x6060] =	vst v0  }
0x29: {  	[tilespmem:$0x6070] =	vst v0  }
0x2a: {  	[tilespmem:$0x6080] =	vst v0  }
0x2b: {  	[tilespmem:$0x6090] =	vst v0  }
0x2c: {  	[tilespmem:$0x60A0] =	vst v0  }
0x2d: {  	[tilespmem:$0x60B0] =	vst v0  }
0x2e: {  	[tilespmem:$0x60C0] =	vst v0  }
0x2f: {  	s10 =	smul.u32 $0x280, s6;
	[tilespmem:$0x60D0] =	vst v0  }
0x30: {  	[tilespmem:$0x60E0] =	vst v0  }
0x31: {  	s7 =	simm.s32 $0x5E80;
	s20 =	simm.s32 $0x7;
	[tilespmem:$0x60F0] =	vst v0;
	s5 =	sadd.s32 s10, s1  }
0x32: {  	[spmem:s5] =	stream.linear.scatter [tilespmem:s7], [sflag:$0x7], $0x280, $0x38;
	[tilespmem:$0x6880] =	vst v63  }
0x33: {  	_ =	swait.ge [sflag:s20], $0x280  }
0x34: {  	s8 =	sadd.s32 $0x200, s4;
	[sflag:s20] =	ssyncset.done $0x0  }
0x35: {  	s9 =	sshrl.u32 @!p0 s2, $0x3;
	s11 =	simm.s32 @!p0 $0x1C07;
	[sflag:s20] =	ssyncadd.s32 $0xFFFFFD80  }
0x36: {  	[spmem:s9], [sflag:s11] =	dma.local @!p0 [hbm:s8], $0x500  }
0x37: {  	s8 =	simm.s32 @!p0 $0x7  }
0x38: {  	s21 =	smul.u32 $0x580, s6;
	_ =	swait.ge @!p0 [sflag:s8], $0x500  }
0x39: {  	[sflag:s8] =	ssyncset.done @!p0 $0x0  }
0x3a: {  	s6 =	sadd.s32 s21, s4;
	[sflag:s8] =	ssyncadd.s32 @!p0 $0xFFFFFB00  }
0x3b: {  	s23 =	simm.s32 $0x500;
	s22 =	sadd.s32 $0xB4400, s6;
	[bflag:$0x0] =	sbarrier.arrive $0xFFFF  }
0x3c: {  	[tilespmem:s23], [sflag:$0x7] =	stream.linear.gather [hbm4b:s22+s3], $0x2880, $0x38;
	[tilespmem:$0x6880] =	vst v63  }
0x3d: {  	_ =	swait.ge [sflag:s20], $0x2880  }
0x3e: {  	[sflag:s20] =	ssyncset.done $0x0  }
0x3f: {  	s24 =	simm.s32 $0x3100;
	s6 =	sadd.s32 $0xAEC00, s6;
	[sflag:s20] =	ssyncadd.s32 $0xFFFFD780  }
0x40: {  	[tilespmem:s24], [sflag:$0x7] =	stream.linear.gather [hbm4b:s6+s3], $0x2880, $0x38;
	[tilespmem:$0x6880] =	vst v63  }
0x41: {  	_ =	swait.ge [sflag:s20], $0x2880  }
0x42: {  	[sflag:s20] =	ssyncset.done $0x0  }
0x43: {  	s7 =	simm.s32 $0x5D00;
	s6 =	simm.s32 $0x80;
	[sflag:s20] =	ssyncadd.s32 $0xFFFFD780  }
0x44: {  	[tilespmem:s7], [sflag:$0x1] =	stream.indirect.gather [spmem:s2], $0x1, s23, s6, $0xb8;
	[tilespmem:$0x6880] =	vst v63  }
0x45: {  	s25 =	simm.s32 $0x580;
	s9 =	simm.s32 $0x1;
	s8 =	simm.s32 $0x5D80  }
0x46: {  	[tilespmem:s8], [sflag:$0x2] =	stream.indirect.gather [spmem:s2], $0x1, s25, s6, $0xb8;
	[tilespmem:$0x6880] =	vst v63  }
0x47: {  	_ =	swait.ge [sflag:s9], $0x80  }
0x48: {  	[sflag:s9] =	ssyncset.done $0x0  }
0x49: {  	[sflag:s9] =	ssyncadd.s32 $0xFFFFFF80  }
0x4a: {  	[spmem:s1] =	stream.indirect.scatter.add.f32 [tilespmem:s7], [sflag:$0x4], $0x1, s24, s6, $0xb8;
	[tilespmem:$0x6880] =	vst v63  }
0x4b: {  	s12 =	simm.s32 $0x600;
	s13 =	simm.s32 $0x2;
	s11 =	simm.s32 $0x5E00  }
0x4c: {  	[tilespmem:s11], [sflag:$0x3] =	stream.indirect.gather [spmem:s2], $0x1, s12, s6, $0xb8;
	[tilespmem:$0x6880] =	vst v63  }
0x4d: {  	_ =	swait.ge [sflag:s13], $0x80  }
0x4e: {  	[sflag:s13] =	ssyncset.done $0x0  }
0x4f: {  	s26 =	simm.s32 $0x3180;
	s14 =	simm.s32 $0x4;
	[sflag:s13] =	ssyncadd.s32 $0xFFFFFF80  }
0x50: {  	[spmem:s1] =	stream.indirect.scatter.add.f32 [tilespmem:s8], [sflag:$0x5], $0x1, s26, s6, $0xb8;
	[tilespmem:$0x6880] =	vst v63  }
0x51: {  	_ =	swait.ge [sflag:s14], $0x80  }
0x52: {  	[sflag:s14] =	ssyncset.done $0x0  }
0x53: {  	s28 =	simm.s32 $0x680;
	s15 =	simm.s32 $0x3;
	[sflag:s14] =	ssyncadd.s32 $0xFFFFFF80  }
0x54: {  	[tilespmem:s7], [sflag:$0x1] =	stream.indirect.gather [spmem:s2], $0x1, s28, s6, $0xb8;
	[tilespmem:$0x6880] =	vst v63  }
0x55: {  	_ =	swait.ge [sflag:s15], $0x80  }
0x56: {  	s29 =	simm.s32 $0x3200;
	[sflag:s15] =	ssyncset.done $0x0  }
0x57: {  	s16 =	simm.s32 $0x5;
	s10 =	sshrl.u32 s10, $0x3;
	[sflag:s15] =	ssyncadd.s32 $0xFFFFFF80  }
0x58: {  	[spmem:s1] =	stream.indirect.scatter.add.f32 [tilespmem:s11], [sflag:$0x6], $0x1, s29, s6, $0xb8;
	[tilespmem:$0x6880] =	vst v63  }
0x59: {  	s31 =	simm.s32 $0x700;
	s30 =	sadd.s32 s10, s4;
	_ =	swait.ge [sflag:s16], $0x80  }
0x5a: {  	s17 =	simm.s32 $0x6;
	s10 =	sadd.s32 $0xE00, s30;
	[sflag:s16] =	ssyncset.done $0x0  }
0x5b: {  	s4 =	sadd.s32 $0x1400, s30;
	s12 =	sadd.s32 $0x800, s30;
	[sflag:s16] =	ssyncadd.s32 $0xFFFFFF80  }
0x5c: {  	[tilespmem:s8], [sflag:$0x2] =	stream.indirect.gather [spmem:s2], $0x1, s31, s6, $0xb8;
	[tilespmem:$0x6880] =	vst v63  }
.LBB2_2:
0x5d: {  	_ =	swait.ge [sflag:s9], $0x80  }
0x5e: {  	s18 =	sshra.s32 s3, $0x2;
	[sflag:s9] =	ssyncset.done $0x0  }
0x5f: {  	s19 =	sadd.s32 $0x3280, s18;
	[sflag:s9] =	ssyncadd.s32 $0xFFFFFF80  }
0x60: {  	[spmem:s1] =	stream.indirect.scatter.add.f32 [tilespmem:s7], [sflag:$0x4], $0x1, s19, s6, $0xb8;
	[tilespmem:$0x6880] =	vst v63  }
0x61: {  	_ =	swait.ge [sflag:s17], $0x80  }
0x62: {  	[sflag:s17] =	ssyncset.done $0x0  }
0x63: {  	s30 =	sadd.s32 $0x780, s18;
	[sflag:s17] =	ssyncadd.s32 $0xFFFFFF80  }
0x64: {  	[tilespmem:s11], [sflag:$0x3] =	stream.indirect.gather [spmem:s2], $0x1, s30, s6, $0xb8;
	[tilespmem:$0x6880] =	vst v63  }
0x65: {  	_ =	swait.ge [sflag:s13], $0x80  }
0x66: {  	p1 =	seq.s32 s3, $0x9600;
	[sflag:s13] =	ssyncset.done $0x0  }
.Ltmp1:
0x67: {  	s31 =	sadd.s32 $0x3300, s18;
	[sflag:s13] =	ssyncadd.s32 $0xFFFFFF80;
	(pc) =	sbr.rel @p1 .LBB2_4-.Ltmp1, $4  }
0x68: {  	[spmem:s1] =	stream.indirect.scatter.add.f32 [tilespmem:s8], [sflag:$0x5], $0x1, s31, s6, $0xb8;
	[tilespmem:$0x6880] =	vst v63  }
0x69: {  	_ =	swait.ge [sflag:s14], $0x80  }
0x6a: {  	[sflag:s14] =	ssyncset.done $0x0  }
0x6b: {  	[sflag:s14] =	ssyncadd.s32 $0xFFFFFF80  }
0x6c: {  	s19 =	sadd.s32 $0x800, s18  }
0x6d: {  	[tilespmem:s7], [sflag:$0x1] =	stream.indirect.gather [spmem:s2], $0x1, s19, s6, $0xb8;
	[tilespmem:$0x6880] =	vst v63  }
0x6e: {  	_ =	swait.ge [sflag:s15], $0x80  }
0x6f: {  	[sflag:s15] =	ssyncset.done $0x0  }
0x70: {  	s30 =	sadd.s32 $0x3380, s18;
	[sflag:s15] =	ssyncadd.s32 $0xFFFFFF80  }
0x71: {  	[spmem:s1] =	stream.indirect.scatter.add.f32 [tilespmem:s11], [sflag:$0x6], $0x1, s30, s6, $0xb8;
	[tilespmem:$0x6880] =	vst v63  }
.Ltmp2:
0x72: {  	_ = 	snop;
	(pc) =	sbr.rel .LBB2_2-.Ltmp2, $4  }
0x73: {  	_ =	swait.ge [sflag:s16], $0x80  }
0x74: {  	[sflag:s16] =	ssyncset.done $0x0  }
0x75: {  	s31 =	sadd.s32 $0x880, s18;
	s3 =	sadd.s32 $0x600, s3;
	[sflag:s16] =	ssyncadd.s32 $0xFFFFFF80  }
0x76: {  	[tilespmem:s8], [sflag:$0x2] =	stream.indirect.gather [spmem:s2], $0x1, s31, s6, $0xb8;
	[tilespmem:$0x6880] =	vst v63  }
.LBB2_4:
0x77: {  	s2 =	simm.s32 $0x3  }
0x78: {  	_ =	swait.ge [sflag:s2], $0x80  }
0x79: {  	s23 =	sadd.s32 $0x3380, s18;
	s3 =	simm.s32 $0x80;
	[sflag:s2] =	ssyncset.done $0x0  }
0x7a: {  	s6 =	simm.s32 $0x5E00;
	s24 =	simm.s32 $0x5;
	[sflag:s2] =	ssyncadd.s32 $0xFFFFFF80  }
0x7b: {  	[spmem:s1] =	stream.indirect.scatter.add.f32 [tilespmem:s6], [sflag:$0x6], $0x1, s23, s3, $0xb8;
	[tilespmem:$0x6880] =	vst v63  }
0x7c: {  	_ =	swait.ge [sflag:s24], $0x80  }
0x7d: {  	[sflag:s24] =	ssyncset.done $0x0  }
0x7e: {  	s25 =	simm.s32 $0x6;
	[sflag:s24] =	ssyncadd.s32 $0xFFFFFF80  }
0x7f: {  	_ =	swait.ge [sflag:s25], $0x80  }
0x80: {  	[sflag:s25] =	ssyncset.done $0x0  }
0x81: {  	[sflag:s25] =	ssyncadd.s32 $0xFFFFFF80  }
0x82: {  	s26 =	simm.s32 $0x6100;
	s28 =	simm.s32 $0x7;
	[bflag:$0x0] =	sbarrier.arrive $0xFFFF  }
0x83: {  	[tilespmem:s26], [sflag:$0x7] =	stream.linear.gather [spmem:s5], $0x280, $0x38;
	[tilespmem:$0x6880] =	vst v63  }
0x84: {  	_ =	swait.ge [sflag:s28], $0x280  }
0x85: {  	[sflag:s28] =	ssyncset.done $0x0  }
0x86: {  	s29 =	simm.s32 $0x0;
	s30 =	simm.s32 $0x6380;
	[sflag:s28] =	ssyncadd.s32 $0xFFFFFD80  }
0x87: {  	[tilespmem:s30], [sflag:$0x7] =	stream.linear.gather [hbm4b:s12+s29], $0x280, $0x38;
	[tilespmem:$0x6880] =	vst v63  }
0x88: {  	_ =	swait.ge [sflag:s28], $0x280  }
0x89: {  	[sflag:s28] =	ssyncset.done $0x0  }
0x8a: {  	s31 =	simm.s32 $0x6600;
	[sflag:s28] =	ssyncadd.s32 $0xFFFFFD80  }
0x8b: {  	[tilespmem:s31], [sflag:$0x7] =	stream.linear.gather [hbm4b:s10+s29], $0x280, $0x38;
	[tilespmem:$0x6880] =	vst v63  }
0x8c: {  	_ =	swait.ge [sflag:s28], $0x280  }
0x8d: {  	[sflag:s28] =	ssyncset.done $0x0  }
0x8e: {  	s1 =	simm.s32 $0x0;
	[sflag:s28] =	ssyncadd.s32 $0xFFFFFD80  }
0x8f: {  	s2 =	simm.s32 $0x40;
	v0 =	vld [tilespmem:s1+$0x6600]  }
.LBB2_5:
0x90: {  	p1 =	sne.s32 s2, $0x9C0;
	v1 =	vld [tilespmem:s1+$0x6100];
	_ =	sdelay $0x1  }
0x91: {  	v2 =	vld [tilespmem:s1+$0x6380];
	_ =	sdelay $0x2  }
0x92: {  	v0 =	vmul.f32 v0, v1;
	_ =	sdelay $0x1  }
0x93: {  	v0 =	vadd.f32 v0, v2;
	_ =	sdelay $0x1  }
0x94: {  	v0 =	vsub.f32 $0.0e+00, v0;
	_ =	sdelay $0x1  }
0x95: {  	v0 =	vmul.f32 $1.442695020e+00, v0;
	_ =	sdelay $0x1  }
0x96: {  	(erf) = vpow2.f32 v0;
	_ =	sdelay $0x8  }
0x97: {  	v0 =	vpop (erf)  }
0x98: {  	v0 =	vadd.f32 $1.000000000e+00, v0;
	_ =	sdelay $0x1  }
0x99: {  	(erf) = vrcp.f32 v0;
	_ =	sdelay $0x5  }
.Ltmp3:
0x9a: {  	(pc) =	sbr.rel @p1 .LBB2_5-.Ltmp3, $3  }
0x9b: {  	_ =	sdelay $0x1  }
0x9c: {  	s3 =	sshra.s32 s2, $0x2;
	v1 =	vpop (erf)  }
0x9d: {  	s2 =	sadd.s32 $0x40, s2;
	v0 =	vld [tilespmem:s3+$0x6600];
	[tilespmem:s1+$0x6100] =	vst v1;
	s1 =	smov.u32 s3  }
0x9e: {  	v1 =	vld [tilespmem:s1+$0x6100];
	_ =	sdelay $0x1  }
0x9f: {  	v2 =	vld [tilespmem:s1+$0x6380];
	_ =	sdelay $0x2  }
0xa0: {  	v0 =	vmul.f32 v0, v1;
	_ =	sdelay $0x1  }
0xa1: {  	v0 =	vadd.f32 v0, v2;
	_ =	sdelay $0x1  }
0xa2: {  	v0 =	vsub.f32 $0.0e+00, v0;
	_ =	sdelay $0x1  }
0xa3: {  	v0 =	vmul.f32 $1.442695020e+00, v0;
	_ =	sdelay $0x1  }
0xa4: {  	(erf) = vpow2.f32 v0;
	_ =	sdelay $0x8  }
0xa5: {  	v0 =	vpop (erf)  }
0xa6: {  	v0 =	vadd.f32 $1.000000000e+00, v0;
	_ =	sdelay $0x1  }
0xa7: {  	(erf) = vrcp.f32 v0;
	_ =	sdelay $0x8  }
0xa8: {  	v0 =	vpop (erf)  }
0xa9: {  	s30 =	simm.s32 $0x0;
	s2 =	simm.s32 $0x6100;
	s31 =	simm.s32 $0x7;
	[tilespmem:s1+$0x6100] =	vst v0  }
0xaa: {  	[hbm4b:s4+s30] =	stream.linear.scatter [tilespmem:s2], [sflag:$0x7], $0x280, $0x38;
	[tilespmem:$0x6880] =	vst v63  }
0xab: {  	_ =	swait.ge [sflag:s31], $0x280  }
0xac: {  	[sflag:s31] =	ssyncset.done $0x0  }
0xad: {  	[sflag:s31] =	ssyncadd.s32 $0xFFFFFD80  }
.LBB2_7:
0xae: {  	_ =	sfence.sel $0x180000  }
0xaf: {  	[bflag:$0x0] =	sbarrier.arrive $0xFFFF  }
0xb0: {  	_ =	strace $0x9000004A  }
0xb1: {  	s0 =	sadd.s32 @!p0 $0x100000, s0;
	[bflag:$0x2] =	sbarrier.arrive $0xFFFF  }
0xb2: {  	[sflag:s0] =	ssyncadd.tile.s32 @!p0 $0x1;
	_ =	shalt  }
.Lfunc_end2:
_tile_overlayer_lowered:
.L_overlay_start_2:
0xb3: {  	(tag) =	ssettag $0x2  }
0xb4: {  	s0 =	rddreg [dreg:$0x0];
	s2 =	stileid.u32  }
0xb5: {  	s1 =	rddreg [dreg:$0x1];
	p0 =	sne.s32 s2, $0x0  }
0xb6: {  	s3 =	rddreg [dreg:$0x2];
	[bflag:$0x3] =	sbarrier.arrive $0xFFFF;
	s2 =	simm.s32 @!p0 $0x1C07  }
0xb7: {  	[timem:s3], [sflag:s2] =	dma.local @!p0 [hbm:s0], s1  }
0xb8: {  	s0 =	simm.s32 @!p0 $0x7  }
0xb9: {  	_ =	swait.ge @!p0 [sflag:s0], s1  }
0xba: {  	s1 =	ssub.s32 @!p0 $0x0, s1;
	[sflag:s0] =	ssyncset.done @!p0 $0x0  }
0xbb: {  	[sflag:s0] =	ssyncadd.s32 @!p0 s1  }
0xbc: {  	[bflag:$0x3] =	sbarrier.arrive $0xFFFF  }
0xbd: {  	_ =	shalt  }

</sc_bundles>
